<compile_context>
chip_gen: v7x
topology: tpu7x:2x2x1
jax: 0.10.2.dev20260603
libtpu: 0.0.44.dev20260713+nightly
codegen_flags: <defaults>
</compile_context>

<pallas_src>
import jax
import jax.numpy as jnp
from jax import lax
from jax.experimental import pallas as pl
from jax.experimental.pallas import tpu as pltpu
from jax.experimental.pallas import tpu_sc as plsc

_NC = 2
_NS = 16
_NW = _NC * _NS
_L = 16
_CH = 4096
_CHV = _CH // _L
_D = 10


def _sc_body(x_hbm, bins_hbm, out_hbm,
             xb0, xb1, pb0, pb1, ib0, ib1, onesb, binsb, zb,
             si0, si1, so0, so1):
    M = x_hbm.shape[0]
    rows_per_w = M // _NW
    wid = lax.axis_index("s") * _NC + lax.axis_index("c")
    rbase = wid * rows_per_w

    pltpu.sync_copy(bins_hbm, binsb.at[pl.ds(0, 10)])
    vb = binsb[pl.ds(0, _L)]
    thr = [jnp.broadcast_to(vb[k], (_L,)) for k in range(1, 9)]
    vone = jnp.full((_L,), 1.0, jnp.float32)
    vzero = jnp.zeros((_L,), jnp.float32)
    viota = lax.iota(jnp.int32, _L)

    @plsc.parallel_loop(0, _CHV, 1, unroll=8)
    def _(v):
        onesb[pl.ds(v * _L, _L)] = vone

    vo = onesb[pl.ds(0, _L)]
    zb[pl.ds(0, _L)] = vzero
    vz = zb[pl.ds(0, _L)]

    @plsc.parallel_loop(0, 9 * _CHV, 1, unroll=8)
    def _(v):
        pb0[pl.ds(v * _L, _L)] = vzero
        pb1[pl.ds(v * _L, _L)] = vzero

    def _in_copy(xb, si, r, off):
        return pltpu.make_async_copy(x_hbm.at[r, pl.ds(off, _CH)], xb, si)

    def _out_copies(pbk, so, r, off):
        cps = [pltpu.make_async_copy(pbk.at[pl.ds(c * _CH, _CH)],
                                     out_hbm.at[c + 1, r, pl.ds(off, _CH)],
                                     so)
               for c in range(9)]
        cps.append(pltpu.make_async_copy(onesb, out_hbm.at[0, r, pl.ds(off, _CH)], so))
        return cps

    _in_copy(xb0, si0, rbase, 0).start()

    def _bucket(xv):
        acc = jnp.where(xv > thr[0], 1, 0)
        for th in thr[1:]:
            acc = acc + jnp.where(xv > th, 1, 0)
        return acc

    def _chunk(r, k, xb, pbk, ibk, si, so):
        off = k * _CH

        if k == 0:
            _in_copy(xb1, si1, r, _CH).start()
        else:
            @pl.when(r + 1 < rbase + rows_per_w)
            def _():
                _in_copy(xb0, si0, r + 1, 0).start()

        @pl.when(r > rbase)
        def _():
            for cp in _out_copies(pbk, so, r, off):
                cp.wait()

        _in_copy(xb, si, r, off).wait()

        @pl.when(r > rbase)
        def _():
            @plsc.parallel_loop(0, _CHV, 1, unroll=8)
            def _(v):
                old = ibk[pl.ds(v * _L, _L)]
                xv = xb[pl.ds(v * _L, _L)]
                new = _bucket(xv) * _CH + (v * _L + viota)
                ibk[pl.ds(v * _L, _L)] = new
                plsc.store_scatter(pbk, [new], vo)
                plsc.store_scatter(pbk, [old], vz, mask=old != new)

        @pl.when(r == rbase)
        def _():
            @plsc.parallel_loop(0, _CHV, 1, unroll=8)
            def _(v):
                xv = xb[pl.ds(v * _L, _L)]
                new = _bucket(xv) * _CH + (v * _L + viota)
                ibk[pl.ds(v * _L, _L)] = new
                plsc.store_scatter(pbk, [new], vo)

        for cp in _out_copies(pbk, so, r, off):
            cp.start()

    def _row(r, _):
        _chunk(r, 0, xb0, pb0, ib0, si0, so0)
        _chunk(r, 1, xb1, pb1, ib1, si1, so1)
        return 0
    lax.fori_loop(rbase, rbase + rows_per_w, _row, 0)

    last = rbase + rows_per_w - 1
    for cp in _out_copies(pb0, so0, last, 0):
        cp.wait()
    for cp in _out_copies(pb1, so1, last, _CH):
        cp.wait()


def kernel(x, bins):
    M, N = x.shape
    mesh = plsc.VectorSubcoreMesh(core_axis_name="c", subcore_axis_name="s")
    run = pl.kernel(
        _sc_body,
        out_type=jax.ShapeDtypeStruct((_D, M, N), jnp.float32),
        mesh=mesh,
        scratch_types=[
            pltpu.VMEM((_CH,), jnp.float32),
            pltpu.VMEM((_CH,), jnp.float32),
            pltpu.VMEM((9 * _CH,), jnp.float32),
            pltpu.VMEM((9 * _CH,), jnp.float32),
            pltpu.VMEM((_CH,), jnp.int32),
            pltpu.VMEM((_CH,), jnp.int32),
            pltpu.VMEM((_CH,), jnp.float32),
            pltpu.VMEM((16,), jnp.float32),
            pltpu.VMEM((16,), jnp.float32),
            pltpu.SemaphoreType.DMA,
            pltpu.SemaphoreType.DMA,
            pltpu.SemaphoreType.DMA,
            pltpu.SemaphoreType.DMA,
        ],
        compiler_params=pltpu.CompilerParams(needs_layout_passes=False),
    )
    out = run(x, bins)
    return jnp.transpose(out, (1, 2, 0))

# --- scband reference (transcript-rebuilt; emitter-appended) ---
"""Pipeline reference for scband-cut-embedder-bins-74096775790609 (READ-ONLY COPY).

The authoritative reference and input builder live on the scoring server;
editing this copy changes nothing except your own understanding.
"""

import jax, jax.numpy as jnp
import numpy as np

WINDOW_SIZE = 3
N_DIMENSIONS = 10


def setup_inputs(seed: int = 0) -> dict:
    key = jax.random.key(seed)
    x = jax.random.normal(key, (4096, 8192), dtype=jnp.float32)
    bins = jnp.linspace(-WINDOW_SIZE - 1, WINDOW_SIZE + 1, N_DIMENSIONS).astype(jnp.float32)
    return {"x": x, "bins": bins}


def reference(x, bins):
    # torch.searchsorted(bins, x) with default right=False == jnp.searchsorted side='left'
    idx = jnp.clip(jnp.searchsorted(bins, x, side='left') - 1, 0, bins.shape[0] - 2)
    counts = jax.nn.one_hot(idx, bins.shape[0] - 1, dtype=jnp.float32)
    ones = jnp.ones_like(x, dtype=jnp.float32)[..., None]
    z = jnp.concatenate([ones, counts], axis=-1)
    return z

if __name__ == "__main__":
    import jax
    _d = setup_inputs()
    print(jax.jit(kernel)(*tuple(_d.values())))

</pallas_src>

<mosaic_0001>
#map = affine_map<(d0, d1) -> (0, 0)>
#map1 = affine_map<(d0, d1) -> (0)>
#map2 = affine_map<(d0, d1) -> (0, 0, 0)>
module attributes {stable_mosaic.version = 14 : i64} {
  func.func @_sc_body(%arg0: i32, %arg1: i32, %arg2: memref<4096x8192xf32, #tpu.memory_space<hbm>>, %arg3: memref<10xf32, #tpu.memory_space<hbm>>, %arg4: memref<10x4096x8192xf32, #tpu.memory_space<hbm>>, %arg5: memref<4096xf32, #tpu.memory_space<vmem>>, %arg6: memref<4096xf32, #tpu.memory_space<vmem>>, %arg7: memref<36864xf32, #tpu.memory_space<vmem>>, %arg8: memref<36864xf32, #tpu.memory_space<vmem>>, %arg9: memref<4096xi32, #tpu.memory_space<vmem>>, %arg10: memref<4096xi32, #tpu.memory_space<vmem>>, %arg11: memref<4096xf32, #tpu.memory_space<vmem>>, %arg12: memref<16xf32, #tpu.memory_space<vmem>>, %arg13: memref<16xf32, #tpu.memory_space<vmem>>, %arg14: memref<!tpu.dma_semaphore, #tpu.memory_space<semaphore_mem>>, %arg15: memref<!tpu.dma_semaphore, #tpu.memory_space<semaphore_mem>>, %arg16: memref<!tpu.dma_semaphore, #tpu.memory_space<semaphore_mem>>, %arg17: memref<!tpu.dma_semaphore, #tpu.memory_space<semaphore_mem>>) attributes {dimension_semantics = [#tpu.dimension_semantics<core_parallel>, #tpu.dimension_semantics<subcore_parallel>], iteration_bounds = array<i64: 2, 16>, scalar_prefetch = 0 : i64, scratch_operands = 13 : i64, tpu.core_type = #tpu.core_type<sc_vector_subcore>, window_params = [{transform_indices = #map}, {transform_indices = #map1}, {transform_indices = #map2}]} {
    %mul3A = arith.constant 2 : i32
    %mul3A_0 = arith.muli %arg1, %mul3A : i32
    %add3A = arith.addi %mul3A_0, %arg0 : i32
    %mul3A_1 = arith.constant 128 : i32
    %mul3A_2 = arith.muli %add3A, %mul3A_1 : i32
    "tpu.region"() ({
      %run_scoped3A = tpu.sem_alloc : memref<!tpu.dma_semaphore, #tpu.memory_space<semaphore_mem>>
      %dma_start3A_270 = arith.constant 0 : i32
      %dma_start3A_271 = tpu.memref_slice %arg12[%dma_start3A_270] : memref<16xf32, #tpu.memory_space<vmem>> -> memref<10xf32, #tpu.memory_space<vmem>>
      %dma_start3A_272 = arith.constant 0 : i32
      %dma_start3A_273 = tpu.memref_slice %arg12[%dma_start3A_272] : memref<16xf32, #tpu.memory_space<vmem>> -> memref<10xf32, #tpu.memory_space<vmem>>
      tpu.enqueue_dma source(%arg3 : memref<10xf32, #tpu.memory_space<hbm>>) target(%dma_start3A_273 : memref<10xf32, #tpu.memory_space<vmem>>) target_semaphore(%run_scoped3A : memref<!tpu.dma_semaphore, #tpu.memory_space<semaphore_mem>>)
      %dma_wait3A_274 = arith.constant 0 : i32
      %dma_wait3A_275 = tpu.memref_slice %arg12[%dma_wait3A_274] : memref<16xf32, #tpu.memory_space<vmem>> -> memref<10xf32, #tpu.memory_space<vmem>>
      %dma_wait3A_276 = arith.constant 0 : i32
      %dma_wait3A_277 = tpu.memref_slice %arg12[%dma_wait3A_276] : memref<16xf32, #tpu.memory_space<vmem>> -> memref<10xf32, #tpu.memory_space<vmem>>
      tpu.wait_dma2 semaphore(%run_scoped3A : memref<!tpu.dma_semaphore, #tpu.memory_space<semaphore_mem>>) src(%arg3 : memref<10xf32, #tpu.memory_space<hbm>>) dst(%dma_wait3A_277 : memref<10xf32, #tpu.memory_space<vmem>>)
      tpu.yield
    }) : () -> ()
    %get3A = arith.constant 0 : index
    %get3A_3 = tpu.vector_load %arg12[%get3A] {strides = array<i32>} : memref<16xf32, #tpu.memory_space<vmem>>, vector<16xf32>,
    %slice3A = vector.extract_strided_slice %get3A_3 {offsets = [1], sizes = [1], strides = [1]} : vector<16xf32> to vector<1xf32>
    %squeeze3A = vector.extract %slice3A[0] : f32 from vector<1xf32>
    %broadcast_in_dim3A = vector.broadcast %squeeze3A : f32 to vector<16xf32>
    %slice3A_4 = vector.extract_strided_slice %get3A_3 {offsets = [2], sizes = [1], strides = [1]} : vector<16xf32> to vector<1xf32>
    %squeeze3A_5 = vector.extract %slice3A_4[0] : f32 from vector<1xf32>
    %broadcast_in_dim3A_6 = vector.broadcast %squeeze3A_5 : f32 to vector<16xf32>
    %slice3A_7 = vector.extract_strided_slice %get3A_3 {offsets = [3], sizes = [1], strides = [1]} : vector<16xf32> to vector<1xf32>
    %squeeze3A_8 = vector.extract %slice3A_7[0] : f32 from vector<1xf32>
    %broadcast_in_dim3A_9 = vector.broadcast %squeeze3A_8 : f32 to vector<16xf32>
    %slice3A_10 = vector.extract_strided_slice %get3A_3 {offsets = [4], sizes = [1], strides = [1]} : vector<16xf32> to vector<1xf32>
    %squeeze3A_11 = vector.extract %slice3A_10[0] : f32 from vector<1xf32>
    %broadcast_in_dim3A_12 = vector.broadcast %squeeze3A_11 : f32 to vector<16xf32>
    %slice3A_13 = vector.extract_strided_slice %get3A_3 {offsets = [5], sizes = [1], strides = [1]} : vector<16xf32> to vector<1xf32>
    %squeeze3A_14 = vector.extract %slice3A_13[0] : f32 from vector<1xf32>
    %broadcast_in_dim3A_15 = vector.broadcast %squeeze3A_14 : f32 to vector<16xf32>
    %slice3A_16 = vector.extract_strided_slice %get3A_3 {offsets = [6], sizes = [1], strides = [1]} : vector<16xf32> to vector<1xf32>
    %squeeze3A_17 = vector.extract %slice3A_16[0] : f32 from vector<1xf32>
    %broadcast_in_dim3A_18 = vector.broadcast %squeeze3A_17 : f32 to vector<16xf32>
    %slice3A_19 = vector.extract_strided_slice %get3A_3 {offsets = [7], sizes = [1], strides = [1]} : vector<16xf32> to vector<1xf32>
    %squeeze3A_20 = vector.extract %slice3A_19[0] : f32 from vector<1xf32>
    %broadcast_in_dim3A_21 = vector.broadcast %squeeze3A_20 : f32 to vector<16xf32>
    %slice3A_22 = vector.extract_strided_slice %get3A_3 {offsets = [8], sizes = [1], strides = [1]} : vector<16xf32> to vector<1xf32>
    %squeeze3A_23 = vector.extract %slice3A_22[0] : f32 from vector<1xf32>
    %broadcast_in_dim3A_24 = vector.broadcast %squeeze3A_23 : f32 to vector<16xf32>
    %broadcast_in_dim3A_25 = arith.constant 1.000000e+00 : f32
    %broadcast_in_dim3A_26 = vector.broadcast %broadcast_in_dim3A_25 : f32 to vector<16xf32>
    %broadcast_in_dim3A_27 = arith.constant 0.000000e+00 : f32
    %broadcast_in_dim3A_28 = vector.broadcast %broadcast_in_dim3A_27 : f32 to vector<16xf32>
    %iota3A = tpu.iota {dimensions = array<i32: 0>} : vector<16xi32>
    %parallel_loop3A = arith.constant 0 : i32
    %parallel_loop3A_29 = arith.constant 256 : i32
    %parallel_loop3A_30 = arith.constant 1 : i32
    scf.for %parallel_loop3A_270 = %parallel_loop3A to %parallel_loop3A_29 step %parallel_loop3A_30  : i32 {
      %parallel_loop3A_271 = arith.constant 16 : i32
      %parallel_loop3A_272 = arith.muli %parallel_loop3A_270, %parallel_loop3A_271 : i32
      %parallel_loop3A_273 = arith.index_cast %parallel_loop3A_272 : i32 to index
      %parallel_loop3A_274 = tpu.vector_load %arg11[%parallel_loop3A_273] {strides = array<i32>} : memref<4096xf32, #tpu.memory_space<vmem>>, vector<16xf32>,
      tpu.vector_store %arg11[%parallel_loop3A_273], %broadcast_in_dim3A_26 {strides = array<i32>} : memref<4096xf32, #tpu.memory_space<vmem>>, vector<16xf32>,
    } {sc.loop_unroll_factor = 8 : i64, sc.parallel_access}
    %get3A_31 = arith.constant 0 : index
    %get3A_32 = tpu.vector_load %arg11[%get3A_31] {strides = array<i32>} : memref<4096xf32, #tpu.memory_space<vmem>>, vector<16xf32>,
    %swap3A = arith.constant 0 : index
    %swap3A_33 = tpu.vector_load %arg13[%swap3A] {strides = array<i32>} : memref<16xf32, #tpu.memory_space<vmem>>, vector<16xf32>,
    tpu.vector_store %arg13[%swap3A], %broadcast_in_dim3A_28 {strides = array<i32>} : memref<16xf32, #tpu.memory_space<vmem>>, vector<16xf32>,
    %get3A_34 = arith.constant 0 : index
    %get3A_35 = tpu.vector_load %arg13[%get3A_34] {strides = array<i32>} : memref<16xf32, #tpu.memory_space<vmem>>, vector<16xf32>,
    %parallel_loop3A_36 = arith.constant 0 : i32
    %parallel_loop3A_37 = arith.constant 2304 : i32
    %parallel_loop3A_38 = arith.constant 1 : i32
    scf.for %parallel_loop3A_270 = %parallel_loop3A_36 to %parallel_loop3A_37 step %parallel_loop3A_38  : i32 {
      %parallel_loop3A_271 = arith.constant 16 : i32
      %parallel_loop3A_272 = arith.muli %parallel_loop3A_270, %parallel_loop3A_271 : i32
      %parallel_loop3A_273 = arith.index_cast %parallel_loop3A_272 : i32 to index
      %parallel_loop3A_274 = tpu.vector_load %arg7[%parallel_loop3A_273] {strides = array<i32>} : memref<36864xf32, #tpu.memory_space<vmem>>, vector<16xf32>,
      tpu.vector_store %arg7[%parallel_loop3A_273], %broadcast_in_dim3A_28 {strides = array<i32>} : memref<36864xf32, #tpu.memory_space<vmem>>, vector<16xf32>,
      %parallel_loop3A_275 = arith.constant 16 : i32
      %parallel_loop3A_276 = arith.muli %parallel_loop3A_270, %parallel_loop3A_275 : i32
      %parallel_loop3A_277 = arith.index_cast %parallel_loop3A_276 : i32 to index
      %parallel_loop3A_278 = tpu.vector_load %arg8[%parallel_loop3A_277] {strides = array<i32>} : memref<36864xf32, #tpu.memory_space<vmem>>, vector<16xf32>,
      tpu.vector_store %arg8[%parallel_loop3A_277], %broadcast_in_dim3A_28 {strides = array<i32>} : memref<36864xf32, #tpu.memory_space<vmem>>, vector<16xf32>,
    } {sc.loop_unroll_factor = 8 : i64, sc.parallel_access}
    %dma_start3A = arith.constant 0 : i32
    %dma_start3A_39 = tpu.memref_slice %arg2[%mul3A_2, %dma_start3A] : memref<4096x8192xf32, #tpu.memory_space<hbm>> -> memref<1x4096xf32, #tpu.memory_space<hbm>>
    %dma_start3A_40 = tpu.memref_squeeze %dma_start3A_39 : memref<1x4096xf32, #tpu.memory_space<hbm>> -> memref<4096xf32, #tpu.memory_space<hbm>>
    %dma_start3A_41 = arith.constant 0 : i32
    %dma_start3A_42 = tpu.memref_slice %arg2[%mul3A_2, %dma_start3A_41] : memref<4096x8192xf32, #tpu.memory_space<hbm>> -> memref<1x4096xf32, #tpu.memory_space<hbm>>
    %dma_start3A_43 = tpu.memref_squeeze %dma_start3A_42 : memref<1x4096xf32, #tpu.memory_space<hbm>> -> memref<4096xf32, #tpu.memory_space<hbm>>
    tpu.enqueue_dma source(%dma_start3A_43 : memref<4096xf32, #tpu.memory_space<hbm>>) target(%arg5 : memref<4096xf32, #tpu.memory_space<vmem>>) target_semaphore(%arg14 : memref<!tpu.dma_semaphore, #tpu.memory_space<semaphore_mem>>)
    %add3A_44 = arith.constant 128 : i32
    %add3A_45 = arith.addi %mul3A_2, %add3A_44 : i32
    %while3A = arith.constant 0 : i32
    %while3A_46 = arith.subi %add3A_45, %mul3A_2 : i32
    %while3A_47 = arith.addi %mul3A_2, %while3A_46 : i32
    %while3A_48 = arith.constant 1 : i32
    %while3A_49 = arith.divsi %while3A_46, %while3A_48 : i32
    %while3A_50 = arith.muli %while3A_49, %while3A_48 : i32
    %while3A_51 = arith.addi %mul3A_2, %while3A_50 : i32
    %while3A_52 = arith.constant 1 : i32
    %while3A_53 = scf.for %while3A_270 = %mul3A_2 to %while3A_51 step %while3A_52 iter_args(%while3A_271 = %while3A) -> (i32)  : i32 {
      %dma_start3A_272 = arith.constant 4096 : i32
      %dma_start3A_273 = tpu.memref_slice %arg2[%while3A_270, %dma_start3A_272] : memref<4096x8192xf32, #tpu.memory_space<hbm>> -> memref<1x4096xf32, #tpu.memory_space<hbm>>
      %dma_start3A_274 = tpu.memref_squeeze %dma_start3A_273 : memref<1x4096xf32, #tpu.memory_space<hbm>> -> memref<4096xf32, #tpu.memory_space<hbm>>
      %dma_start3A_275 = arith.constant 4096 : i32
      %dma_start3A_276 = tpu.memref_slice %arg2[%while3A_270, %dma_start3A_275] : memref<4096x8192xf32, #tpu.memory_space<hbm>> -> memref<1x4096xf32, #tpu.memory_space<hbm>>
      %dma_start3A_277 = tpu.memref_squeeze %dma_start3A_276 : memref<1x4096xf32, #tpu.memory_space<hbm>> -> memref<4096xf32, #tpu.memory_space<hbm>>
      tpu.enqueue_dma source(%dma_start3A_277 : memref<4096xf32, #tpu.memory_space<hbm>>) target(%arg6 : memref<4096xf32, #tpu.memory_space<vmem>>) target_semaphore(%arg15 : memref<!tpu.dma_semaphore, #tpu.memory_space<semaphore_mem>>)
      %gt3A = arith.cmpi sgt, %while3A_270, %mul3A_2 : i32
      %convert_element_type3A = arith.extui %gt3A : i1 to i32
      %cond3A = arith.constant 0 : i32
      %cond3A_278 = arith.cmpi ne, %convert_element_type3A, %cond3A : i32
      scf.if %cond3A_278 {
        %dma_wait3A_530 = arith.constant 1 : i32
        %dma_wait3A_531 = arith.constant 0 : i32
        %dma_wait3A_532 = tpu.memref_slice %arg7[%dma_wait3A_531] : memref<36864xf32, #tpu.memory_space<vmem>> -> memref<4096xf32, #tpu.memory_space<vmem>>
        %dma_wait3A_533 = arith.constant 0 : i32
        %dma_wait3A_534 = tpu.memref_slice %arg4[%dma_wait3A_530, %while3A_270, %dma_wait3A_533] : memref<10x4096x8192xf32, #tpu.memory_space<hbm>> -> memref<1x1x4096xf32, #tpu.memory_space<hbm>>
        %dma_wait3A_535 = tpu.memref_squeeze %dma_wait3A_534 : memref<1x1x4096xf32, #tpu.memory_space<hbm>> -> memref<4096xf32, #tpu.memory_space<hbm>>
        %dma_wait3A_536 = arith.constant 0 : i32
        %dma_wait3A_537 = tpu.memref_slice %arg4[%dma_wait3A_530, %while3A_270, %dma_wait3A_536] : memref<10x4096x8192xf32, #tpu.memory_space<hbm>> -> memref<1x1x4096xf32, #tpu.memory_space<hbm>>
        %dma_wait3A_538 = tpu.memref_squeeze %dma_wait3A_537 : memref<1x1x4096xf32, #tpu.memory_space<hbm>> -> memref<4096xf32, #tpu.memory_space<hbm>>
        %dma_wait3A_539 = arith.constant 0 : i32
        %dma_wait3A_540 = tpu.memref_slice %arg7[%dma_wait3A_539] : memref<36864xf32, #tpu.memory_space<vmem>> -> memref<4096xf32, #tpu.memory_space<vmem>>
        tpu.wait_dma2 semaphore(%arg16 : memref<!tpu.dma_semaphore, #tpu.memory_space<semaphore_mem>>) src(%dma_wait3A_540 : memref<4096xf32, #tpu.memory_space<vmem>>) dst(%dma_wait3A_538 : memref<4096xf32, #tpu.memory_space<hbm>>)
        %dma_wait3A_541 = arith.constant 2 : i32
        %dma_wait3A_542 = arith.constant 4096 : i32
        %dma_wait3A_543 = tpu.memref_slice %arg7[%dma_wait3A_542] : memref<36864xf32, #tpu.memory_space<vmem>> -> memref<4096xf32, #tpu.memory_space<vmem>>
        %dma_wait3A_544 = arith.constant 0 : i32
        %dma_wait3A_545 = tpu.memref_slice %arg4[%dma_wait3A_541, %while3A_270, %dma_wait3A_544] : memref<10x4096x8192xf32, #tpu.memory_space<hbm>> -> memref<1x1x4096xf32, #tpu.memory_space<hbm>>
        %dma_wait3A_546 = tpu.memref_squeeze %dma_wait3A_545 : memref<1x1x4096xf32, #tpu.memory_space<hbm>> -> memref<4096xf32, #tpu.memory_space<hbm>>
        %dma_wait3A_547 = arith.constant 0 : i32
        %dma_wait3A_548 = tpu.memref_slice %arg4[%dma_wait3A_541, %while3A_270, %dma_wait3A_547] : memref<10x4096x8192xf32, #tpu.memory_space<hbm>> -> memref<1x1x4096xf32, #tpu.memory_space<hbm>>
        %dma_wait3A_549 = tpu.memref_squeeze %dma_wait3A_548 : memref<1x1x4096xf32, #tpu.memory_space<hbm>> -> memref<4096xf32, #tpu.memory_space<hbm>>
        %dma_wait3A_550 = arith.constant 4096 : i32
        %dma_wait3A_551 = tpu.memref_slice %arg7[%dma_wait3A_550] : memref<36864xf32, #tpu.memory_space<vmem>> -> memref<4096xf32, #tpu.memory_space<vmem>>
        tpu.wait_dma2 semaphore(%arg16 : memref<!tpu.dma_semaphore, #tpu.memory_space<semaphore_mem>>) src(%dma_wait3A_551 : memref<4096xf32, #tpu.memory_space<vmem>>) dst(%dma_wait3A_549 : memref<4096xf32, #tpu.memory_space<hbm>>)
        %dma_wait3A_552 = arith.constant 3 : i32
        %dma_wait3A_553 = arith.constant 8192 : i32
        %dma_wait3A_554 = tpu.memref_slice %arg7[%dma_wait3A_553] : memref<36864xf32, #tpu.memory_space<vmem>> -> memref<4096xf32, #tpu.memory_space<vmem>>
        %dma_wait3A_555 = arith.constant 0 : i32
        %dma_wait3A_556 = tpu.memref_slice %arg4[%dma_wait3A_552, %while3A_270, %dma_wait3A_555] : memref<10x4096x8192xf32, #tpu.memory_space<hbm>> -> memref<1x1x4096xf32, #tpu.memory_space<hbm>>
        %dma_wait3A_557 = tpu.memref_squeeze %dma_wait3A_556 : memref<1x1x4096xf32, #tpu.memory_space<hbm>> -> memref<4096xf32, #tpu.memory_space<hbm>>
        %dma_wait3A_558 = arith.constant 0 : i32
        %dma_wait3A_559 = tpu.memref_slice %arg4[%dma_wait3A_552, %while3A_270, %dma_wait3A_558] : memref<10x4096x8192xf32, #tpu.memory_space<hbm>> -> memref<1x1x4096xf32, #tpu.memory_space<hbm>>
        %dma_wait3A_560 = tpu.memref_squeeze %dma_wait3A_559 : memref<1x1x4096xf32, #tpu.memory_space<hbm>> -> memref<4096xf32, #tpu.memory_space<hbm>>
        %dma_wait3A_561 = arith.constant 8192 : i32
        %dma_wait3A_562 = tpu.memref_slice %arg7[%dma_wait3A_561] : memref<36864xf32, #tpu.memory_space<vmem>> -> memref<4096xf32, #tpu.memory_space<vmem>>
        tpu.wait_dma2 semaphore(%arg16 : memref<!tpu.dma_semaphore, #tpu.memory_space<semaphore_mem>>) src(%dma_wait3A_562 : memref<4096xf32, #tpu.memory_space<vmem>>) dst(%dma_wait3A_560 : memref<4096xf32, #tpu.memory_space<hbm>>)
        %dma_wait3A_563 = arith.constant 4 : i32
        %dma_wait3A_564 = arith.constant 12288 : i32
        %dma_wait3A_565 = tpu.memref_slice %arg7[%dma_wait3A_564] : memref<36864xf32, #tpu.memory_space<vmem>> -> memref<4096xf32, #tpu.memory_space<vmem>>
        %dma_wait3A_566 = arith.constant 0 : i32
        %dma_wait3A_567 = tpu.memref_slice %arg4[%dma_wait3A_563, %while3A_270, %dma_wait3A_566] : memref<10x4096x8192xf32, #tpu.memory_space<hbm>> -> memref<1x1x4096xf32, #tpu.memory_space<hbm>>
        %dma_wait3A_568 = tpu.memref_squeeze %dma_wait3A_567 : memref<1x1x4096xf32, #tpu.memory_space<hbm>> -> memref<4096xf32, #tpu.memory_space<hbm>>
        %dma_wait3A_569 = arith.constant 0 : i32
        %dma_wait3A_570 = tpu.memref_slice %arg4[%dma_wait3A_563, %while3A_270, %dma_wait3A_569] : memref<10x4096x8192xf32, #tpu.memory_space<hbm>> -> memref<1x1x4096xf32, #tpu.memory_space<hbm>>
        %dma_wait3A_571 = tpu.memref_squeeze %dma_wait3A_570 : memref<1x1x4096xf32, #tpu.memory_space<hbm>> -> memref<4096xf32, #tpu.memory_space<hbm>>
        %dma_wait3A_572 = arith.constant 12288 : i32
        %dma_wait3A_573 = tpu.memref_slice %arg7[%dma_wait3A_572] : memref<36864xf32, #tpu.memory_space<vmem>> -> memref<4096xf32, #tpu.memory_space<vmem>>
        tpu.wait_dma2 semaphore(%arg16 : memref<!tpu.dma_semaphore, #tpu.memory_space<semaphore_mem>>) src(%dma_wait3A_573 : memref<4096xf32, #tpu.memory_space<vmem>>) dst(%dma_wait3A_571 : memref<4096xf32, #tpu.memory_space<hbm>>)
        %dma_wait3A_574 = arith.constant 5 : i32
        %dma_wait3A_575 = arith.constant 16384 : i32
        %dma_wait3A_576 = tpu.memref_slice %arg7[%dma_wait3A_575] : memref<36864xf32, #tpu.memory_space<vmem>> -> memref<4096xf32, #tpu.memory_space<vmem>>
        %dma_wait3A_577 = arith.constant 0 : i32
        %dma_wait3A_578 = tpu.memref_slice %arg4[%dma_wait3A_574, %while3A_270, %dma_wait3A_577] : memref<10x4096x8192xf32, #tpu.memory_space<hbm>> -> memref<1x1x4096xf32, #tpu.memory_space<hbm>>
        %dma_wait3A_579 = tpu.memref_squeeze %dma_wait3A_578 : memref<1x1x4096xf32, #tpu.memory_space<hbm>> -> memref<4096xf32, #tpu.memory_space<hbm>>
        %dma_wait3A_580 = arith.constant 0 : i32
        %dma_wait3A_581 = tpu.memref_slice %arg4[%dma_wait3A_574, %while3A_270, %dma_wait3A_580] : memref<10x4096x8192xf32, #tpu.memory_space<hbm>> -> memref<1x1x4096xf32, #tpu.memory_space<hbm>>
        %dma_wait3A_582 = tpu.memref_squeeze %dma_wait3A_581 : memref<1x1x4096xf32, #tpu.memory_space<hbm>> -> memref<4096xf32, #tpu.memory_space<hbm>>
        %dma_wait3A_583 = arith.constant 16384 : i32
        %dma_wait3A_584 = tpu.memref_slice %arg7[%dma_wait3A_583] : memref<36864xf32, #tpu.memory_space<vmem>> -> memref<4096xf32, #tpu.memory_space<vmem>>
        tpu.wait_dma2 semaphore(%arg16 : memref<!tpu.dma_semaphore, #tpu.memory_space<semaphore_mem>>) src(%dma_wait3A_584 : memref<4096xf32, #tpu.memory_space<vmem>>) dst(%dma_wait3A_582 : memref<4096xf32, #tpu.memory_space<hbm>>)
        %dma_wait3A_585 = arith.constant 6 : i32
        %dma_wait3A_586 = arith.constant 20480 : i32
        %dma_wait3A_587 = tpu.memref_slice %arg7[%dma_wait3A_586] : memref<36864xf32, #tpu.memory_space<vmem>> -> memref<4096xf32, #tpu.memory_space<vmem>>
        %dma_wait3A_588 = arith.constant 0 : i32
        %dma_wait3A_589 = tpu.memref_slice %arg4[%dma_wait3A_585, %while3A_270, %dma_wait3A_588] : memref<10x4096x8192xf32, #tpu.memory_space<hbm>> -> memref<1x1x4096xf32, #tpu.memory_space<hbm>>
        %dma_wait3A_590 = tpu.memref_squeeze %dma_wait3A_589 : memref<1x1x4096xf32, #tpu.memory_space<hbm>> -> memref<4096xf32, #tpu.memory_space<hbm>>
        %dma_wait3A_591 = arith.constant 0 : i32
        %dma_wait3A_592 = tpu.memref_slice %arg4[%dma_wait3A_585, %while3A_270, %dma_wait3A_591] : memref<10x4096x8192xf32, #tpu.memory_space<hbm>> -> memref<1x1x4096xf32, #tpu.memory_space<hbm>>
        %dma_wait3A_593 = tpu.memref_squeeze %dma_wait3A_592 : memref<1x1x4096xf32, #tpu.memory_space<hbm>> -> memref<4096xf32, #tpu.memory_space<hbm>>
        %dma_wait3A_594 = arith.constant 20480 : i32
        %dma_wait3A_595 = tpu.memref_slice %arg7[%dma_wait3A_594] : memref<36864xf32, #tpu.memory_space<vmem>> -> memref<4096xf32, #tpu.memory_space<vmem>>
        tpu.wait_dma2 semaphore(%arg16 : memref<!tpu.dma_semaphore, #tpu.memory_space<semaphore_mem>>) src(%dma_wait3A_595 : memref<4096xf32, #tpu.memory_space<vmem>>) dst(%dma_wait3A_593 : memref<4096xf32, #tpu.memory_space<hbm>>)
        %dma_wait3A_596 = arith.constant 7 : i32
        %dma_wait3A_597 = arith.constant 24576 : i32
        %dma_wait3A_598 = tpu.memref_slice %arg7[%dma_wait3A_597] : memref<36864xf32, #tpu.memory_space<vmem>> -> memref<4096xf32, #tpu.memory_space<vmem>>
        %dma_wait3A_599 = arith.constant 0 : i32
        %dma_wait3A_600 = tpu.memref_slice %arg4[%dma_wait3A_596, %while3A_270, %dma_wait3A_599] : memref<10x4096x8192xf32, #tpu.memory_space<hbm>> -> memref<1x1x4096xf32, #tpu.memory_space<hbm>>
        %dma_wait3A_601 = tpu.memref_squeeze %dma_wait3A_600 : memref<1x1x4096xf32, #tpu.memory_space<hbm>> -> memref<4096xf32, #tpu.memory_space<hbm>>
        %dma_wait3A_602 = arith.constant 0 : i32
        %dma_wait3A_603 = tpu.memref_slice %arg4[%dma_wait3A_596, %while3A_270, %dma_wait3A_602] : memref<10x4096x8192xf32, #tpu.memory_space<hbm>> -> memref<1x1x4096xf32, #tpu.memory_space<hbm>>
        %dma_wait3A_604 = tpu.memref_squeeze %dma_wait3A_603 : memref<1x1x4096xf32, #tpu.memory_space<hbm>> -> memref<4096xf32, #tpu.memory_space<hbm>>
        %dma_wait3A_605 = arith.constant 24576 : i32
        %dma_wait3A_606 = tpu.memref_slice %arg7[%dma_wait3A_605] : memref<36864xf32, #tpu.memory_space<vmem>> -> memref<4096xf32, #tpu.memory_space<vmem>>
        tpu.wait_dma2 semaphore(%arg16 : memref<!tpu.dma_semaphore, #tpu.memory_space<semaphore_mem>>) src(%dma_wait3A_606 : memref<4096xf32, #tpu.memory_space<vmem>>) dst(%dma_wait3A_604 : memref<4096xf32, #tpu.memory_space<hbm>>)
        %dma_wait3A_607 = arith.constant 8 : i32
        %dma_wait3A_608 = arith.constant 28672 : i32
        %dma_wait3A_609 = tpu.memref_slice %arg7[%dma_wait3A_608] : memref<36864xf32, #tpu.memory_space<vmem>> -> memref<4096xf32, #tpu.memory_space<vmem>>
        %dma_wait3A_610 = arith.constant 0 : i32
        %dma_wait3A_611 = tpu.memref_slice %arg4[%dma_wait3A_607, %while3A_270, %dma_wait3A_610] : memref<10x4096x8192xf32, #tpu.memory_space<hbm>> -> memref<1x1x4096xf32, #tpu.memory_space<hbm>>
        %dma_wait3A_612 = tpu.memref_squeeze %dma_wait3A_611 : memref<1x1x4096xf32, #tpu.memory_space<hbm>> -> memref<4096xf32, #tpu.memory_space<hbm>>
        %dma_wait3A_613 = arith.constant 0 : i32
        %dma_wait3A_614 = tpu.memref_slice %arg4[%dma_wait3A_607, %while3A_270, %dma_wait3A_613] : memref<10x4096x8192xf32, #tpu.memory_space<hbm>> -> memref<1x1x4096xf32, #tpu.memory_space<hbm>>
        %dma_wait3A_615 = tpu.memref_squeeze %dma_wait3A_614 : memref<1x1x4096xf32, #tpu.memory_space<hbm>> -> memref<4096xf32, #tpu.memory_space<hbm>>
        %dma_wait3A_616 = arith.constant 28672 : i32
        %dma_wait3A_617 = tpu.memref_slice %arg7[%dma_wait3A_616] : memref<36864xf32, #tpu.memory_space<vmem>> -> memref<4096xf32, #tpu.memory_space<vmem>>
        tpu.wait_dma2 semaphore(%arg16 : memref<!tpu.dma_semaphore, #tpu.memory_space<semaphore_mem>>) src(%dma_wait3A_617 : memref<4096xf32, #tpu.memory_space<vmem>>) dst(%dma_wait3A_615 : memref<4096xf32, #tpu.memory_space<hbm>>)
        %dma_wait3A_618 = arith.constant 9 : i32
        %dma_wait3A_619 = arith.constant 32768 : i32
        %dma_wait3A_620 = tpu.memref_slice %arg7[%dma_wait3A_619] : memref<36864xf32, #tpu.memory_space<vmem>> -> memref<4096xf32, #tpu.memory_space<vmem>>
        %dma_wait3A_621 = arith.constant 0 : i32
        %dma_wait3A_622 = tpu.memref_slice %arg4[%dma_wait3A_618, %while3A_270, %dma_wait3A_621] : memref<10x4096x8192xf32, #tpu.memory_space<hbm>> -> memref<1x1x4096xf32, #tpu.memory_space<hbm>>
        %dma_wait3A_623 = tpu.memref_squeeze %dma_wait3A_622 : memref<1x1x4096xf32, #tpu.memory_space<hbm>> -> memref<4096xf32, #tpu.memory_space<hbm>>
        %dma_wait3A_624 = arith.constant 0 : i32
        %dma_wait3A_625 = tpu.memref_slice %arg4[%dma_wait3A_618, %while3A_270, %dma_wait3A_624] : memref<10x4096x8192xf32, #tpu.memory_space<hbm>> -> memref<1x1x4096xf32, #tpu.memory_space<hbm>>
        %dma_wait3A_626 = tpu.memref_squeeze %dma_wait3A_625 : memref<1x1x4096xf32, #tpu.memory_space<hbm>> -> memref<4096xf32, #tpu.memory_space<hbm>>
        %dma_wait3A_627 = arith.constant 32768 : i32
        %dma_wait3A_628 = tpu.memref_slice %arg7[%dma_wait3A_627] : memref<36864xf32, #tpu.memory_space<vmem>> -> memref<4096xf32, #tpu.memory_space<vmem>>
        tpu.wait_dma2 semaphore(%arg16 : memref<!tpu.dma_semaphore, #tpu.memory_space<semaphore_mem>>) src(%dma_wait3A_628 : memref<4096xf32, #tpu.memory_space<vmem>>) dst(%dma_wait3A_626 : memref<4096xf32, #tpu.memory_space<hbm>>)
        %dma_wait3A_629 = arith.constant 0 : i32
        %dma_wait3A_630 = arith.constant 0 : i32
        %dma_wait3A_631 = tpu.memref_slice %arg4[%dma_wait3A_629, %while3A_270, %dma_wait3A_630] : memref<10x4096x8192xf32, #tpu.memory_space<hbm>> -> memref<1x1x4096xf32, #tpu.memory_space<hbm>>
        %dma_wait3A_632 = tpu.memref_squeeze %dma_wait3A_631 : memref<1x1x4096xf32, #tpu.memory_space<hbm>> -> memref<4096xf32, #tpu.memory_space<hbm>>
        %dma_wait3A_633 = arith.constant 0 : i32
        %dma_wait3A_634 = tpu.memref_slice %arg4[%dma_wait3A_629, %while3A_270, %dma_wait3A_633] : memref<10x4096x8192xf32, #tpu.memory_space<hbm>> -> memref<1x1x4096xf32, #tpu.memory_space<hbm>>
        %dma_wait3A_635 = tpu.memref_squeeze %dma_wait3A_634 : memref<1x1x4096xf32, #tpu.memory_space<hbm>> -> memref<4096xf32, #tpu.memory_space<hbm>>
        tpu.wait_dma2 semaphore(%arg16 : memref<!tpu.dma_semaphore, #tpu.memory_space<semaphore_mem>>) src(%arg11 : memref<4096xf32, #tpu.memory_space<vmem>>) dst(%dma_wait3A_635 : memref<4096xf32, #tpu.memory_space<hbm>>)
      } else {
      }
      %dma_wait3A_279 = arith.constant 0 : i32
      %dma_wait3A_280 = tpu.memref_slice %arg2[%while3A_270, %dma_wait3A_279] : memref<4096x8192xf32, #tpu.memory_space<hbm>> -> memref<1x4096xf32, #tpu.memory_space<hbm>>
      %dma_wait3A_281 = tpu.memref_squeeze %dma_wait3A_280 : memref<1x4096xf32, #tpu.memory_space<hbm>> -> memref<4096xf32, #tpu.memory_space<hbm>>
      %dma_wait3A_282 = arith.constant 0 : i32
      %dma_wait3A_283 = tpu.memref_slice %arg2[%while3A_270, %dma_wait3A_282] : memref<4096x8192xf32, #tpu.memory_space<hbm>> -> memref<1x4096xf32, #tpu.memory_space<hbm>>
      %dma_wait3A_284 = tpu.memref_squeeze %dma_wait3A_283 : memref<1x4096xf32, #tpu.memory_space<hbm>> -> memref<4096xf32, #tpu.memory_space<hbm>>
      tpu.wait_dma2 semaphore(%arg14 : memref<!tpu.dma_semaphore, #tpu.memory_space<semaphore_mem>>) src(%dma_wait3A_284 : memref<4096xf32, #tpu.memory_space<hbm>>) dst(%arg5 : memref<4096xf32, #tpu.memory_space<vmem>>)
      %gt3A_285 = arith.cmpi sgt, %while3A_270, %mul3A_2 : i32
      %convert_element_type3A_286 = arith.extui %gt3A_285 : i1 to i32
      %cond3A_287 = arith.constant 0 : i32
      %cond3A_288 = arith.cmpi ne, %convert_element_type3A_286, %cond3A_287 : i32
      scf.if %cond3A_288 {
        %parallel_loop3A_530 = arith.constant 0 : i32
        %parallel_loop3A_531 = arith.constant 256 : i32
        %parallel_loop3A_532 = arith.constant 1 : i32
        scf.for %parallel_loop3A_533 = %parallel_loop3A_530 to %parallel_loop3A_531 step %parallel_loop3A_532  : i32 {
          %parallel_loop3A_534 = arith.constant 16 : i32
          %parallel_loop3A_535 = arith.muli %parallel_loop3A_533, %parallel_loop3A_534 : i32
          %parallel_loop3A_536 = arith.index_cast %parallel_loop3A_535 : i32 to index
          %parallel_loop3A_537 = tpu.vector_load %arg9[%parallel_loop3A_536] {strides = array<i32>} : memref<4096xi32, #tpu.memory_space<vmem>>, vector<16xi32>,
          %parallel_loop3A_538 = arith.constant 16 : i32
          %parallel_loop3A_539 = arith.muli %parallel_loop3A_533, %parallel_loop3A_538 : i32
          %parallel_loop3A_540 = arith.index_cast %parallel_loop3A_539 : i32 to index
          %parallel_loop3A_541 = tpu.vector_load %arg5[%parallel_loop3A_540] {strides = array<i32>} : memref<4096xf32, #tpu.memory_space<vmem>>, vector<16xf32>,
          %parallel_loop3A_542 = arith.cmpf ogt, %parallel_loop3A_541, %broadcast_in_dim3A : vector<16xf32>
          %parallel_loop3A_543 = arith.constant 1 : i32
          %parallel_loop3A_544 = arith.constant 0 : i32
          %parallel_loop3A_545 = vector.broadcast %parallel_loop3A_543 : i32 to vector<16xi32>
          %parallel_loop3A_546 = vector.broadcast %parallel_loop3A_544 : i32 to vector<16xi32>
          %parallel_loop3A_547 = arith.select %parallel_loop3A_542, %parallel_loop3A_545, %parallel_loop3A_546 : vector<16xi1>, vector<16xi32>
          %parallel_loop3A_548 = arith.cmpf ogt, %parallel_loop3A_541, %broadcast_in_dim3A_6 : vector<16xf32>
          %parallel_loop3A_549 = arith.constant 1 : i32
          %parallel_loop3A_550 = arith.constant 0 : i32
          %parallel_loop3A_551 = vector.broadcast %parallel_loop3A_549 : i32 to vector<16xi32>
          %parallel_loop3A_552 = vector.broadcast %parallel_loop3A_550 : i32 to vector<16xi32>
          %parallel_loop3A_553 = arith.select %parallel_loop3A_548, %parallel_loop3A_551, %parallel_loop3A_552 : vector<16xi1>, vector<16xi32>
          %parallel_loop3A_554 = arith.addi %parallel_loop3A_547, %parallel_loop3A_553 : vector<16xi32>
          %parallel_loop3A_555 = arith.cmpf ogt, %parallel_loop3A_541, %broadcast_in_dim3A_9 : vector<16xf32>
          %parallel_loop3A_556 = arith.constant 1 : i32
          %parallel_loop3A_557 = arith.constant 0 : i32
          %parallel_loop3A_558 = vector.broadcast %parallel_loop3A_556 : i32 to vector<16xi32>
          %parallel_loop3A_559 = vector.broadcast %parallel_loop3A_557 : i32 to vector<16xi32>
          %parallel_loop3A_560 = arith.select %parallel_loop3A_555, %parallel_loop3A_558, %parallel_loop3A_559 : vector<16xi1>, vector<16xi32>
          %parallel_loop3A_561 = arith.addi %parallel_loop3A_554, %parallel_loop3A_560 : vector<16xi32>
          %parallel_loop3A_562 = arith.cmpf ogt, %parallel_loop3A_541, %broadcast_in_dim3A_12 : vector<16xf32>
          %parallel_loop3A_563 = arith.constant 1 : i32
          %parallel_loop3A_564 = arith.constant 0 : i32
          %parallel_loop3A_565 = vector.broadcast %parallel_loop3A_563 : i32 to vector<16xi32>
          %parallel_loop3A_566 = vector.broadcast %parallel_loop3A_564 : i32 to vector<16xi32>
          %parallel_loop3A_567 = arith.select %parallel_loop3A_562, %parallel_loop3A_565, %parallel_loop3A_566 : vector<16xi1>, vector<16xi32>
          %parallel_loop3A_568 = arith.addi %parallel_loop3A_561, %parallel_loop3A_567 : vector<16xi32>
          %parallel_loop3A_569 = arith.cmpf ogt, %parallel_loop3A_541, %broadcast_in_dim3A_15 : vector<16xf32>
          %parallel_loop3A_570 = arith.constant 1 : i32
          %parallel_loop3A_571 = arith.constant 0 : i32
          %parallel_loop3A_572 = vector.broadcast %parallel_loop3A_570 : i32 to vector<16xi32>
          %parallel_loop3A_573 = vector.broadcast %parallel_loop3A_571 : i32 to vector<16xi32>
          %parallel_loop3A_574 = arith.select %parallel_loop3A_569, %parallel_loop3A_572, %parallel_loop3A_573 : vector<16xi1>, vector<16xi32>
          %parallel_loop3A_575 = arith.addi %parallel_loop3A_568, %parallel_loop3A_574 : vector<16xi32>
          %parallel_loop3A_576 = arith.cmpf ogt, %parallel_loop3A_541, %broadcast_in_dim3A_18 : vector<16xf32>
          %parallel_loop3A_577 = arith.constant 1 : i32
          %parallel_loop3A_578 = arith.constant 0 : i32
          %parallel_loop3A_579 = vector.broadcast %parallel_loop3A_577 : i32 to vector<16xi32>
          %parallel_loop3A_580 = vector.broadcast %parallel_loop3A_578 : i32 to vector<16xi32>
          %parallel_loop3A_581 = arith.select %parallel_loop3A_576, %parallel_loop3A_579, %parallel_loop3A_580 : vector<16xi1>, vector<16xi32>
          %parallel_loop3A_582 = arith.addi %parallel_loop3A_575, %parallel_loop3A_581 : vector<16xi32>
          %parallel_loop3A_583 = arith.cmpf ogt, %parallel_loop3A_541, %broadcast_in_dim3A_21 : vector<16xf32>
          %parallel_loop3A_584 = arith.constant 1 : i32
          %parallel_loop3A_585 = arith.constant 0 : i32
          %parallel_loop3A_586 = vector.broadcast %parallel_loop3A_584 : i32 to vector<16xi32>
          %parallel_loop3A_587 = vector.broadcast %parallel_loop3A_585 : i32 to vector<16xi32>
          %parallel_loop3A_588 = arith.select %parallel_loop3A_583, %parallel_loop3A_586, %parallel_loop3A_587 : vector<16xi1>, vector<16xi32>
          %parallel_loop3A_589 = arith.addi %parallel_loop3A_582, %parallel_loop3A_588 : vector<16xi32>
          %parallel_loop3A_590 = arith.cmpf ogt, %parallel_loop3A_541, %broadcast_in_dim3A_24 : vector<16xf32>
          %parallel_loop3A_591 = arith.constant 1 : i32
          %parallel_loop3A_592 = arith.constant 0 : i32
          %parallel_loop3A_593 = vector.broadcast %parallel_loop3A_591 : i32 to vector<16xi32>
          %parallel_loop3A_594 = vector.broadcast %parallel_loop3A_592 : i32 to vector<16xi32>
          %parallel_loop3A_595 = arith.select %parallel_loop3A_590, %parallel_loop3A_593, %parallel_loop3A_594 : vector<16xi1>, vector<16xi32>
          %parallel_loop3A_596 = arith.addi %parallel_loop3A_589, %parallel_loop3A_595 : vector<16xi32>
          %parallel_loop3A_597 = arith.constant 4096 : i32
          %parallel_loop3A_598 = vector.broadcast %parallel_loop3A_597 : i32 to vector<16xi32>
          %parallel_loop3A_599 = arith.muli %parallel_loop3A_596, %parallel_loop3A_598 : vector<16xi32>
          %parallel_loop3A_600 = arith.constant 16 : i32
          %parallel_loop3A_601 = arith.muli %parallel_loop3A_533, %parallel_loop3A_600 : i32
          %parallel_loop3A_602 = vector.broadcast %parallel_loop3A_601 : i32 to vector<16xi32>
          %parallel_loop3A_603 = arith.addi %parallel_loop3A_602, %iota3A : vector<16xi32>
          %parallel_loop3A_604 = arith.addi %parallel_loop3A_599, %parallel_loop3A_603 : vector<16xi32>
          %parallel_loop3A_605 = arith.constant 16 : i32
          %parallel_loop3A_606 = arith.muli %parallel_loop3A_533, %parallel_loop3A_605 : i32
          %parallel_loop3A_607 = arith.index_cast %parallel_loop3A_606 : i32 to index
          %parallel_loop3A_608 = tpu.vector_load %arg9[%parallel_loop3A_607] {strides = array<i32>} : memref<4096xi32, #tpu.memory_space<vmem>>, vector<16xi32>,
          tpu.vector_store %arg9[%parallel_loop3A_607], %parallel_loop3A_604 {strides = array<i32>} : memref<4096xi32, #tpu.memory_space<vmem>>, vector<16xi32>,
          tpu.vector_store_idx %arg7[%parallel_loop3A_604], %get3A_32 : memref<36864xf32, #tpu.memory_space<vmem>>[vector<16xi32>], vector<16xf32>,
          %parallel_loop3A_609 = arith.cmpi ne, %parallel_loop3A_537, %parallel_loop3A_604 : vector<16xi32>
          tpu.vector_store_idx %arg7[%parallel_loop3A_537], %get3A_35 masked %parallel_loop3A_609 : memref<36864xf32, #tpu.memory_space<vmem>>[vector<16xi32>], vector<16xf32>, vector<16xi1>
        } {sc.loop_unroll_factor = 8 : i64, sc.parallel_access}
      } else {
      }
      %eq3A = arith.cmpi eq, %while3A_270, %mul3A_2 : i32
      %convert_element_type3A_289 = arith.extui %eq3A : i1 to i32
      %cond3A_290 = arith.constant 0 : i32
      %cond3A_291 = arith.cmpi ne, %convert_element_type3A_289, %cond3A_290 : i32
      scf.if %cond3A_291 {
        %parallel_loop3A_530 = arith.constant 0 : i32
        %parallel_loop3A_531 = arith.constant 256 : i32
        %parallel_loop3A_532 = arith.constant 1 : i32
        scf.for %parallel_loop3A_533 = %parallel_loop3A_530 to %parallel_loop3A_531 step %parallel_loop3A_532  : i32 {
          %parallel_loop3A_534 = arith.constant 16 : i32
          %parallel_loop3A_535 = arith.muli %parallel_loop3A_533, %parallel_loop3A_534 : i32
          %parallel_loop3A_536 = arith.index_cast %parallel_loop3A_535 : i32 to index
          %parallel_loop3A_537 = tpu.vector_load %arg5[%parallel_loop3A_536] {strides = array<i32>} : memref<4096xf32, #tpu.memory_space<vmem>>, vector<16xf32>,
          %parallel_loop3A_538 = arith.cmpf ogt, %parallel_loop3A_537, %broadcast_in_dim3A : vector<16xf32>
          %parallel_loop3A_539 = arith.constant 1 : i32
          %parallel_loop3A_540 = arith.constant 0 : i32
          %parallel_loop3A_541 = vector.broadcast %parallel_loop3A_539 : i32 to vector<16xi32>
          %parallel_loop3A_542 = vector.broadcast %parallel_loop3A_540 : i32 to vector<16xi32>
          %parallel_loop3A_543 = arith.select %parallel_loop3A_538, %parallel_loop3A_541, %parallel_loop3A_542 : vector<16xi1>, vector<16xi32>
          %parallel_loop3A_544 = arith.cmpf ogt, %parallel_loop3A_537, %broadcast_in_dim3A_6 : vector<16xf32>
          %parallel_loop3A_545 = arith.constant 1 : i32
          %parallel_loop3A_546 = arith.constant 0 : i32
          %parallel_loop3A_547 = vector.broadcast %parallel_loop3A_545 : i32 to vector<16xi32>
          %parallel_loop3A_548 = vector.broadcast %parallel_loop3A_546 : i32 to vector<16xi32>
          %parallel_loop3A_549 = arith.select %parallel_loop3A_544, %parallel_loop3A_547, %parallel_loop3A_548 : vector<16xi1>, vector<16xi32>
          %parallel_loop3A_550 = arith.addi %parallel_loop3A_543, %parallel_loop3A_549 : vector<16xi32>
          %parallel_loop3A_551 = arith.cmpf ogt, %parallel_loop3A_537, %broadcast_in_dim3A_9 : vector<16xf32>
          %parallel_loop3A_552 = arith.constant 1 : i32
          %parallel_loop3A_553 = arith.constant 0 : i32
          %parallel_loop3A_554 = vector.broadcast %parallel_loop3A_552 : i32 to vector<16xi32>
          %parallel_loop3A_555 = vector.broadcast %parallel_loop3A_553 : i32 to vector<16xi32>
          %parallel_loop3A_556 = arith.select %parallel_loop3A_551, %parallel_loop3A_554, %parallel_loop3A_555 : vector<16xi1>, vector<16xi32>
          %parallel_loop3A_557 = arith.addi %parallel_loop3A_550, %parallel_loop3A_556 : vector<16xi32>
          %parallel_loop3A_558 = arith.cmpf ogt, %parallel_loop3A_537, %broadcast_in_dim3A_12 : vector<16xf32>
          %parallel_loop3A_559 = arith.constant 1 : i32
          %parallel_loop3A_560 = arith.constant 0 : i32
          %parallel_loop3A_561 = vector.broadcast %parallel_loop3A_559 : i32 to vector<16xi32>
          %parallel_loop3A_562 = vector.broadcast %parallel_loop3A_560 : i32 to vector<16xi32>
          %parallel_loop3A_563 = arith.select %parallel_loop3A_558, %parallel_loop3A_561, %parallel_loop3A_562 : vector<16xi1>, vector<16xi32>
          %parallel_loop3A_564 = arith.addi %parallel_loop3A_557, %parallel_loop3A_563 : vector<16xi32>
          %parallel_loop3A_565 = arith.cmpf ogt, %parallel_loop3A_537, %broadcast_in_dim3A_15 : vector<16xf32>
          %parallel_loop3A_566 = arith.constant 1 : i32
          %parallel_loop3A_567 = arith.constant 0 : i32
          %parallel_loop3A_568 = vector.broadcast %parallel_loop3A_566 : i32 to vector<16xi32>
          %parallel_loop3A_569 = vector.broadcast %parallel_loop3A_567 : i32 to vector<16xi32>
          %parallel_loop3A_570 = arith.select %parallel_loop3A_565, %parallel_loop3A_568, %parallel_loop3A_569 : vector<16xi1>, vector<16xi32>
          %parallel_loop3A_571 = arith.addi %parallel_loop3A_564, %parallel_loop3A_570 : vector<16xi32>
          %parallel_loop3A_572 = arith.cmpf ogt, %parallel_loop3A_537, %broadcast_in_dim3A_18 : vector<16xf32>
          %parallel_loop3A_573 = arith.constant 1 : i32
          %parallel_loop3A_574 = arith.constant 0 : i32
          %parallel_loop3A_575 = vector.broadcast %parallel_loop3A_573 : i32 to vector<16xi32>
          %parallel_loop3A_576 = vector.broadcast %parallel_loop3A_574 : i32 to vector<16xi32>
          %parallel_loop3A_577 = arith.select %parallel_loop3A_572, %parallel_loop3A_575, %parallel_loop3A_576 : vector<16xi1>, vector<16xi32>
          %parallel_loop3A_578 = arith.addi %parallel_loop3A_571, %parallel_loop3A_577 : vector<16xi32>
          %parallel_loop3A_579 = arith.cmpf ogt, %parallel_loop3A_537, %broadcast_in_dim3A_21 : vector<16xf32>
          %parallel_loop3A_580 = arith.constant 1 : i32
          %parallel_loop3A_581 = arith.constant 0 : i32
          %parallel_loop3A_582 = vector.broadcast %parallel_loop3A_580 : i32 to vector<16xi32>
          %parallel_loop3A_583 = vector.broadcast %parallel_loop3A_581 : i32 to vector<16xi32>
          %parallel_loop3A_584 = arith.select %parallel_loop3A_579, %parallel_loop3A_582, %parallel_loop3A_583 : vector<16xi1>, vector<16xi32>
          %parallel_loop3A_585 = arith.addi %parallel_loop3A_578, %parallel_loop3A_584 : vector<16xi32>
          %parallel_loop3A_586 = arith.cmpf ogt, %parallel_loop3A_537, %broadcast_in_dim3A_24 : vector<16xf32>
          %parallel_loop3A_587 = arith.constant 1 : i32
          %parallel_loop3A_588 = arith.constant 0 : i32
          %parallel_loop3A_589 = vector.broadcast %parallel_loop3A_587 : i32 to vector<16xi32>
          %parallel_loop3A_590 = vector.broadcast %parallel_loop3A_588 : i32 to vector<16xi32>
          %parallel_loop3A_591 = arith.select %parallel_loop3A_586, %parallel_loop3A_589, %parallel_loop3A_590 : vector<16xi1>, vector<16xi32>
          %parallel_loop3A_592 = arith.addi %parallel_loop3A_585, %parallel_loop3A_591 : vector<16xi32>
          %parallel_loop3A_593 = arith.constant 4096 : i32
          %parallel_loop3A_594 = vector.broadcast %parallel_loop3A_593 : i32 to vector<16xi32>
          %parallel_loop3A_595 = arith.muli %parallel_loop3A_592, %parallel_loop3A_594 : vector<16xi32>
          %parallel_loop3A_596 = arith.constant 16 : i32
          %parallel_loop3A_597 = arith.muli %parallel_loop3A_533, %parallel_loop3A_596 : i32
          %parallel_loop3A_598 = vector.broadcast %parallel_loop3A_597 : i32 to vector<16xi32>
          %parallel_loop3A_599 = arith.addi %parallel_loop3A_598, %iota3A : vector<16xi32>
          %parallel_loop3A_600 = arith.addi %parallel_loop3A_595, %parallel_loop3A_599 : vector<16xi32>
          %parallel_loop3A_601 = arith.constant 16 : i32
          %parallel_loop3A_602 = arith.muli %parallel_loop3A_533, %parallel_loop3A_601 : i32
          %parallel_loop3A_603 = arith.index_cast %parallel_loop3A_602 : i32 to index
          %parallel_loop3A_604 = tpu.vector_load %arg9[%parallel_loop3A_603] {strides = array<i32>} : memref<4096xi32, #tpu.memory_space<vmem>>, vector<16xi32>,
          tpu.vector_store %arg9[%parallel_loop3A_603], %parallel_loop3A_600 {strides = array<i32>} : memref<4096xi32, #tpu.memory_space<vmem>>, vector<16xi32>,
          tpu.vector_store_idx %arg7[%parallel_loop3A_600], %get3A_32 : memref<36864xf32, #tpu.memory_space<vmem>>[vector<16xi32>], vector<16xf32>,
        } {sc.loop_unroll_factor = 8 : i64, sc.parallel_access}
      } else {
      }
      %dma_start3A_292 = arith.constant 1 : i32
      %dma_start3A_293 = arith.constant 0 : i32
      %dma_start3A_294 = tpu.memref_slice %arg7[%dma_start3A_293] : memref<36864xf32, #tpu.memory_space<vmem>> -> memref<4096xf32, #tpu.memory_space<vmem>>
      %dma_start3A_295 = arith.constant 0 : i32
      %dma_start3A_296 = tpu.memref_slice %arg4[%dma_start3A_292, %while3A_270, %dma_start3A_295] : memref<10x4096x8192xf32, #tpu.memory_space<hbm>> -> memref<1x1x4096xf32, #tpu.memory_space<hbm>>
      %dma_start3A_297 = tpu.memref_squeeze %dma_start3A_296 : memref<1x1x4096xf32, #tpu.memory_space<hbm>> -> memref<4096xf32, #tpu.memory_space<hbm>>
      %dma_start3A_298 = arith.constant 0 : i32
      %dma_start3A_299 = tpu.memref_slice %arg4[%dma_start3A_292, %while3A_270, %dma_start3A_298] : memref<10x4096x8192xf32, #tpu.memory_space<hbm>> -> memref<1x1x4096xf32, #tpu.memory_space<hbm>>
      %dma_start3A_300 = tpu.memref_squeeze %dma_start3A_299 : memref<1x1x4096xf32, #tpu.memory_space<hbm>> -> memref<4096xf32, #tpu.memory_space<hbm>>
      %dma_start3A_301 = arith.constant 0 : i32
      %dma_start3A_302 = tpu.memref_slice %arg7[%dma_start3A_301] : memref<36864xf32, #tpu.memory_space<vmem>> -> memref<4096xf32, #tpu.memory_space<vmem>>
      tpu.enqueue_dma source(%dma_start3A_302 : memref<4096xf32, #tpu.memory_space<vmem>>) target(%dma_start3A_300 : memref<4096xf32, #tpu.memory_space<hbm>>) target_semaphore(%arg16 : memref<!tpu.dma_semaphore, #tpu.memory_space<semaphore_mem>>)
      %dma_start3A_303 = arith.constant 2 : i32
      %dma_start3A_304 = arith.constant 4096 : i32
      %dma_start3A_305 = tpu.memref_slice %arg7[%dma_start3A_304] : memref<36864xf32, #tpu.memory_space<vmem>> -> memref<4096xf32, #tpu.memory_space<vmem>>
      %dma_start3A_306 = arith.constant 0 : i32
      %dma_start3A_307 = tpu.memref_slice %arg4[%dma_start3A_303, %while3A_270, %dma_start3A_306] : memref<10x4096x8192xf32, #tpu.memory_space<hbm>> -> memref<1x1x4096xf32, #tpu.memory_space<hbm>>
      %dma_start3A_308 = tpu.memref_squeeze %dma_start3A_307 : memref<1x1x4096xf32, #tpu.memory_space<hbm>> -> memref<4096xf32, #tpu.memory_space<hbm>>
      %dma_start3A_309 = arith.constant 0 : i32
      %dma_start3A_310 = tpu.memref_slice %arg4[%dma_start3A_303, %while3A_270, %dma_start3A_309] : memref<10x4096x8192xf32, #tpu.memory_space<hbm>> -> memref<1x1x4096xf32, #tpu.memory_space<hbm>>
      %dma_start3A_311 = tpu.memref_squeeze %dma_start3A_310 : memref<1x1x4096xf32, #tpu.memory_space<hbm>> -> memref<4096xf32, #tpu.memory_space<hbm>>
      %dma_start3A_312 = arith.constant 4096 : i32
      %dma_start3A_313 = tpu.memref_slice %arg7[%dma_start3A_312] : memref<36864xf32, #tpu.memory_space<vmem>> -> memref<4096xf32, #tpu.memory_space<vmem>>
      tpu.enqueue_dma source(%dma_start3A_313 : memref<4096xf32, #tpu.memory_space<vmem>>) target(%dma_start3A_311 : memref<4096xf32, #tpu.memory_space<hbm>>) target_semaphore(%arg16 : memref<!tpu.dma_semaphore, #tpu.memory_space<semaphore_mem>>)
      %dma_start3A_314 = arith.constant 3 : i32
      %dma_start3A_315 = arith.constant 8192 : i32
      %dma_start3A_316 = tpu.memref_slice %arg7[%dma_start3A_315] : memref<36864xf32, #tpu.memory_space<vmem>> -> memref<4096xf32, #tpu.memory_space<vmem>>
      %dma_start3A_317 = arith.constant 0 : i32
      %dma_start3A_318 = tpu.memref_slice %arg4[%dma_start3A_314, %while3A_270, %dma_start3A_317] : memref<10x4096x8192xf32, #tpu.memory_space<hbm>> -> memref<1x1x4096xf32, #tpu.memory_space<hbm>>
      %dma_start3A_319 = tpu.memref_squeeze %dma_start3A_318 : memref<1x1x4096xf32, #tpu.memory_space<hbm>> -> memref<4096xf32, #tpu.memory_space<hbm>>
      %dma_start3A_320 = arith.constant 0 : i32
      %dma_start3A_321 = tpu.memref_slice %arg4[%dma_start3A_314, %while3A_270, %dma_start3A_320] : memref<10x4096x8192xf32, #tpu.memory_space<hbm>> -> memref<1x1x4096xf32, #tpu.memory_space<hbm>>
      %dma_start3A_322 = tpu.memref_squeeze %dma_start3A_321 : memref<1x1x4096xf32, #tpu.memory_space<hbm>> -> memref<4096xf32, #tpu.memory_space<hbm>>
      %dma_start3A_323 = arith.constant 8192 : i32
      %dma_start3A_324 = tpu.memref_slice %arg7[%dma_start3A_323] : memref<36864xf32, #tpu.memory_space<vmem>> -> memref<4096xf32, #tpu.memory_space<vmem>>
      tpu.enqueue_dma source(%dma_start3A_324 : memref<4096xf32, #tpu.memory_space<vmem>>) target(%dma_start3A_322 : memref<4096xf32, #tpu.memory_space<hbm>>) target_semaphore(%arg16 : memref<!tpu.dma_semaphore, #tpu.memory_space<semaphore_mem>>)
      %dma_start3A_325 = arith.constant 4 : i32
      %dma_start3A_326 = arith.constant 12288 : i32
      %dma_start3A_327 = tpu.memref_slice %arg7[%dma_start3A_326] : memref<36864xf32, #tpu.memory_space<vmem>> -> memref<4096xf32, #tpu.memory_space<vmem>>
      %dma_start3A_328 = arith.constant 0 : i32
      %dma_start3A_329 = tpu.memref_slice %arg4[%dma_start3A_325, %while3A_270, %dma_start3A_328] : memref<10x4096x8192xf32, #tpu.memory_space<hbm>> -> memref<1x1x4096xf32, #tpu.memory_space<hbm>>
      %dma_start3A_330 = tpu.memref_squeeze %dma_start3A_329 : memref<1x1x4096xf32, #tpu.memory_space<hbm>> -> memref<4096xf32, #tpu.memory_space<hbm>>
      %dma_start3A_331 = arith.constant 0 : i32
      %dma_start3A_332 = tpu.memref_slice %arg4[%dma_start3A_325, %while3A_270, %dma_start3A_331] : memref<10x4096x8192xf32, #tpu.memory_space<hbm>> -> memref<1x1x4096xf32, #tpu.memory_space<hbm>>
      %dma_start3A_333 = tpu.memref_squeeze %dma_start3A_332 : memref<1x1x4096xf32, #tpu.memory_space<hbm>> -> memref<4096xf32, #tpu.memory_space<hbm>>
      %dma_start3A_334 = arith.constant 12288 : i32
      %dma_start3A_335 = tpu.memref_slice %arg7[%dma_start3A_334] : memref<36864xf32, #tpu.memory_space<vmem>> -> memref<4096xf32, #tpu.memory_space<vmem>>
      tpu.enqueue_dma source(%dma_start3A_335 : memref<4096xf32, #tpu.memory_space<vmem>>) target(%dma_start3A_333 : memref<4096xf32, #tpu.memory_space<hbm>>) target_semaphore(%arg16 : memref<!tpu.dma_semaphore, #tpu.memory_space<semaphore_mem>>)
      %dma_start3A_336 = arith.constant 5 : i32
      %dma_start3A_337 = arith.constant 16384 : i32
      %dma_start3A_338 = tpu.memref_slice %arg7[%dma_start3A_337] : memref<36864xf32, #tpu.memory_space<vmem>> -> memref<4096xf32, #tpu.memory_space<vmem>>
      %dma_start3A_339 = arith.constant 0 : i32
      %dma_start3A_340 = tpu.memref_slice %arg4[%dma_start3A_336, %while3A_270, %dma_start3A_339] : memref<10x4096x8192xf32, #tpu.memory_space<hbm>> -> memref<1x1x4096xf32, #tpu.memory_space<hbm>>
      %dma_start3A_341 = tpu.memref_squeeze %dma_start3A_340 : memref<1x1x4096xf32, #tpu.memory_space<hbm>> -> memref<4096xf32, #tpu.memory_space<hbm>>
      %dma_start3A_342 = arith.constant 0 : i32
      %dma_start3A_343 = tpu.memref_slice %arg4[%dma_start3A_336, %while3A_270, %dma_start3A_342] : memref<10x4096x8192xf32, #tpu.memory_space<hbm>> -> memref<1x1x4096xf32, #tpu.memory_space<hbm>>
      %dma_start3A_344 = tpu.memref_squeeze %dma_start3A_343 : memref<1x1x4096xf32, #tpu.memory_space<hbm>> -> memref<4096xf32, #tpu.memory_space<hbm>>
      %dma_start3A_345 = arith.constant 16384 : i32
      %dma_start3A_346 = tpu.memref_slice %arg7[%dma_start3A_345] : memref<36864xf32, #tpu.memory_space<vmem>> -> memref<4096xf32, #tpu.memory_space<vmem>>
      tpu.enqueue_dma source(%dma_start3A_346 : memref<4096xf32, #tpu.memory_space<vmem>>) target(%dma_start3A_344 : memref<4096xf32, #tpu.memory_space<hbm>>) target_semaphore(%arg16 : memref<!tpu.dma_semaphore, #tpu.memory_space<semaphore_mem>>)
      %dma_start3A_347 = arith.constant 6 : i32
      %dma_start3A_348 = arith.constant 20480 : i32
      %dma_start3A_349 = tpu.memref_slice %arg7[%dma_start3A_348] : memref<36864xf32, #tpu.memory_space<vmem>> -> memref<4096xf32, #tpu.memory_space<vmem>>
      %dma_start3A_350 = arith.constant 0 : i32
      %dma_start3A_351 = tpu.memref_slice %arg4[%dma_start3A_347, %while3A_270, %dma_start3A_350] : memref<10x4096x8192xf32, #tpu.memory_space<hbm>> -> memref<1x1x4096xf32, #tpu.memory_space<hbm>>
      %dma_start3A_352 = tpu.memref_squeeze %dma_start3A_351 : memref<1x1x4096xf32, #tpu.memory_space<hbm>> -> memref<4096xf32, #tpu.memory_space<hbm>>
      %dma_start3A_353 = arith.constant 0 : i32
      %dma_start3A_354 = tpu.memref_slice %arg4[%dma_start3A_347, %while3A_270, %dma_start3A_353] : memref<10x4096x8192xf32, #tpu.memory_space<hbm>> -> memref<1x1x4096xf32, #tpu.memory_space<hbm>>
      %dma_start3A_355 = tpu.memref_squeeze %dma_start3A_354 : memref<1x1x4096xf32, #tpu.memory_space<hbm>> -> memref<4096xf32, #tpu.memory_space<hbm>>
      %dma_start3A_356 = arith.constant 20480 : i32
      %dma_start3A_357 = tpu.memref_slice %arg7[%dma_start3A_356] : memref<36864xf32, #tpu.memory_space<vmem>> -> memref<4096xf32, #tpu.memory_space<vmem>>
      tpu.enqueue_dma source(%dma_start3A_357 : memref<4096xf32, #tpu.memory_space<vmem>>) target(%dma_start3A_355 : memref<4096xf32, #tpu.memory_space<hbm>>) target_semaphore(%arg16 : memref<!tpu.dma_semaphore, #tpu.memory_space<semaphore_mem>>)
      %dma_start3A_358 = arith.constant 7 : i32
      %dma_start3A_359 = arith.constant 24576 : i32
      %dma_start3A_360 = tpu.memref_slice %arg7[%dma_start3A_359] : memref<36864xf32, #tpu.memory_space<vmem>> -> memref<4096xf32, #tpu.memory_space<vmem>>
      %dma_start3A_361 = arith.constant 0 : i32
      %dma_start3A_362 = tpu.memref_slice %arg4[%dma_start3A_358, %while3A_270, %dma_start3A_361] : memref<10x4096x8192xf32, #tpu.memory_space<hbm>> -> memref<1x1x4096xf32, #tpu.memory_space<hbm>>
      %dma_start3A_363 = tpu.memref_squeeze %dma_start3A_362 : memref<1x1x4096xf32, #tpu.memory_space<hbm>> -> memref<4096xf32, #tpu.memory_space<hbm>>
      %dma_start3A_364 = arith.constant 0 : i32
      %dma_start3A_365 = tpu.memref_slice %arg4[%dma_start3A_358, %while3A_270, %dma_start3A_364] : memref<10x4096x8192xf32, #tpu.memory_space<hbm>> -> memref<1x1x4096xf32, #tpu.memory_space<hbm>>
      %dma_start3A_366 = tpu.memref_squeeze %dma_start3A_365 : memref<1x1x4096xf32, #tpu.memory_space<hbm>> -> memref<4096xf32, #tpu.memory_space<hbm>>
      %dma_start3A_367 = arith.constant 24576 : i32
      %dma_start3A_368 = tpu.memref_slice %arg7[%dma_start3A_367] : memref<36864xf32, #tpu.memory_space<vmem>> -> memref<4096xf32, #tpu.memory_space<vmem>>
      tpu.enqueue_dma source(%dma_start3A_368 : memref<4096xf32, #tpu.memory_space<vmem>>) target(%dma_start3A_366 : memref<4096xf32, #tpu.memory_space<hbm>>) target_semaphore(%arg16 : memref<!tpu.dma_semaphore, #tpu.memory_space<semaphore_mem>>)
      %dma_start3A_369 = arith.constant 8 : i32
      %dma_start3A_370 = arith.constant 28672 : i32
      %dma_start3A_371 = tpu.memref_slice %arg7[%dma_start3A_370] : memref<36864xf32, #tpu.memory_space<vmem>> -> memref<4096xf32, #tpu.memory_space<vmem>>
      %dma_start3A_372 = arith.constant 0 : i32
      %dma_start3A_373 = tpu.memref_slice %arg4[%dma_start3A_369, %while3A_270, %dma_start3A_372] : memref<10x4096x8192xf32, #tpu.memory_space<hbm>> -> memref<1x1x4096xf32, #tpu.memory_space<hbm>>
      %dma_start3A_374 = tpu.memref_squeeze %dma_start3A_373 : memref<1x1x4096xf32, #tpu.memory_space<hbm>> -> memref<4096xf32, #tpu.memory_space<hbm>>
      %dma_start3A_375 = arith.constant 0 : i32
      %dma_start3A_376 = tpu.memref_slice %arg4[%dma_start3A_369, %while3A_270, %dma_start3A_375] : memref<10x4096x8192xf32, #tpu.memory_space<hbm>> -> memref<1x1x4096xf32, #tpu.memory_space<hbm>>
      %dma_start3A_377 = tpu.memref_squeeze %dma_start3A_376 : memref<1x1x4096xf32, #tpu.memory_space<hbm>> -> memref<4096xf32, #tpu.memory_space<hbm>>
      %dma_start3A_378 = arith.constant 28672 : i32
      %dma_start3A_379 = tpu.memref_slice %arg7[%dma_start3A_378] : memref<36864xf32, #tpu.memory_space<vmem>> -> memref<4096xf32, #tpu.memory_space<vmem>>
      tpu.enqueue_dma source(%dma_start3A_379 : memref<4096xf32, #tpu.memory_space<vmem>>) target(%dma_start3A_377 : memref<4096xf32, #tpu.memory_space<hbm>>) target_semaphore(%arg16 : memref<!tpu.dma_semaphore, #tpu.memory_space<semaphore_mem>>)
      %dma_start3A_380 = arith.constant 9 : i32
      %dma_start3A_381 = arith.constant 32768 : i32
      %dma_start3A_382 = tpu.memref_slice %arg7[%dma_start3A_381] : memref<36864xf32, #tpu.memory_space<vmem>> -> memref<4096xf32, #tpu.memory_space<vmem>>
      %dma_start3A_383 = arith.constant 0 : i32
      %dma_start3A_384 = tpu.memref_slice %arg4[%dma_start3A_380, %while3A_270, %dma_start3A_383] : memref<10x4096x8192xf32, #tpu.memory_space<hbm>> -> memref<1x1x4096xf32, #tpu.memory_space<hbm>>
      %dma_start3A_385 = tpu.memref_squeeze %dma_start3A_384 : memref<1x1x4096xf32, #tpu.memory_space<hbm>> -> memref<4096xf32, #tpu.memory_space<hbm>>
      %dma_start3A_386 = arith.constant 0 : i32
      %dma_start3A_387 = tpu.memref_slice %arg4[%dma_start3A_380, %while3A_270, %dma_start3A_386] : memref<10x4096x8192xf32, #tpu.memory_space<hbm>> -> memref<1x1x4096xf32, #tpu.memory_space<hbm>>
      %dma_start3A_388 = tpu.memref_squeeze %dma_start3A_387 : memref<1x1x4096xf32, #tpu.memory_space<hbm>> -> memref<4096xf32, #tpu.memory_space<hbm>>
      %dma_start3A_389 = arith.constant 32768 : i32
      %dma_start3A_390 = tpu.memref_slice %arg7[%dma_start3A_389] : memref<36864xf32, #tpu.memory_space<vmem>> -> memref<4096xf32, #tpu.memory_space<vmem>>
      tpu.enqueue_dma source(%dma_start3A_390 : memref<4096xf32, #tpu.memory_space<vmem>>) target(%dma_start3A_388 : memref<4096xf32, #tpu.memory_space<hbm>>) target_semaphore(%arg16 : memref<!tpu.dma_semaphore, #tpu.memory_space<semaphore_mem>>)
      %dma_start3A_391 = arith.constant 0 : i32
      %dma_start3A_392 = arith.constant 0 : i32
      %dma_start3A_393 = tpu.memref_slice %arg4[%dma_start3A_391, %while3A_270, %dma_start3A_392] : memref<10x4096x8192xf32, #tpu.memory_space<hbm>> -> memref<1x1x4096xf32, #tpu.memory_space<hbm>>
      %dma_start3A_394 = tpu.memref_squeeze %dma_start3A_393 : memref<1x1x4096xf32, #tpu.memory_space<hbm>> -> memref<4096xf32, #tpu.memory_space<hbm>>
      %dma_start3A_395 = arith.constant 0 : i32
      %dma_start3A_396 = tpu.memref_slice %arg4[%dma_start3A_391, %while3A_270, %dma_start3A_395] : memref<10x4096x8192xf32, #tpu.memory_space<hbm>> -> memref<1x1x4096xf32, #tpu.memory_space<hbm>>
      %dma_start3A_397 = tpu.memref_squeeze %dma_start3A_396 : memref<1x1x4096xf32, #tpu.memory_space<hbm>> -> memref<4096xf32, #tpu.memory_space<hbm>>
      tpu.enqueue_dma source(%arg11 : memref<4096xf32, #tpu.memory_space<vmem>>) target(%dma_start3A_397 : memref<4096xf32, #tpu.memory_space<hbm>>) target_semaphore(%arg16 : memref<!tpu.dma_semaphore, #tpu.memory_space<semaphore_mem>>)
      %add3A_398 = arith.constant 1 : i32
      %add3A_399 = arith.addi %while3A_270, %add3A_398 : i32
      %add3A_400 = arith.constant 128 : i32
      %add3A_401 = arith.addi %mul3A_2, %add3A_400 : i32
      %lt3A = arith.cmpi slt, %add3A_399, %add3A_401 : i32
      %convert_element_type3A_402 = arith.extui %lt3A : i1 to i32
      %cond3A_403 = arith.constant 0 : i32
      %cond3A_404 = arith.cmpi ne, %convert_element_type3A_402, %cond3A_403 : i32
      scf.if %cond3A_404 {
        %add3A_530 = arith.constant 1 : i32
        %add3A_531 = arith.addi %while3A_270, %add3A_530 : i32
        %dma_start3A_532 = arith.constant 0 : i32
        %dma_start3A_533 = tpu.memref_slice %arg2[%add3A_531, %dma_start3A_532] : memref<4096x8192xf32, #tpu.memory_space<hbm>> -> memref<1x4096xf32, #tpu.memory_space<hbm>>
        %dma_start3A_534 = tpu.memref_squeeze %dma_start3A_533 : memref<1x4096xf32, #tpu.memory_space<hbm>> -> memref<4096xf32, #tpu.memory_space<hbm>>
        %dma_start3A_535 = arith.constant 0 : i32
        %dma_start3A_536 = tpu.memref_slice %arg2[%add3A_531, %dma_start3A_535] : memref<4096x8192xf32, #tpu.memory_space<hbm>> -> memref<1x4096xf32, #tpu.memory_space<hbm>>
        %dma_start3A_537 = tpu.memref_squeeze %dma_start3A_536 : memref<1x4096xf32, #tpu.memory_space<hbm>> -> memref<4096xf32, #tpu.memory_space<hbm>>
        tpu.enqueue_dma source(%dma_start3A_537 : memref<4096xf32, #tpu.memory_space<hbm>>) target(%arg5 : memref<4096xf32, #tpu.memory_space<vmem>>) target_semaphore(%arg14 : memref<!tpu.dma_semaphore, #tpu.memory_space<semaphore_mem>>)
      } else {
      }
      %gt3A_405 = arith.cmpi sgt, %while3A_270, %mul3A_2 : i32
      %convert_element_type3A_406 = arith.extui %gt3A_405 : i1 to i32
      %cond3A_407 = arith.constant 0 : i32
      %cond3A_408 = arith.cmpi ne, %convert_element_type3A_406, %cond3A_407 : i32
      scf.if %cond3A_408 {
        %dma_wait3A_530 = arith.constant 1 : i32
        %dma_wait3A_531 = arith.constant 0 : i32
        %dma_wait3A_532 = tpu.memref_slice %arg8[%dma_wait3A_531] : memref<36864xf32, #tpu.memory_space<vmem>> -> memref<4096xf32, #tpu.memory_space<vmem>>
        %dma_wait3A_533 = arith.constant 4096 : i32
        %dma_wait3A_534 = tpu.memref_slice %arg4[%dma_wait3A_530, %while3A_270, %dma_wait3A_533] : memref<10x4096x8192xf32, #tpu.memory_space<hbm>> -> memref<1x1x4096xf32, #tpu.memory_space<hbm>>
        %dma_wait3A_535 = tpu.memref_squeeze %dma_wait3A_534 : memref<1x1x4096xf32, #tpu.memory_space<hbm>> -> memref<4096xf32, #tpu.memory_space<hbm>>
        %dma_wait3A_536 = arith.constant 4096 : i32
        %dma_wait3A_537 = tpu.memref_slice %arg4[%dma_wait3A_530, %while3A_270, %dma_wait3A_536] : memref<10x4096x8192xf32, #tpu.memory_space<hbm>> -> memref<1x1x4096xf32, #tpu.memory_space<hbm>>
        %dma_wait3A_538 = tpu.memref_squeeze %dma_wait3A_537 : memref<1x1x4096xf32, #tpu.memory_space<hbm>> -> memref<4096xf32, #tpu.memory_space<hbm>>
        %dma_wait3A_539 = arith.constant 0 : i32
        %dma_wait3A_540 = tpu.memref_slice %arg8[%dma_wait3A_539] : memref<36864xf32, #tpu.memory_space<vmem>> -> memref<4096xf32, #tpu.memory_space<vmem>>
        tpu.wait_dma2 semaphore(%arg17 : memref<!tpu.dma_semaphore, #tpu.memory_space<semaphore_mem>>) src(%dma_wait3A_540 : memref<4096xf32, #tpu.memory_space<vmem>>) dst(%dma_wait3A_538 : memref<4096xf32, #tpu.memory_space<hbm>>)
        %dma_wait3A_541 = arith.constant 2 : i32
        %dma_wait3A_542 = arith.constant 4096 : i32
        %dma_wait3A_543 = tpu.memref_slice %arg8[%dma_wait3A_542] : memref<36864xf32, #tpu.memory_space<vmem>> -> memref<4096xf32, #tpu.memory_space<vmem>>
        %dma_wait3A_544 = arith.constant 4096 : i32
        %dma_wait3A_545 = tpu.memref_slice %arg4[%dma_wait3A_541, %while3A_270, %dma_wait3A_544] : memref<10x4096x8192xf32, #tpu.memory_space<hbm>> -> memref<1x1x4096xf32, #tpu.memory_space<hbm>>
        %dma_wait3A_546 = tpu.memref_squeeze %dma_wait3A_545 : memref<1x1x4096xf32, #tpu.memory_space<hbm>> -> memref<4096xf32, #tpu.memory_space<hbm>>
        %dma_wait3A_547 = arith.constant 4096 : i32
        %dma_wait3A_548 = tpu.memref_slice %arg4[%dma_wait3A_541, %while3A_270, %dma_wait3A_547] : memref<10x4096x8192xf32, #tpu.memory_space<hbm>> -> memref<1x1x4096xf32, #tpu.memory_space<hbm>>
        %dma_wait3A_549 = tpu.memref_squeeze %dma_wait3A_548 : memref<1x1x4096xf32, #tpu.memory_space<hbm>> -> memref<4096xf32, #tpu.memory_space<hbm>>
        %dma_wait3A_550 = arith.constant 4096 : i32
        %dma_wait3A_551 = tpu.memref_slice %arg8[%dma_wait3A_550] : memref<36864xf32, #tpu.memory_space<vmem>> -> memref<4096xf32, #tpu.memory_space<vmem>>
        tpu.wait_dma2 semaphore(%arg17 : memref<!tpu.dma_semaphore, #tpu.memory_space<semaphore_mem>>) src(%dma_wait3A_551 : memref<4096xf32, #tpu.memory_space<vmem>>) dst(%dma_wait3A_549 : memref<4096xf32, #tpu.memory_space<hbm>>)
        %dma_wait3A_552 = arith.constant 3 : i32
        %dma_wait3A_553 = arith.constant 8192 : i32
        %dma_wait3A_554 = tpu.memref_slice %arg8[%dma_wait3A_553] : memref<36864xf32, #tpu.memory_space<vmem>> -> memref<4096xf32, #tpu.memory_space<vmem>>
        %dma_wait3A_555 = arith.constant 4096 : i32
        %dma_wait3A_556 = tpu.memref_slice %arg4[%dma_wait3A_552, %while3A_270, %dma_wait3A_555] : memref<10x4096x8192xf32, #tpu.memory_space<hbm>> -> memref<1x1x4096xf32, #tpu.memory_space<hbm>>
        %dma_wait3A_557 = tpu.memref_squeeze %dma_wait3A_556 : memref<1x1x4096xf32, #tpu.memory_space<hbm>> -> memref<4096xf32, #tpu.memory_space<hbm>>
        %dma_wait3A_558 = arith.constant 4096 : i32
        %dma_wait3A_559 = tpu.memref_slice %arg4[%dma_wait3A_552, %while3A_270, %dma_wait3A_558] : memref<10x4096x8192xf32, #tpu.memory_space<hbm>> -> memref<1x1x4096xf32, #tpu.memory_space<hbm>>
        %dma_wait3A_560 = tpu.memref_squeeze %dma_wait3A_559 : memref<1x1x4096xf32, #tpu.memory_space<hbm>> -> memref<4096xf32, #tpu.memory_space<hbm>>
        %dma_wait3A_561 = arith.constant 8192 : i32
        %dma_wait3A_562 = tpu.memref_slice %arg8[%dma_wait3A_561] : memref<36864xf32, #tpu.memory_space<vmem>> -> memref<4096xf32, #tpu.memory_space<vmem>>
        tpu.wait_dma2 semaphore(%arg17 : memref<!tpu.dma_semaphore, #tpu.memory_space<semaphore_mem>>) src(%dma_wait3A_562 : memref<4096xf32, #tpu.memory_space<vmem>>) dst(%dma_wait3A_560 : memref<4096xf32, #tpu.memory_space<hbm>>)
        %dma_wait3A_563 = arith.constant 4 : i32
        %dma_wait3A_564 = arith.constant 12288 : i32
        %dma_wait3A_565 = tpu.memref_slice %arg8[%dma_wait3A_564] : memref<36864xf32, #tpu.memory_space<vmem>> -> memref<4096xf32, #tpu.memory_space<vmem>>
        %dma_wait3A_566 = arith.constant 4096 : i32
        %dma_wait3A_567 = tpu.memref_slice %arg4[%dma_wait3A_563, %while3A_270, %dma_wait3A_566] : memref<10x4096x8192xf32, #tpu.memory_space<hbm>> -> memref<1x1x4096xf32, #tpu.memory_space<hbm>>
        %dma_wait3A_568 = tpu.memref_squeeze %dma_wait3A_567 : memref<1x1x4096xf32, #tpu.memory_space<hbm>> -> memref<4096xf32, #tpu.memory_space<hbm>>
        %dma_wait3A_569 = arith.constant 4096 : i32
        %dma_wait3A_570 = tpu.memref_slice %arg4[%dma_wait3A_563, %while3A_270, %dma_wait3A_569] : memref<10x4096x8192xf32, #tpu.memory_space<hbm>> -> memref<1x1x4096xf32, #tpu.memory_space<hbm>>
        %dma_wait3A_571 = tpu.memref_squeeze %dma_wait3A_570 : memref<1x1x4096xf32, #tpu.memory_space<hbm>> -> memref<4096xf32, #tpu.memory_space<hbm>>
        %dma_wait3A_572 = arith.constant 12288 : i32
        %dma_wait3A_573 = tpu.memref_slice %arg8[%dma_wait3A_572] : memref<36864xf32, #tpu.memory_space<vmem>> -> memref<4096xf32, #tpu.memory_space<vmem>>
        tpu.wait_dma2 semaphore(%arg17 : memref<!tpu.dma_semaphore, #tpu.memory_space<semaphore_mem>>) src(%dma_wait3A_573 : memref<4096xf32, #tpu.memory_space<vmem>>) dst(%dma_wait3A_571 : memref<4096xf32, #tpu.memory_space<hbm>>)
        %dma_wait3A_574 = arith.constant 5 : i32
        %dma_wait3A_575 = arith.constant 16384 : i32
        %dma_wait3A_576 = tpu.memref_slice %arg8[%dma_wait3A_575] : memref<36864xf32, #tpu.memory_space<vmem>> -> memref<4096xf32, #tpu.memory_space<vmem>>
        %dma_wait3A_577 = arith.constant 4096 : i32
        %dma_wait3A_578 = tpu.memref_slice %arg4[%dma_wait3A_574, %while3A_270, %dma_wait3A_577] : memref<10x4096x8192xf32, #tpu.memory_space<hbm>> -> memref<1x1x4096xf32, #tpu.memory_space<hbm>>
        %dma_wait3A_579 = tpu.memref_squeeze %dma_wait3A_578 : memref<1x1x4096xf32, #tpu.memory_space<hbm>> -> memref<4096xf32, #tpu.memory_space<hbm>>
        %dma_wait3A_580 = arith.constant 4096 : i32
        %dma_wait3A_581 = tpu.memref_slice %arg4[%dma_wait3A_574, %while3A_270, %dma_wait3A_580] : memref<10x4096x8192xf32, #tpu.memory_space<hbm>> -> memref<1x1x4096xf32, #tpu.memory_space<hbm>>
        %dma_wait3A_582 = tpu.memref_squeeze %dma_wait3A_581 : memref<1x1x4096xf32, #tpu.memory_space<hbm>> -> memref<4096xf32, #tpu.memory_space<hbm>>
        %dma_wait3A_583 = arith.constant 16384 : i32
        %dma_wait3A_584 = tpu.memref_slice %arg8[%dma_wait3A_583] : memref<36864xf32, #tpu.memory_space<vmem>> -> memref<4096xf32, #tpu.memory_space<vmem>>
        tpu.wait_dma2 semaphore(%arg17 : memref<!tpu.dma_semaphore, #tpu.memory_space<semaphore_mem>>) src(%dma_wait3A_584 : memref<4096xf32, #tpu.memory_space<vmem>>) dst(%dma_wait3A_582 : memref<4096xf32, #tpu.memory_space<hbm>>)
        %dma_wait3A_585 = arith.constant 6 : i32
        %dma_wait3A_586 = arith.constant 20480 : i32
        %dma_wait3A_587 = tpu.memref_slice %arg8[%dma_wait3A_586] : memref<36864xf32, #tpu.memory_space<vmem>> -> memref<4096xf32, #tpu.memory_space<vmem>>
        %dma_wait3A_588 = arith.constant 4096 : i32
        %dma_wait3A_589 = tpu.memref_slice %arg4[%dma_wait3A_585, %while3A_270, %dma_wait3A_588] : memref<10x4096x8192xf32, #tpu.memory_space<hbm>> -> memref<1x1x4096xf32, #tpu.memory_space<hbm>>
        %dma_wait3A_590 = tpu.memref_squeeze %dma_wait3A_589 : memref<1x1x4096xf32, #tpu.memory_space<hbm>> -> memref<4096xf32, #tpu.memory_space<hbm>>
        %dma_wait3A_591 = arith.constant 4096 : i32
        %dma_wait3A_592 = tpu.memref_slice %arg4[%dma_wait3A_585, %while3A_270, %dma_wait3A_591] : memref<10x4096x8192xf32, #tpu.memory_space<hbm>> -> memref<1x1x4096xf32, #tpu.memory_space<hbm>>
        %dma_wait3A_593 = tpu.memref_squeeze %dma_wait3A_592 : memref<1x1x4096xf32, #tpu.memory_space<hbm>> -> memref<4096xf32, #tpu.memory_space<hbm>>
        %dma_wait3A_594 = arith.constant 20480 : i32
        %dma_wait3A_595 = tpu.memref_slice %arg8[%dma_wait3A_594] : memref<36864xf32, #tpu.memory_space<vmem>> -> memref<4096xf32, #tpu.memory_space<vmem>>
        tpu.wait_dma2 semaphore(%arg17 : memref<!tpu.dma_semaphore, #tpu.memory_space<semaphore_mem>>) src(%dma_wait3A_595 : memref<4096xf32, #tpu.memory_space<vmem>>) dst(%dma_wait3A_593 : memref<4096xf32, #tpu.memory_space<hbm>>)
        %dma_wait3A_596 = arith.constant 7 : i32
        %dma_wait3A_597 = arith.constant 24576 : i32
        %dma_wait3A_598 = tpu.memref_slice %arg8[%dma_wait3A_597] : memref<36864xf32, #tpu.memory_space<vmem>> -> memref<4096xf32, #tpu.memory_space<vmem>>
        %dma_wait3A_599 = arith.constant 4096 : i32
        %dma_wait3A_600 = tpu.memref_slice %arg4[%dma_wait3A_596, %while3A_270, %dma_wait3A_599] : memref<10x4096x8192xf32, #tpu.memory_space<hbm>> -> memref<1x1x4096xf32, #tpu.memory_space<hbm>>
        %dma_wait3A_601 = tpu.memref_squeeze %dma_wait3A_600 : memref<1x1x4096xf32, #tpu.memory_space<hbm>> -> memref<4096xf32, #tpu.memory_space<hbm>>
        %dma_wait3A_602 = arith.constant 4096 : i32
        %dma_wait3A_603 = tpu.memref_slice %arg4[%dma_wait3A_596, %while3A_270, %dma_wait3A_602] : memref<10x4096x8192xf32, #tpu.memory_space<hbm>> -> memref<1x1x4096xf32, #tpu.memory_space<hbm>>
        %dma_wait3A_604 = tpu.memref_squeeze %dma_wait3A_603 : memref<1x1x4096xf32, #tpu.memory_space<hbm>> -> memref<4096xf32, #tpu.memory_space<hbm>>
        %dma_wait3A_605 = arith.constant 24576 : i32
        %dma_wait3A_606 = tpu.memref_slice %arg8[%dma_wait3A_605] : memref<36864xf32, #tpu.memory_space<vmem>> -> memref<4096xf32, #tpu.memory_space<vmem>>
        tpu.wait_dma2 semaphore(%arg17 : memref<!tpu.dma_semaphore, #tpu.memory_space<semaphore_mem>>) src(%dma_wait3A_606 : memref<4096xf32, #tpu.memory_space<vmem>>) dst(%dma_wait3A_604 : memref<4096xf32, #tpu.memory_space<hbm>>)
        %dma_wait3A_607 = arith.constant 8 : i32
        %dma_wait3A_608 = arith.constant 28672 : i32
        %dma_wait3A_609 = tpu.memref_slice %arg8[%dma_wait3A_608] : memref<36864xf32, #tpu.memory_space<vmem>> -> memref<4096xf32, #tpu.memory_space<vmem>>
        %dma_wait3A_610 = arith.constant 4096 : i32
        %dma_wait3A_611 = tpu.memref_slice %arg4[%dma_wait3A_607, %while3A_270, %dma_wait3A_610] : memref<10x4096x8192xf32, #tpu.memory_space<hbm>> -> memref<1x1x4096xf32, #tpu.memory_space<hbm>>
        %dma_wait3A_612 = tpu.memref_squeeze %dma_wait3A_611 : memref<1x1x4096xf32, #tpu.memory_space<hbm>> -> memref<4096xf32, #tpu.memory_space<hbm>>
        %dma_wait3A_613 = arith.constant 4096 : i32
        %dma_wait3A_614 = tpu.memref_slice %arg4[%dma_wait3A_607, %while3A_270, %dma_wait3A_613] : memref<10x4096x8192xf32, #tpu.memory_space<hbm>> -> memref<1x1x4096xf32, #tpu.memory_space<hbm>>
        %dma_wait3A_615 = tpu.memref_squeeze %dma_wait3A_614 : memref<1x1x4096xf32, #tpu.memory_space<hbm>> -> memref<4096xf32, #tpu.memory_space<hbm>>
        %dma_wait3A_616 = arith.constant 28672 : i32
        %dma_wait3A_617 = tpu.memref_slice %arg8[%dma_wait3A_616] : memref<36864xf32, #tpu.memory_space<vmem>> -> memref<4096xf32, #tpu.memory_space<vmem>>
        tpu.wait_dma2 semaphore(%arg17 : memref<!tpu.dma_semaphore, #tpu.memory_space<semaphore_mem>>) src(%dma_wait3A_617 : memref<4096xf32, #tpu.memory_space<vmem>>) dst(%dma_wait3A_615 : memref<4096xf32, #tpu.memory_space<hbm>>)
        %dma_wait3A_618 = arith.constant 9 : i32
        %dma_wait3A_619 = arith.constant 32768 : i32
        %dma_wait3A_620 = tpu.memref_slice %arg8[%dma_wait3A_619] : memref<36864xf32, #tpu.memory_space<vmem>> -> memref<4096xf32, #tpu.memory_space<vmem>>
        %dma_wait3A_621 = arith.constant 4096 : i32
        %dma_wait3A_622 = tpu.memref_slice %arg4[%dma_wait3A_618, %while3A_270, %dma_wait3A_621] : memref<10x4096x8192xf32, #tpu.memory_space<hbm>> -> memref<1x1x4096xf32, #tpu.memory_space<hbm>>
        %dma_wait3A_623 = tpu.memref_squeeze %dma_wait3A_622 : memref<1x1x4096xf32, #tpu.memory_space<hbm>> -> memref<4096xf32, #tpu.memory_space<hbm>>
        %dma_wait3A_624 = arith.constant 4096 : i32
        %dma_wait3A_625 = tpu.memref_slice %arg4[%dma_wait3A_618, %while3A_270, %dma_wait3A_624] : memref<10x4096x8192xf32, #tpu.memory_space<hbm>> -> memref<1x1x4096xf32, #tpu.memory_space<hbm>>
        %dma_wait3A_626 = tpu.memref_squeeze %dma_wait3A_625 : memref<1x1x4096xf32, #tpu.memory_space<hbm>> -> memref<4096xf32, #tpu.memory_space<hbm>>
        %dma_wait3A_627 = arith.constant 32768 : i32
        %dma_wait3A_628 = tpu.memref_slice %arg8[%dma_wait3A_627] : memref<36864xf32, #tpu.memory_space<vmem>> -> memref<4096xf32, #tpu.memory_space<vmem>>
        tpu.wait_dma2 semaphore(%arg17 : memref<!tpu.dma_semaphore, #tpu.memory_space<semaphore_mem>>) src(%dma_wait3A_628 : memref<4096xf32, #tpu.memory_space<vmem>>) dst(%dma_wait3A_626 : memref<4096xf32, #tpu.memory_space<hbm>>)
        %dma_wait3A_629 = arith.constant 0 : i32
        %dma_wait3A_630 = arith.constant 4096 : i32
        %dma_wait3A_631 = tpu.memref_slice %arg4[%dma_wait3A_629, %while3A_270, %dma_wait3A_630] : memref<10x4096x8192xf32, #tpu.memory_space<hbm>> -> memref<1x1x4096xf32, #tpu.memory_space<hbm>>
        %dma_wait3A_632 = tpu.memref_squeeze %dma_wait3A_631 : memref<1x1x4096xf32, #tpu.memory_space<hbm>> -> memref<4096xf32, #tpu.memory_space<hbm>>
        %dma_wait3A_633 = arith.constant 4096 : i32
        %dma_wait3A_634 = tpu.memref_slice %arg4[%dma_wait3A_629, %while3A_270, %dma_wait3A_633] : memref<10x4096x8192xf32, #tpu.memory_space<hbm>> -> memref<1x1x4096xf32, #tpu.memory_space<hbm>>
        %dma_wait3A_635 = tpu.memref_squeeze %dma_wait3A_634 : memref<1x1x4096xf32, #tpu.memory_space<hbm>> -> memref<4096xf32, #tpu.memory_space<hbm>>
        tpu.wait_dma2 semaphore(%arg17 : memref<!tpu.dma_semaphore, #tpu.memory_space<semaphore_mem>>) src(%arg11 : memref<4096xf32, #tpu.memory_space<vmem>>) dst(%dma_wait3A_635 : memref<4096xf32, #tpu.memory_space<hbm>>)
      } else {
      }
      %dma_wait3A_409 = arith.constant 4096 : i32
      %dma_wait3A_410 = tpu.memref_slice %arg2[%while3A_270, %dma_wait3A_409] : memref<4096x8192xf32, #tpu.memory_space<hbm>> -> memref<1x4096xf32, #tpu.memory_space<hbm>>
      %dma_wait3A_411 = tpu.memref_squeeze %dma_wait3A_410 : memref<1x4096xf32, #tpu.memory_space<hbm>> -> memref<4096xf32, #tpu.memory_space<hbm>>
      %dma_wait3A_412 = arith.constant 4096 : i32
      %dma_wait3A_413 = tpu.memref_slice %arg2[%while3A_270, %dma_wait3A_412] : memref<4096x8192xf32, #tpu.memory_space<hbm>> -> memref<1x4096xf32, #tpu.memory_space<hbm>>
      %dma_wait3A_414 = tpu.memref_squeeze %dma_wait3A_413 : memref<1x4096xf32, #tpu.memory_space<hbm>> -> memref<4096xf32, #tpu.memory_space<hbm>>
      tpu.wait_dma2 semaphore(%arg15 : memref<!tpu.dma_semaphore, #tpu.memory_space<semaphore_mem>>) src(%dma_wait3A_414 : memref<4096xf32, #tpu.memory_space<hbm>>) dst(%arg6 : memref<4096xf32, #tpu.memory_space<vmem>>)
      %gt3A_415 = arith.cmpi sgt, %while3A_270, %mul3A_2 : i32
      %convert_element_type3A_416 = arith.extui %gt3A_415 : i1 to i32
      %cond3A_417 = arith.constant 0 : i32
      %cond3A_418 = arith.cmpi ne, %convert_element_type3A_416, %cond3A_417 : i32
      scf.if %cond3A_418 {
        %parallel_loop3A_530 = arith.constant 0 : i32
        %parallel_loop3A_531 = arith.constant 256 : i32
        %parallel_loop3A_532 = arith.constant 1 : i32
        scf.for %parallel_loop3A_533 = %parallel_loop3A_530 to %parallel_loop3A_531 step %parallel_loop3A_532  : i32 {
          %parallel_loop3A_534 = arith.constant 16 : i32
          %parallel_loop3A_535 = arith.muli %parallel_loop3A_533, %parallel_loop3A_534 : i32
          %parallel_loop3A_536 = arith.index_cast %parallel_loop3A_535 : i32 to index
          %parallel_loop3A_537 = tpu.vector_load %arg10[%parallel_loop3A_536] {strides = array<i32>} : memref<4096xi32, #tpu.memory_space<vmem>>, vector<16xi32>,
          %parallel_loop3A_538 = arith.constant 16 : i32
          %parallel_loop3A_539 = arith.muli %parallel_loop3A_533, %parallel_loop3A_538 : i32
          %parallel_loop3A_540 = arith.index_cast %parallel_loop3A_539 : i32 to index
          %parallel_loop3A_541 = tpu.vector_load %arg6[%parallel_loop3A_540] {strides = array<i32>} : memref<4096xf32, #tpu.memory_space<vmem>>, vector<16xf32>,
          %parallel_loop3A_542 = arith.cmpf ogt, %parallel_loop3A_541, %broadcast_in_dim3A : vector<16xf32>
          %parallel_loop3A_543 = arith.constant 1 : i32
          %parallel_loop3A_544 = arith.constant 0 : i32
          %parallel_loop3A_545 = vector.broadcast %parallel_loop3A_543 : i32 to vector<16xi32>
          %parallel_loop3A_546 = vector.broadcast %parallel_loop3A_544 : i32 to vector<16xi32>
          %parallel_loop3A_547 = arith.select %parallel_loop3A_542, %parallel_loop3A_545, %parallel_loop3A_546 : vector<16xi1>, vector<16xi32>
          %parallel_loop3A_548 = arith.cmpf ogt, %parallel_loop3A_541, %broadcast_in_dim3A_6 : vector<16xf32>
          %parallel_loop3A_549 = arith.constant 1 : i32
          %parallel_loop3A_550 = arith.constant 0 : i32
          %parallel_loop3A_551 = vector.broadcast %parallel_loop3A_549 : i32 to vector<16xi32>
          %parallel_loop3A_552 = vector.broadcast %parallel_loop3A_550 : i32 to vector<16xi32>
          %parallel_loop3A_553 = arith.select %parallel_loop3A_548, %parallel_loop3A_551, %parallel_loop3A_552 : vector<16xi1>, vector<16xi32>
          %parallel_loop3A_554 = arith.addi %parallel_loop3A_547, %parallel_loop3A_553 : vector<16xi32>
          %parallel_loop3A_555 = arith.cmpf ogt, %parallel_loop3A_541, %broadcast_in_dim3A_9 : vector<16xf32>
          %parallel_loop3A_556 = arith.constant 1 : i32
          %parallel_loop3A_557 = arith.constant 0 : i32
          %parallel_loop3A_558 = vector.broadcast %parallel_loop3A_556 : i32 to vector<16xi32>
          %parallel_loop3A_559 = vector.broadcast %parallel_loop3A_557 : i32 to vector<16xi32>
          %parallel_loop3A_560 = arith.select %parallel_loop3A_555, %parallel_loop3A_558, %parallel_loop3A_559 : vector<16xi1>, vector<16xi32>
          %parallel_loop3A_561 = arith.addi %parallel_loop3A_554, %parallel_loop3A_560 : vector<16xi32>
          %parallel_loop3A_562 = arith.cmpf ogt, %parallel_loop3A_541, %broadcast_in_dim3A_12 : vector<16xf32>
          %parallel_loop3A_563 = arith.constant 1 : i32
          %parallel_loop3A_564 = arith.constant 0 : i32
          %parallel_loop3A_565 = vector.broadcast %parallel_loop3A_563 : i32 to vector<16xi32>
          %parallel_loop3A_566 = vector.broadcast %parallel_loop3A_564 : i32 to vector<16xi32>
          %parallel_loop3A_567 = arith.select %parallel_loop3A_562, %parallel_loop3A_565, %parallel_loop3A_566 : vector<16xi1>, vector<16xi32>
          %parallel_loop3A_568 = arith.addi %parallel_loop3A_561, %parallel_loop3A_567 : vector<16xi32>
          %parallel_loop3A_569 = arith.cmpf ogt, %parallel_loop3A_541, %broadcast_in_dim3A_15 : vector<16xf32>
          %parallel_loop3A_570 = arith.constant 1 : i32
          %parallel_loop3A_571 = arith.constant 0 : i32
          %parallel_loop3A_572 = vector.broadcast %parallel_loop3A_570 : i32 to vector<16xi32>
          %parallel_loop3A_573 = vector.broadcast %parallel_loop3A_571 : i32 to vector<16xi32>
          %parallel_loop3A_574 = arith.select %parallel_loop3A_569, %parallel_loop3A_572, %parallel_loop3A_573 : vector<16xi1>, vector<16xi32>
          %parallel_loop3A_575 = arith.addi %parallel_loop3A_568, %parallel_loop3A_574 : vector<16xi32>
          %parallel_loop3A_576 = arith.cmpf ogt, %parallel_loop3A_541, %broadcast_in_dim3A_18 : vector<16xf32>
          %parallel_loop3A_577 = arith.constant 1 : i32
          %parallel_loop3A_578 = arith.constant 0 : i32
          %parallel_loop3A_579 = vector.broadcast %parallel_loop3A_577 : i32 to vector<16xi32>
          %parallel_loop3A_580 = vector.broadcast %parallel_loop3A_578 : i32 to vector<16xi32>
          %parallel_loop3A_581 = arith.select %parallel_loop3A_576, %parallel_loop3A_579, %parallel_loop3A_580 : vector<16xi1>, vector<16xi32>
          %parallel_loop3A_582 = arith.addi %parallel_loop3A_575, %parallel_loop3A_581 : vector<16xi32>
          %parallel_loop3A_583 = arith.cmpf ogt, %parallel_loop3A_541, %broadcast_in_dim3A_21 : vector<16xf32>
          %parallel_loop3A_584 = arith.constant 1 : i32
          %parallel_loop3A_585 = arith.constant 0 : i32
          %parallel_loop3A_586 = vector.broadcast %parallel_loop3A_584 : i32 to vector<16xi32>
          %parallel_loop3A_587 = vector.broadcast %parallel_loop3A_585 : i32 to vector<16xi32>
          %parallel_loop3A_588 = arith.select %parallel_loop3A_583, %parallel_loop3A_586, %parallel_loop3A_587 : vector<16xi1>, vector<16xi32>
          %parallel_loop3A_589 = arith.addi %parallel_loop3A_582, %parallel_loop3A_588 : vector<16xi32>
          %parallel_loop3A_590 = arith.cmpf ogt, %parallel_loop3A_541, %broadcast_in_dim3A_24 : vector<16xf32>
          %parallel_loop3A_591 = arith.constant 1 : i32
          %parallel_loop3A_592 = arith.constant 0 : i32
          %parallel_loop3A_593 = vector.broadcast %parallel_loop3A_591 : i32 to vector<16xi32>
          %parallel_loop3A_594 = vector.broadcast %parallel_loop3A_592 : i32 to vector<16xi32>
          %parallel_loop3A_595 = arith.select %parallel_loop3A_590, %parallel_loop3A_593, %parallel_loop3A_594 : vector<16xi1>, vector<16xi32>
          %parallel_loop3A_596 = arith.addi %parallel_loop3A_589, %parallel_loop3A_595 : vector<16xi32>
          %parallel_loop3A_597 = arith.constant 4096 : i32
          %parallel_loop3A_598 = vector.broadcast %parallel_loop3A_597 : i32 to vector<16xi32>
          %parallel_loop3A_599 = arith.muli %parallel_loop3A_596, %parallel_loop3A_598 : vector<16xi32>
          %parallel_loop3A_600 = arith.constant 16 : i32
          %parallel_loop3A_601 = arith.muli %parallel_loop3A_533, %parallel_loop3A_600 : i32
          %parallel_loop3A_602 = vector.broadcast %parallel_loop3A_601 : i32 to vector<16xi32>
          %parallel_loop3A_603 = arith.addi %parallel_loop3A_602, %iota3A : vector<16xi32>
          %parallel_loop3A_604 = arith.addi %parallel_loop3A_599, %parallel_loop3A_603 : vector<16xi32>
          %parallel_loop3A_605 = arith.constant 16 : i32
          %parallel_loop3A_606 = arith.muli %parallel_loop3A_533, %parallel_loop3A_605 : i32
          %parallel_loop3A_607 = arith.index_cast %parallel_loop3A_606 : i32 to index
          %parallel_loop3A_608 = tpu.vector_load %arg10[%parallel_loop3A_607] {strides = array<i32>} : memref<4096xi32, #tpu.memory_space<vmem>>, vector<16xi32>,
          tpu.vector_store %arg10[%parallel_loop3A_607], %parallel_loop3A_604 {strides = array<i32>} : memref<4096xi32, #tpu.memory_space<vmem>>, vector<16xi32>,
          tpu.vector_store_idx %arg8[%parallel_loop3A_604], %get3A_32 : memref<36864xf32, #tpu.memory_space<vmem>>[vector<16xi32>], vector<16xf32>,
          %parallel_loop3A_609 = arith.cmpi ne, %parallel_loop3A_537, %parallel_loop3A_604 : vector<16xi32>
          tpu.vector_store_idx %arg8[%parallel_loop3A_537], %get3A_35 masked %parallel_loop3A_609 : memref<36864xf32, #tpu.memory_space<vmem>>[vector<16xi32>], vector<16xf32>, vector<16xi1>
        } {sc.loop_unroll_factor = 8 : i64, sc.parallel_access}
      } else {
      }
      %eq3A_419 = arith.cmpi eq, %while3A_270, %mul3A_2 : i32
      %convert_element_type3A_420 = arith.extui %eq3A_419 : i1 to i32
      %cond3A_421 = arith.constant 0 : i32
      %cond3A_422 = arith.cmpi ne, %convert_element_type3A_420, %cond3A_421 : i32
      scf.if %cond3A_422 {
        %parallel_loop3A_530 = arith.constant 0 : i32
        %parallel_loop3A_531 = arith.constant 256 : i32
        %parallel_loop3A_532 = arith.constant 1 : i32
        scf.for %parallel_loop3A_533 = %parallel_loop3A_530 to %parallel_loop3A_531 step %parallel_loop3A_532  : i32 {
          %parallel_loop3A_534 = arith.constant 16 : i32
          %parallel_loop3A_535 = arith.muli %parallel_loop3A_533, %parallel_loop3A_534 : i32
          %parallel_loop3A_536 = arith.index_cast %parallel_loop3A_535 : i32 to index
          %parallel_loop3A_537 = tpu.vector_load %arg6[%parallel_loop3A_536] {strides = array<i32>} : memref<4096xf32, #tpu.memory_space<vmem>>, vector<16xf32>,
          %parallel_loop3A_538 = arith.cmpf ogt, %parallel_loop3A_537, %broadcast_in_dim3A : vector<16xf32>
          %parallel_loop3A_539 = arith.constant 1 : i32
          %parallel_loop3A_540 = arith.constant 0 : i32
          %parallel_loop3A_541 = vector.broadcast %parallel_loop3A_539 : i32 to vector<16xi32>
          %parallel_loop3A_542 = vector.broadcast %parallel_loop3A_540 : i32 to vector<16xi32>
          %parallel_loop3A_543 = arith.select %parallel_loop3A_538, %parallel_loop3A_541, %parallel_loop3A_542 : vector<16xi1>, vector<16xi32>
          %parallel_loop3A_544 = arith.cmpf ogt, %parallel_loop3A_537, %broadcast_in_dim3A_6 : vector<16xf32>
          %parallel_loop3A_545 = arith.constant 1 : i32
          %parallel_loop3A_546 = arith.constant 0 : i32
          %parallel_loop3A_547 = vector.broadcast %parallel_loop3A_545 : i32 to vector<16xi32>
          %parallel_loop3A_548 = vector.broadcast %parallel_loop3A_546 : i32 to vector<16xi32>
          %parallel_loop3A_549 = arith.select %parallel_loop3A_544, %parallel_loop3A_547, %parallel_loop3A_548 : vector<16xi1>, vector<16xi32>
          %parallel_loop3A_550 = arith.addi %parallel_loop3A_543, %parallel_loop3A_549 : vector<16xi32>
          %parallel_loop3A_551 = arith.cmpf ogt, %parallel_loop3A_537, %broadcast_in_dim3A_9 : vector<16xf32>
          %parallel_loop3A_552 = arith.constant 1 : i32
          %parallel_loop3A_553 = arith.constant 0 : i32
          %parallel_loop3A_554 = vector.broadcast %parallel_loop3A_552 : i32 to vector<16xi32>
          %parallel_loop3A_555 = vector.broadcast %parallel_loop3A_553 : i32 to vector<16xi32>
          %parallel_loop3A_556 = arith.select %parallel_loop3A_551, %parallel_loop3A_554, %parallel_loop3A_555 : vector<16xi1>, vector<16xi32>
          %parallel_loop3A_557 = arith.addi %parallel_loop3A_550, %parallel_loop3A_556 : vector<16xi32>
          %parallel_loop3A_558 = arith.cmpf ogt, %parallel_loop3A_537, %broadcast_in_dim3A_12 : vector<16xf32>
          %parallel_loop3A_559 = arith.constant 1 : i32
          %parallel_loop3A_560 = arith.constant 0 : i32
          %parallel_loop3A_561 = vector.broadcast %parallel_loop3A_559 : i32 to vector<16xi32>
          %parallel_loop3A_562 = vector.broadcast %parallel_loop3A_560 : i32 to vector<16xi32>
          %parallel_loop3A_563 = arith.select %parallel_loop3A_558, %parallel_loop3A_561, %parallel_loop3A_562 : vector<16xi1>, vector<16xi32>
          %parallel_loop3A_564 = arith.addi %parallel_loop3A_557, %parallel_loop3A_563 : vector<16xi32>
          %parallel_loop3A_565 = arith.cmpf ogt, %parallel_loop3A_537, %broadcast_in_dim3A_15 : vector<16xf32>
          %parallel_loop3A_566 = arith.constant 1 : i32
          %parallel_loop3A_567 = arith.constant 0 : i32
          %parallel_loop3A_568 = vector.broadcast %parallel_loop3A_566 : i32 to vector<16xi32>
          %parallel_loop3A_569 = vector.broadcast %parallel_loop3A_567 : i32 to vector<16xi32>
          %parallel_loop3A_570 = arith.select %parallel_loop3A_565, %parallel_loop3A_568, %parallel_loop3A_569 : vector<16xi1>, vector<16xi32>
          %parallel_loop3A_571 = arith.addi %parallel_loop3A_564, %parallel_loop3A_570 : vector<16xi32>
          %parallel_loop3A_572 = arith.cmpf ogt, %parallel_loop3A_537, %broadcast_in_dim3A_18 : vector<16xf32>
          %parallel_loop3A_573 = arith.constant 1 : i32
          %parallel_loop3A_574 = arith.constant 0 : i32
          %parallel_loop3A_575 = vector.broadcast %parallel_loop3A_573 : i32 to vector<16xi32>
          %parallel_loop3A_576 = vector.broadcast %parallel_loop3A_574 : i32 to vector<16xi32>
          %parallel_loop3A_577 = arith.select %parallel_loop3A_572, %parallel_loop3A_575, %parallel_loop3A_576 : vector<16xi1>, vector<16xi32>
          %parallel_loop3A_578 = arith.addi %parallel_loop3A_571, %parallel_loop3A_577 : vector<16xi32>
          %parallel_loop3A_579 = arith.cmpf ogt, %parallel_loop3A_537, %broadcast_in_dim3A_21 : vector<16xf32>
          %parallel_loop3A_580 = arith.constant 1 : i32
          %parallel_loop3A_581 = arith.constant 0 : i32
          %parallel_loop3A_582 = vector.broadcast %parallel_loop3A_580 : i32 to vector<16xi32>
          %parallel_loop3A_583 = vector.broadcast %parallel_loop3A_581 : i32 to vector<16xi32>
          %parallel_loop3A_584 = arith.select %parallel_loop3A_579, %parallel_loop3A_582, %parallel_loop3A_583 : vector<16xi1>, vector<16xi32>
          %parallel_loop3A_585 = arith.addi %parallel_loop3A_578, %parallel_loop3A_584 : vector<16xi32>
          %parallel_loop3A_586 = arith.cmpf ogt, %parallel_loop3A_537, %broadcast_in_dim3A_24 : vector<16xf32>
          %parallel_loop3A_587 = arith.constant 1 : i32
          %parallel_loop3A_588 = arith.constant 0 : i32
          %parallel_loop3A_589 = vector.broadcast %parallel_loop3A_587 : i32 to vector<16xi32>
          %parallel_loop3A_590 = vector.broadcast %parallel_loop3A_588 : i32 to vector<16xi32>
          %parallel_loop3A_591 = arith.select %parallel_loop3A_586, %parallel_loop3A_589, %parallel_loop3A_590 : vector<16xi1>, vector<16xi32>
          %parallel_loop3A_592 = arith.addi %parallel_loop3A_585, %parallel_loop3A_591 : vector<16xi32>
          %parallel_loop3A_593 = arith.constant 4096 : i32
          %parallel_loop3A_594 = vector.broadcast %parallel_loop3A_593 : i32 to vector<16xi32>
          %parallel_loop3A_595 = arith.muli %parallel_loop3A_592, %parallel_loop3A_594 : vector<16xi32>
          %parallel_loop3A_596 = arith.constant 16 : i32
          %parallel_loop3A_597 = arith.muli %parallel_loop3A_533, %parallel_loop3A_596 : i32
          %parallel_loop3A_598 = vector.broadcast %parallel_loop3A_597 : i32 to vector<16xi32>
          %parallel_loop3A_599 = arith.addi %parallel_loop3A_598, %iota3A : vector<16xi32>
          %parallel_loop3A_600 = arith.addi %parallel_loop3A_595, %parallel_loop3A_599 : vector<16xi32>
          %parallel_loop3A_601 = arith.constant 16 : i32
          %parallel_loop3A_602 = arith.muli %parallel_loop3A_533, %parallel_loop3A_601 : i32
          %parallel_loop3A_603 = arith.index_cast %parallel_loop3A_602 : i32 to index
          %parallel_loop3A_604 = tpu.vector_load %arg10[%parallel_loop3A_603] {strides = array<i32>} : memref<4096xi32, #tpu.memory_space<vmem>>, vector<16xi32>,
          tpu.vector_store %arg10[%parallel_loop3A_603], %parallel_loop3A_600 {strides = array<i32>} : memref<4096xi32, #tpu.memory_space<vmem>>, vector<16xi32>,
          tpu.vector_store_idx %arg8[%parallel_loop3A_600], %get3A_32 : memref<36864xf32, #tpu.memory_space<vmem>>[vector<16xi32>], vector<16xf32>,
        } {sc.loop_unroll_factor = 8 : i64, sc.parallel_access}
      } else {
      }
      %dma_start3A_423 = arith.constant 1 : i32
      %dma_start3A_424 = arith.constant 0 : i32
      %dma_start3A_425 = tpu.memref_slice %arg8[%dma_start3A_424] : memref<36864xf32, #tpu.memory_space<vmem>> -> memref<4096xf32, #tpu.memory_space<vmem>>
      %dma_start3A_426 = arith.constant 4096 : i32
      %dma_start3A_427 = tpu.memref_slice %arg4[%dma_start3A_423, %while3A_270, %dma_start3A_426] : memref<10x4096x8192xf32, #tpu.memory_space<hbm>> -> memref<1x1x4096xf32, #tpu.memory_space<hbm>>
      %dma_start3A_428 = tpu.memref_squeeze %dma_start3A_427 : memref<1x1x4096xf32, #tpu.memory_space<hbm>> -> memref<4096xf32, #tpu.memory_space<hbm>>
      %dma_start3A_429 = arith.constant 4096 : i32
      %dma_start3A_430 = tpu.memref_slice %arg4[%dma_start3A_423, %while3A_270, %dma_start3A_429] : memref<10x4096x8192xf32, #tpu.memory_space<hbm>> -> memref<1x1x4096xf32, #tpu.memory_space<hbm>>
      %dma_start3A_431 = tpu.memref_squeeze %dma_start3A_430 : memref<1x1x4096xf32, #tpu.memory_space<hbm>> -> memref<4096xf32, #tpu.memory_space<hbm>>
      %dma_start3A_432 = arith.constant 0 : i32
      %dma_start3A_433 = tpu.memref_slice %arg8[%dma_start3A_432] : memref<36864xf32, #tpu.memory_space<vmem>> -> memref<4096xf32, #tpu.memory_space<vmem>>
      tpu.enqueue_dma source(%dma_start3A_433 : memref<4096xf32, #tpu.memory_space<vmem>>) target(%dma_start3A_431 : memref<4096xf32, #tpu.memory_space<hbm>>) target_semaphore(%arg17 : memref<!tpu.dma_semaphore, #tpu.memory_space<semaphore_mem>>)
      %dma_start3A_434 = arith.constant 2 : i32
      %dma_start3A_435 = arith.constant 4096 : i32
      %dma_start3A_436 = tpu.memref_slice %arg8[%dma_start3A_435] : memref<36864xf32, #tpu.memory_space<vmem>> -> memref<4096xf32, #tpu.memory_space<vmem>>
      %dma_start3A_437 = arith.constant 4096 : i32
      %dma_start3A_438 = tpu.memref_slice %arg4[%dma_start3A_434, %while3A_270, %dma_start3A_437] : memref<10x4096x8192xf32, #tpu.memory_space<hbm>> -> memref<1x1x4096xf32, #tpu.memory_space<hbm>>
      %dma_start3A_439 = tpu.memref_squeeze %dma_start3A_438 : memref<1x1x4096xf32, #tpu.memory_space<hbm>> -> memref<4096xf32, #tpu.memory_space<hbm>>
      %dma_start3A_440 = arith.constant 4096 : i32
      %dma_start3A_441 = tpu.memref_slice %arg4[%dma_start3A_434, %while3A_270, %dma_start3A_440] : memref<10x4096x8192xf32, #tpu.memory_space<hbm>> -> memref<1x1x4096xf32, #tpu.memory_space<hbm>>
      %dma_start3A_442 = tpu.memref_squeeze %dma_start3A_441 : memref<1x1x4096xf32, #tpu.memory_space<hbm>> -> memref<4096xf32, #tpu.memory_space<hbm>>
      %dma_start3A_443 = arith.constant 4096 : i32
      %dma_start3A_444 = tpu.memref_slice %arg8[%dma_start3A_443] : memref<36864xf32, #tpu.memory_space<vmem>> -> memref<4096xf32, #tpu.memory_space<vmem>>
      tpu.enqueue_dma source(%dma_start3A_444 : memref<4096xf32, #tpu.memory_space<vmem>>) target(%dma_start3A_442 : memref<4096xf32, #tpu.memory_space<hbm>>) target_semaphore(%arg17 : memref<!tpu.dma_semaphore, #tpu.memory_space<semaphore_mem>>)
      %dma_start3A_445 = arith.constant 3 : i32
      %dma_start3A_446 = arith.constant 8192 : i32
      %dma_start3A_447 = tpu.memref_slice %arg8[%dma_start3A_446] : memref<36864xf32, #tpu.memory_space<vmem>> -> memref<4096xf32, #tpu.memory_space<vmem>>
      %dma_start3A_448 = arith.constant 4096 : i32
      %dma_start3A_449 = tpu.memref_slice %arg4[%dma_start3A_445, %while3A_270, %dma_start3A_448] : memref<10x4096x8192xf32, #tpu.memory_space<hbm>> -> memref<1x1x4096xf32, #tpu.memory_space<hbm>>
      %dma_start3A_450 = tpu.memref_squeeze %dma_start3A_449 : memref<1x1x4096xf32, #tpu.memory_space<hbm>> -> memref<4096xf32, #tpu.memory_space<hbm>>
      %dma_start3A_451 = arith.constant 4096 : i32
      %dma_start3A_452 = tpu.memref_slice %arg4[%dma_start3A_445, %while3A_270, %dma_start3A_451] : memref<10x4096x8192xf32, #tpu.memory_space<hbm>> -> memref<1x1x4096xf32, #tpu.memory_space<hbm>>
      %dma_start3A_453 = tpu.memref_squeeze %dma_start3A_452 : memref<1x1x4096xf32, #tpu.memory_space<hbm>> -> memref<4096xf32, #tpu.memory_space<hbm>>
      %dma_start3A_454 = arith.constant 8192 : i32
      %dma_start3A_455 = tpu.memref_slice %arg8[%dma_start3A_454] : memref<36864xf32, #tpu.memory_space<vmem>> -> memref<4096xf32, #tpu.memory_space<vmem>>
      tpu.enqueue_dma source(%dma_start3A_455 : memref<4096xf32, #tpu.memory_space<vmem>>) target(%dma_start3A_453 : memref<4096xf32, #tpu.memory_space<hbm>>) target_semaphore(%arg17 : memref<!tpu.dma_semaphore, #tpu.memory_space<semaphore_mem>>)
      %dma_start3A_456 = arith.constant 4 : i32
      %dma_start3A_457 = arith.constant 12288 : i32
      %dma_start3A_458 = tpu.memref_slice %arg8[%dma_start3A_457] : memref<36864xf32, #tpu.memory_space<vmem>> -> memref<4096xf32, #tpu.memory_space<vmem>>
      %dma_start3A_459 = arith.constant 4096 : i32
      %dma_start3A_460 = tpu.memref_slice %arg4[%dma_start3A_456, %while3A_270, %dma_start3A_459] : memref<10x4096x8192xf32, #tpu.memory_space<hbm>> -> memref<1x1x4096xf32, #tpu.memory_space<hbm>>
      %dma_start3A_461 = tpu.memref_squeeze %dma_start3A_460 : memref<1x1x4096xf32, #tpu.memory_space<hbm>> -> memref<4096xf32, #tpu.memory_space<hbm>>
      %dma_start3A_462 = arith.constant 4096 : i32
      %dma_start3A_463 = tpu.memref_slice %arg4[%dma_start3A_456, %while3A_270, %dma_start3A_462] : memref<10x4096x8192xf32, #tpu.memory_space<hbm>> -> memref<1x1x4096xf32, #tpu.memory_space<hbm>>
      %dma_start3A_464 = tpu.memref_squeeze %dma_start3A_463 : memref<1x1x4096xf32, #tpu.memory_space<hbm>> -> memref<4096xf32, #tpu.memory_space<hbm>>
      %dma_start3A_465 = arith.constant 12288 : i32
      %dma_start3A_466 = tpu.memref_slice %arg8[%dma_start3A_465] : memref<36864xf32, #tpu.memory_space<vmem>> -> memref<4096xf32, #tpu.memory_space<vmem>>
      tpu.enqueue_dma source(%dma_start3A_466 : memref<4096xf32, #tpu.memory_space<vmem>>) target(%dma_start3A_464 : memref<4096xf32, #tpu.memory_space<hbm>>) target_semaphore(%arg17 : memref<!tpu.dma_semaphore, #tpu.memory_space<semaphore_mem>>)
      %dma_start3A_467 = arith.constant 5 : i32
      %dma_start3A_468 = arith.constant 16384 : i32
      %dma_start3A_469 = tpu.memref_slice %arg8[%dma_start3A_468] : memref<36864xf32, #tpu.memory_space<vmem>> -> memref<4096xf32, #tpu.memory_space<vmem>>
      %dma_start3A_470 = arith.constant 4096 : i32
      %dma_start3A_471 = tpu.memref_slice %arg4[%dma_start3A_467, %while3A_270, %dma_start3A_470] : memref<10x4096x8192xf32, #tpu.memory_space<hbm>> -> memref<1x1x4096xf32, #tpu.memory_space<hbm>>
      %dma_start3A_472 = tpu.memref_squeeze %dma_start3A_471 : memref<1x1x4096xf32, #tpu.memory_space<hbm>> -> memref<4096xf32, #tpu.memory_space<hbm>>
      %dma_start3A_473 = arith.constant 4096 : i32
      %dma_start3A_474 = tpu.memref_slice %arg4[%dma_start3A_467, %while3A_270, %dma_start3A_473] : memref<10x4096x8192xf32, #tpu.memory_space<hbm>> -> memref<1x1x4096xf32, #tpu.memory_space<hbm>>
      %dma_start3A_475 = tpu.memref_squeeze %dma_start3A_474 : memref<1x1x4096xf32, #tpu.memory_space<hbm>> -> memref<4096xf32, #tpu.memory_space<hbm>>
      %dma_start3A_476 = arith.constant 16384 : i32
      %dma_start3A_477 = tpu.memref_slice %arg8[%dma_start3A_476] : memref<36864xf32, #tpu.memory_space<vmem>> -> memref<4096xf32, #tpu.memory_space<vmem>>
      tpu.enqueue_dma source(%dma_start3A_477 : memref<4096xf32, #tpu.memory_space<vmem>>) target(%dma_start3A_475 : memref<4096xf32, #tpu.memory_space<hbm>>) target_semaphore(%arg17 : memref<!tpu.dma_semaphore, #tpu.memory_space<semaphore_mem>>)
      %dma_start3A_478 = arith.constant 6 : i32
      %dma_start3A_479 = arith.constant 20480 : i32
      %dma_start3A_480 = tpu.memref_slice %arg8[%dma_start3A_479] : memref<36864xf32, #tpu.memory_space<vmem>> -> memref<4096xf32, #tpu.memory_space<vmem>>
      %dma_start3A_481 = arith.constant 4096 : i32
      %dma_start3A_482 = tpu.memref_slice %arg4[%dma_start3A_478, %while3A_270, %dma_start3A_481] : memref<10x4096x8192xf32, #tpu.memory_space<hbm>> -> memref<1x1x4096xf32, #tpu.memory_space<hbm>>
      %dma_start3A_483 = tpu.memref_squeeze %dma_start3A_482 : memref<1x1x4096xf32, #tpu.memory_space<hbm>> -> memref<4096xf32, #tpu.memory_space<hbm>>
      %dma_start3A_484 = arith.constant 4096 : i32
      %dma_start3A_485 = tpu.memref_slice %arg4[%dma_start3A_478, %while3A_270, %dma_start3A_484] : memref<10x4096x8192xf32, #tpu.memory_space<hbm>> -> memref<1x1x4096xf32, #tpu.memory_space<hbm>>
      %dma_start3A_486 = tpu.memref_squeeze %dma_start3A_485 : memref<1x1x4096xf32, #tpu.memory_space<hbm>> -> memref<4096xf32, #tpu.memory_space<hbm>>
      %dma_start3A_487 = arith.constant 20480 : i32
      %dma_start3A_488 = tpu.memref_slice %arg8[%dma_start3A_487] : memref<36864xf32, #tpu.memory_space<vmem>> -> memref<4096xf32, #tpu.memory_space<vmem>>
      tpu.enqueue_dma source(%dma_start3A_488 : memref<4096xf32, #tpu.memory_space<vmem>>) target(%dma_start3A_486 : memref<4096xf32, #tpu.memory_space<hbm>>) target_semaphore(%arg17 : memref<!tpu.dma_semaphore, #tpu.memory_space<semaphore_mem>>)
      %dma_start3A_489 = arith.constant 7 : i32
      %dma_start3A_490 = arith.constant 24576 : i32
      %dma_start3A_491 = tpu.memref_slice %arg8[%dma_start3A_490] : memref<36864xf32, #tpu.memory_space<vmem>> -> memref<4096xf32, #tpu.memory_space<vmem>>
      %dma_start3A_492 = arith.constant 4096 : i32
      %dma_start3A_493 = tpu.memref_slice %arg4[%dma_start3A_489, %while3A_270, %dma_start3A_492] : memref<10x4096x8192xf32, #tpu.memory_space<hbm>> -> memref<1x1x4096xf32, #tpu.memory_space<hbm>>
      %dma_start3A_494 = tpu.memref_squeeze %dma_start3A_493 : memref<1x1x4096xf32, #tpu.memory_space<hbm>> -> memref<4096xf32, #tpu.memory_space<hbm>>
      %dma_start3A_495 = arith.constant 4096 : i32
      %dma_start3A_496 = tpu.memref_slice %arg4[%dma_start3A_489, %while3A_270, %dma_start3A_495] : memref<10x4096x8192xf32, #tpu.memory_space<hbm>> -> memref<1x1x4096xf32, #tpu.memory_space<hbm>>
      %dma_start3A_497 = tpu.memref_squeeze %dma_start3A_496 : memref<1x1x4096xf32, #tpu.memory_space<hbm>> -> memref<4096xf32, #tpu.memory_space<hbm>>
      %dma_start3A_498 = arith.constant 24576 : i32
      %dma_start3A_499 = tpu.memref_slice %arg8[%dma_start3A_498] : memref<36864xf32, #tpu.memory_space<vmem>> -> memref<4096xf32, #tpu.memory_space<vmem>>
      tpu.enqueue_dma source(%dma_start3A_499 : memref<4096xf32, #tpu.memory_space<vmem>>) target(%dma_start3A_497 : memref<4096xf32, #tpu.memory_space<hbm>>) target_semaphore(%arg17 : memref<!tpu.dma_semaphore, #tpu.memory_space<semaphore_mem>>)
      %dma_start3A_500 = arith.constant 8 : i32
      %dma_start3A_501 = arith.constant 28672 : i32
      %dma_start3A_502 = tpu.memref_slice %arg8[%dma_start3A_501] : memref<36864xf32, #tpu.memory_space<vmem>> -> memref<4096xf32, #tpu.memory_space<vmem>>
      %dma_start3A_503 = arith.constant 4096 : i32
      %dma_start3A_504 = tpu.memref_slice %arg4[%dma_start3A_500, %while3A_270, %dma_start3A_503] : memref<10x4096x8192xf32, #tpu.memory_space<hbm>> -> memref<1x1x4096xf32, #tpu.memory_space<hbm>>
      %dma_start3A_505 = tpu.memref_squeeze %dma_start3A_504 : memref<1x1x4096xf32, #tpu.memory_space<hbm>> -> memref<4096xf32, #tpu.memory_space<hbm>>
      %dma_start3A_506 = arith.constant 4096 : i32
      %dma_start3A_507 = tpu.memref_slice %arg4[%dma_start3A_500, %while3A_270, %dma_start3A_506] : memref<10x4096x8192xf32, #tpu.memory_space<hbm>> -> memref<1x1x4096xf32, #tpu.memory_space<hbm>>
      %dma_start3A_508 = tpu.memref_squeeze %dma_start3A_507 : memref<1x1x4096xf32, #tpu.memory_space<hbm>> -> memref<4096xf32, #tpu.memory_space<hbm>>
      %dma_start3A_509 = arith.constant 28672 : i32
      %dma_start3A_510 = tpu.memref_slice %arg8[%dma_start3A_509] : memref<36864xf32, #tpu.memory_space<vmem>> -> memref<4096xf32, #tpu.memory_space<vmem>>
      tpu.enqueue_dma source(%dma_start3A_510 : memref<4096xf32, #tpu.memory_space<vmem>>) target(%dma_start3A_508 : memref<4096xf32, #tpu.memory_space<hbm>>) target_semaphore(%arg17 : memref<!tpu.dma_semaphore, #tpu.memory_space<semaphore_mem>>)
      %dma_start3A_511 = arith.constant 9 : i32
      %dma_start3A_512 = arith.constant 32768 : i32
      %dma_start3A_513 = tpu.memref_slice %arg8[%dma_start3A_512] : memref<36864xf32, #tpu.memory_space<vmem>> -> memref<4096xf32, #tpu.memory_space<vmem>>
      %dma_start3A_514 = arith.constant 4096 : i32
      %dma_start3A_515 = tpu.memref_slice %arg4[%dma_start3A_511, %while3A_270, %dma_start3A_514] : memref<10x4096x8192xf32, #tpu.memory_space<hbm>> -> memref<1x1x4096xf32, #tpu.memory_space<hbm>>
      %dma_start3A_516 = tpu.memref_squeeze %dma_start3A_515 : memref<1x1x4096xf32, #tpu.memory_space<hbm>> -> memref<4096xf32, #tpu.memory_space<hbm>>
      %dma_start3A_517 = arith.constant 4096 : i32
      %dma_start3A_518 = tpu.memref_slice %arg4[%dma_start3A_511, %while3A_270, %dma_start3A_517] : memref<10x4096x8192xf32, #tpu.memory_space<hbm>> -> memref<1x1x4096xf32, #tpu.memory_space<hbm>>
      %dma_start3A_519 = tpu.memref_squeeze %dma_start3A_518 : memref<1x1x4096xf32, #tpu.memory_space<hbm>> -> memref<4096xf32, #tpu.memory_space<hbm>>
      %dma_start3A_520 = arith.constant 32768 : i32
      %dma_start3A_521 = tpu.memref_slice %arg8[%dma_start3A_520] : memref<36864xf32, #tpu.memory_space<vmem>> -> memref<4096xf32, #tpu.memory_space<vmem>>
      tpu.enqueue_dma source(%dma_start3A_521 : memref<4096xf32, #tpu.memory_space<vmem>>) target(%dma_start3A_519 : memref<4096xf32, #tpu.memory_space<hbm>>) target_semaphore(%arg17 : memref<!tpu.dma_semaphore, #tpu.memory_space<semaphore_mem>>)
      %dma_start3A_522 = arith.constant 0 : i32
      %dma_start3A_523 = arith.constant 4096 : i32
      %dma_start3A_524 = tpu.memref_slice %arg4[%dma_start3A_522, %while3A_270, %dma_start3A_523] : memref<10x4096x8192xf32, #tpu.memory_space<hbm>> -> memref<1x1x4096xf32, #tpu.memory_space<hbm>>
      %dma_start3A_525 = tpu.memref_squeeze %dma_start3A_524 : memref<1x1x4096xf32, #tpu.memory_space<hbm>> -> memref<4096xf32, #tpu.memory_space<hbm>>
      %dma_start3A_526 = arith.constant 4096 : i32
      %dma_start3A_527 = tpu.memref_slice %arg4[%dma_start3A_522, %while3A_270, %dma_start3A_526] : memref<10x4096x8192xf32, #tpu.memory_space<hbm>> -> memref<1x1x4096xf32, #tpu.memory_space<hbm>>
      %dma_start3A_528 = tpu.memref_squeeze %dma_start3A_527 : memref<1x1x4096xf32, #tpu.memory_space<hbm>> -> memref<4096xf32, #tpu.memory_space<hbm>>
      tpu.enqueue_dma source(%arg11 : memref<4096xf32, #tpu.memory_space<vmem>>) target(%dma_start3A_528 : memref<4096xf32, #tpu.memory_space<hbm>>) target_semaphore(%arg17 : memref<!tpu.dma_semaphore, #tpu.memory_space<semaphore_mem>>)
      %while3A_529 = arith.constant 0 : i32
      scf.yield %while3A_529 : i32
    }
    %while3A_54 = arith.constant 1 : i32
    %while3A_55 = scf.for %while3A_270 = %while3A_51 to %while3A_47 step %while3A_54 iter_args(%while3A_271 = %while3A_53) -> (i32)  : i32 {
      %dma_start3A_272 = arith.constant 4096 : i32
      %dma_start3A_273 = tpu.memref_slice %arg2[%while3A_270, %dma_start3A_272] : memref<4096x8192xf32, #tpu.memory_space<hbm>> -> memref<1x4096xf32, #tpu.memory_space<hbm>>
      %dma_start3A_274 = tpu.memref_squeeze %dma_start3A_273 : memref<1x4096xf32, #tpu.memory_space<hbm>> -> memref<4096xf32, #tpu.memory_space<hbm>>
      %dma_start3A_275 = arith.constant 4096 : i32
      %dma_start3A_276 = tpu.memref_slice %arg2[%while3A_270, %dma_start3A_275] : memref<4096x8192xf32, #tpu.memory_space<hbm>> -> memref<1x4096xf32, #tpu.memory_space<hbm>>
      %dma_start3A_277 = tpu.memref_squeeze %dma_start3A_276 : memref<1x4096xf32, #tpu.memory_space<hbm>> -> memref<4096xf32, #tpu.memory_space<hbm>>
      tpu.enqueue_dma source(%dma_start3A_277 : memref<4096xf32, #tpu.memory_space<hbm>>) target(%arg6 : memref<4096xf32, #tpu.memory_space<vmem>>) target_semaphore(%arg15 : memref<!tpu.dma_semaphore, #tpu.memory_space<semaphore_mem>>)
      %gt3A = arith.cmpi sgt, %while3A_270, %mul3A_2 : i32
      %convert_element_type3A = arith.extui %gt3A : i1 to i32
      %cond3A = arith.constant 0 : i32
      %cond3A_278 = arith.cmpi ne, %convert_element_type3A, %cond3A : i32
      scf.if %cond3A_278 {
        %dma_wait3A_530 = arith.constant 1 : i32
        %dma_wait3A_531 = arith.constant 0 : i32
        %dma_wait3A_532 = tpu.memref_slice %arg7[%dma_wait3A_531] : memref<36864xf32, #tpu.memory_space<vmem>> -> memref<4096xf32, #tpu.memory_space<vmem>>
        %dma_wait3A_533 = arith.constant 0 : i32
        %dma_wait3A_534 = tpu.memref_slice %arg4[%dma_wait3A_530, %while3A_270, %dma_wait3A_533] : memref<10x4096x8192xf32, #tpu.memory_space<hbm>> -> memref<1x1x4096xf32, #tpu.memory_space<hbm>>
        %dma_wait3A_535 = tpu.memref_squeeze %dma_wait3A_534 : memref<1x1x4096xf32, #tpu.memory_space<hbm>> -> memref<4096xf32, #tpu.memory_space<hbm>>
        %dma_wait3A_536 = arith.constant 0 : i32
        %dma_wait3A_537 = tpu.memref_slice %arg4[%dma_wait3A_530, %while3A_270, %dma_wait3A_536] : memref<10x4096x8192xf32, #tpu.memory_space<hbm>> -> memref<1x1x4096xf32, #tpu.memory_space<hbm>>
        %dma_wait3A_538 = tpu.memref_squeeze %dma_wait3A_537 : memref<1x1x4096xf32, #tpu.memory_space<hbm>> -> memref<4096xf32, #tpu.memory_space<hbm>>
        %dma_wait3A_539 = arith.constant 0 : i32
        %dma_wait3A_540 = tpu.memref_slice %arg7[%dma_wait3A_539] : memref<36864xf32, #tpu.memory_space<vmem>> -> memref<4096xf32, #tpu.memory_space<vmem>>
        tpu.wait_dma2 semaphore(%arg16 : memref<!tpu.dma_semaphore, #tpu.memory_space<semaphore_mem>>) src(%dma_wait3A_540 : memref<4096xf32, #tpu.memory_space<vmem>>) dst(%dma_wait3A_538 : memref<4096xf32, #tpu.memory_space<hbm>>)
        %dma_wait3A_541 = arith.constant 2 : i32
        %dma_wait3A_542 = arith.constant 4096 : i32
        %dma_wait3A_543 = tpu.memref_slice %arg7[%dma_wait3A_542] : memref<36864xf32, #tpu.memory_space<vmem>> -> memref<4096xf32, #tpu.memory_space<vmem>>
        %dma_wait3A_544 = arith.constant 0 : i32
        %dma_wait3A_545 = tpu.memref_slice %arg4[%dma_wait3A_541, %while3A_270, %dma_wait3A_544] : memref<10x4096x8192xf32, #tpu.memory_space<hbm>> -> memref<1x1x4096xf32, #tpu.memory_space<hbm>>
        %dma_wait3A_546 = tpu.memref_squeeze %dma_wait3A_545 : memref<1x1x4096xf32, #tpu.memory_space<hbm>> -> memref<4096xf32, #tpu.memory_space<hbm>>
        %dma_wait3A_547 = arith.constant 0 : i32
        %dma_wait3A_548 = tpu.memref_slice %arg4[%dma_wait3A_541, %while3A_270, %dma_wait3A_547] : memref<10x4096x8192xf32, #tpu.memory_space<hbm>> -> memref<1x1x4096xf32, #tpu.memory_space<hbm>>
        %dma_wait3A_549 = tpu.memref_squeeze %dma_wait3A_548 : memref<1x1x4096xf32, #tpu.memory_space<hbm>> -> memref<4096xf32, #tpu.memory_space<hbm>>
        %dma_wait3A_550 = arith.constant 4096 : i32
        %dma_wait3A_551 = tpu.memref_slice %arg7[%dma_wait3A_550] : memref<36864xf32, #tpu.memory_space<vmem>> -> memref<4096xf32, #tpu.memory_space<vmem>>
        tpu.wait_dma2 semaphore(%arg16 : memref<!tpu.dma_semaphore, #tpu.memory_space<semaphore_mem>>) src(%dma_wait3A_551 : memref<4096xf32, #tpu.memory_space<vmem>>) dst(%dma_wait3A_549 : memref<4096xf32, #tpu.memory_space<hbm>>)
        %dma_wait3A_552 = arith.constant 3 : i32
        %dma_wait3A_553 = arith.constant 8192 : i32
        %dma_wait3A_554 = tpu.memref_slice %arg7[%dma_wait3A_553] : memref<36864xf32, #tpu.memory_space<vmem>> -> memref<4096xf32, #tpu.memory_space<vmem>>
        %dma_wait3A_555 = arith.constant 0 : i32
        %dma_wait3A_556 = tpu.memref_slice %arg4[%dma_wait3A_552, %while3A_270, %dma_wait3A_555] : memref<10x4096x8192xf32, #tpu.memory_space<hbm>> -> memref<1x1x4096xf32, #tpu.memory_space<hbm>>
        %dma_wait3A_557 = tpu.memref_squeeze %dma_wait3A_556 : memref<1x1x4096xf32, #tpu.memory_space<hbm>> -> memref<4096xf32, #tpu.memory_space<hbm>>
        %dma_wait3A_558 = arith.constant 0 : i32
        %dma_wait3A_559 = tpu.memref_slice %arg4[%dma_wait3A_552, %while3A_270, %dma_wait3A_558] : memref<10x4096x8192xf32, #tpu.memory_space<hbm>> -> memref<1x1x4096xf32, #tpu.memory_space<hbm>>
        %dma_wait3A_560 = tpu.memref_squeeze %dma_wait3A_559 : memref<1x1x4096xf32, #tpu.memory_space<hbm>> -> memref<4096xf32, #tpu.memory_space<hbm>>
        %dma_wait3A_561 = arith.constant 8192 : i32
        %dma_wait3A_562 = tpu.memref_slice %arg7[%dma_wait3A_561] : memref<36864xf32, #tpu.memory_space<vmem>> -> memref<4096xf32, #tpu.memory_space<vmem>>
        tpu.wait_dma2 semaphore(%arg16 : memref<!tpu.dma_semaphore, #tpu.memory_space<semaphore_mem>>) src(%dma_wait3A_562 : memref<4096xf32, #tpu.memory_space<vmem>>) dst(%dma_wait3A_560 : memref<4096xf32, #tpu.memory_space<hbm>>)
        %dma_wait3A_563 = arith.constant 4 : i32
        %dma_wait3A_564 = arith.constant 12288 : i32
        %dma_wait3A_565 = tpu.memref_slice %arg7[%dma_wait3A_564] : memref<36864xf32, #tpu.memory_space<vmem>> -> memref<4096xf32, #tpu.memory_space<vmem>>
        %dma_wait3A_566 = arith.constant 0 : i32
        %dma_wait3A_567 = tpu.memref_slice %arg4[%dma_wait3A_563, %while3A_270, %dma_wait3A_566] : memref<10x4096x8192xf32, #tpu.memory_space<hbm>> -> memref<1x1x4096xf32, #tpu.memory_space<hbm>>
        %dma_wait3A_568 = tpu.memref_squeeze %dma_wait3A_567 : memref<1x1x4096xf32, #tpu.memory_space<hbm>> -> memref<4096xf32, #tpu.memory_space<hbm>>
        %dma_wait3A_569 = arith.constant 0 : i32
        %dma_wait3A_570 = tpu.memref_slice %arg4[%dma_wait3A_563, %while3A_270, %dma_wait3A_569] : memref<10x4096x8192xf32, #tpu.memory_space<hbm>> -> memref<1x1x4096xf32, #tpu.memory_space<hbm>>
        %dma_wait3A_571 = tpu.memref_squeeze %dma_wait3A_570 : memref<1x1x4096xf32, #tpu.memory_space<hbm>> -> memref<4096xf32, #tpu.memory_space<hbm>>
        %dma_wait3A_572 = arith.constant 12288 : i32
        %dma_wait3A_573 = tpu.memref_slice %arg7[%dma_wait3A_572] : memref<36864xf32, #tpu.memory_space<vmem>> -> memref<4096xf32, #tpu.memory_space<vmem>>
        tpu.wait_dma2 semaphore(%arg16 : memref<!tpu.dma_semaphore, #tpu.memory_space<semaphore_mem>>) src(%dma_wait3A_573 : memref<4096xf32, #tpu.memory_space<vmem>>) dst(%dma_wait3A_571 : memref<4096xf32, #tpu.memory_space<hbm>>)
        %dma_wait3A_574 = arith.constant 5 : i32
        %dma_wait3A_575 = arith.constant 16384 : i32
        %dma_wait3A_576 = tpu.memref_slice %arg7[%dma_wait3A_575] : memref<36864xf32, #tpu.memory_space<vmem>> -> memref<4096xf32, #tpu.memory_space<vmem>>
        %dma_wait3A_577 = arith.constant 0 : i32
        %dma_wait3A_578 = tpu.memref_slice %arg4[%dma_wait3A_574, %while3A_270, %dma_wait3A_577] : memref<10x4096x8192xf32, #tpu.memory_space<hbm>> -> memref<1x1x4096xf32, #tpu.memory_space<hbm>>
        %dma_wait3A_579 = tpu.memref_squeeze %dma_wait3A_578 : memref<1x1x4096xf32, #tpu.memory_space<hbm>> -> memref<4096xf32, #tpu.memory_space<hbm>>
        %dma_wait3A_580 = arith.constant 0 : i32
        %dma_wait3A_581 = tpu.memref_slice %arg4[%dma_wait3A_574, %while3A_270, %dma_wait3A_580] : memref<10x4096x8192xf32, #tpu.memory_space<hbm>> -> memref<1x1x4096xf32, #tpu.memory_space<hbm>>
        %dma_wait3A_582 = tpu.memref_squeeze %dma_wait3A_581 : memref<1x1x4096xf32, #tpu.memory_space<hbm>> -> memref<4096xf32, #tpu.memory_space<hbm>>
        %dma_wait3A_583 = arith.constant 16384 : i32
        %dma_wait3A_584 = tpu.memref_slice %arg7[%dma_wait3A_583] : memref<36864xf32, #tpu.memory_space<vmem>> -> memref<4096xf32, #tpu.memory_space<vmem>>
        tpu.wait_dma2 semaphore(%arg16 : memref<!tpu.dma_semaphore, #tpu.memory_space<semaphore_mem>>) src(%dma_wait3A_584 : memref<4096xf32, #tpu.memory_space<vmem>>) dst(%dma_wait3A_582 : memref<4096xf32, #tpu.memory_space<hbm>>)
        %dma_wait3A_585 = arith.constant 6 : i32
        %dma_wait3A_586 = arith.constant 20480 : i32
        %dma_wait3A_587 = tpu.memref_slice %arg7[%dma_wait3A_586] : memref<36864xf32, #tpu.memory_space<vmem>> -> memref<4096xf32, #tpu.memory_space<vmem>>
        %dma_wait3A_588 = arith.constant 0 : i32
        %dma_wait3A_589 = tpu.memref_slice %arg4[%dma_wait3A_585, %while3A_270, %dma_wait3A_588] : memref<10x4096x8192xf32, #tpu.memory_space<hbm>> -> memref<1x1x4096xf32, #tpu.memory_space<hbm>>
        %dma_wait3A_590 = tpu.memref_squeeze %dma_wait3A_589 : memref<1x1x4096xf32, #tpu.memory_space<hbm>> -> memref<4096xf32, #tpu.memory_space<hbm>>
        %dma_wait3A_591 = arith.constant 0 : i32
        %dma_wait3A_592 = tpu.memref_slice %arg4[%dma_wait3A_585, %while3A_270, %dma_wait3A_591] : memref<10x4096x8192xf32, #tpu.memory_space<hbm>> -> memref<1x1x4096xf32, #tpu.memory_space<hbm>>
        %dma_wait3A_593 = tpu.memref_squeeze %dma_wait3A_592 : memref<1x1x4096xf32, #tpu.memory_space<hbm>> -> memref<4096xf32, #tpu.memory_space<hbm>>
        %dma_wait3A_594 = arith.constant 20480 : i32
        %dma_wait3A_595 = tpu.memref_slice %arg7[%dma_wait3A_594] : memref<36864xf32, #tpu.memory_space<vmem>> -> memref<4096xf32, #tpu.memory_space<vmem>>
        tpu.wait_dma2 semaphore(%arg16 : memref<!tpu.dma_semaphore, #tpu.memory_space<semaphore_mem>>) src(%dma_wait3A_595 : memref<4096xf32, #tpu.memory_space<vmem>>) dst(%dma_wait3A_593 : memref<4096xf32, #tpu.memory_space<hbm>>)
        %dma_wait3A_596 = arith.constant 7 : i32
        %dma_wait3A_597 = arith.constant 24576 : i32
        %dma_wait3A_598 = tpu.memref_slice %arg7[%dma_wait3A_597] : memref<36864xf32, #tpu.memory_space<vmem>> -> memref<4096xf32, #tpu.memory_space<vmem>>
        %dma_wait3A_599 = arith.constant 0 : i32
        %dma_wait3A_600 = tpu.memref_slice %arg4[%dma_wait3A_596, %while3A_270, %dma_wait3A_599] : memref<10x4096x8192xf32, #tpu.memory_space<hbm>> -> memref<1x1x4096xf32, #tpu.memory_space<hbm>>
        %dma_wait3A_601 = tpu.memref_squeeze %dma_wait3A_600 : memref<1x1x4096xf32, #tpu.memory_space<hbm>> -> memref<4096xf32, #tpu.memory_space<hbm>>
        %dma_wait3A_602 = arith.constant 0 : i32
        %dma_wait3A_603 = tpu.memref_slice %arg4[%dma_wait3A_596, %while3A_270, %dma_wait3A_602] : memref<10x4096x8192xf32, #tpu.memory_space<hbm>> -> memref<1x1x4096xf32, #tpu.memory_space<hbm>>
        %dma_wait3A_604 = tpu.memref_squeeze %dma_wait3A_603 : memref<1x1x4096xf32, #tpu.memory_space<hbm>> -> memref<4096xf32, #tpu.memory_space<hbm>>
        %dma_wait3A_605 = arith.constant 24576 : i32
        %dma_wait3A_606 = tpu.memref_slice %arg7[%dma_wait3A_605] : memref<36864xf32, #tpu.memory_space<vmem>> -> memref<4096xf32, #tpu.memory_space<vmem>>
        tpu.wait_dma2 semaphore(%arg16 : memref<!tpu.dma_semaphore, #tpu.memory_space<semaphore_mem>>) src(%dma_wait3A_606 : memref<4096xf32, #tpu.memory_space<vmem>>) dst(%dma_wait3A_604 : memref<4096xf32, #tpu.memory_space<hbm>>)
        %dma_wait3A_607 = arith.constant 8 : i32
        %dma_wait3A_608 = arith.constant 28672 : i32
        %dma_wait3A_609 = tpu.memref_slice %arg7[%dma_wait3A_608] : memref<36864xf32, #tpu.memory_space<vmem>> -> memref<4096xf32, #tpu.memory_space<vmem>>
        %dma_wait3A_610 = arith.constant 0 : i32
        %dma_wait3A_611 = tpu.memref_slice %arg4[%dma_wait3A_607, %while3A_270, %dma_wait3A_610] : memref<10x4096x8192xf32, #tpu.memory_space<hbm>> -> memref<1x1x4096xf32, #tpu.memory_space<hbm>>
        %dma_wait3A_612 = tpu.memref_squeeze %dma_wait3A_611 : memref<1x1x4096xf32, #tpu.memory_space<hbm>> -> memref<4096xf32, #tpu.memory_space<hbm>>
        %dma_wait3A_613 = arith.constant 0 : i32
        %dma_wait3A_614 = tpu.memref_slice %arg4[%dma_wait3A_607, %while3A_270, %dma_wait3A_613] : memref<10x4096x8192xf32, #tpu.memory_space<hbm>> -> memref<1x1x4096xf32, #tpu.memory_space<hbm>>
        %dma_wait3A_615 = tpu.memref_squeeze %dma_wait3A_614 : memref<1x1x4096xf32, #tpu.memory_space<hbm>> -> memref<4096xf32, #tpu.memory_space<hbm>>
        %dma_wait3A_616 = arith.constant 28672 : i32
        %dma_wait3A_617 = tpu.memref_slice %arg7[%dma_wait3A_616] : memref<36864xf32, #tpu.memory_space<vmem>> -> memref<4096xf32, #tpu.memory_space<vmem>>
        tpu.wait_dma2 semaphore(%arg16 : memref<!tpu.dma_semaphore, #tpu.memory_space<semaphore_mem>>) src(%dma_wait3A_617 : memref<4096xf32, #tpu.memory_space<vmem>>) dst(%dma_wait3A_615 : memref<4096xf32, #tpu.memory_space<hbm>>)
        %dma_wait3A_618 = arith.constant 9 : i32
        %dma_wait3A_619 = arith.constant 32768 : i32
        %dma_wait3A_620 = tpu.memref_slice %arg7[%dma_wait3A_619] : memref<36864xf32, #tpu.memory_space<vmem>> -> memref<4096xf32, #tpu.memory_space<vmem>>
        %dma_wait3A_621 = arith.constant 0 : i32
        %dma_wait3A_622 = tpu.memref_slice %arg4[%dma_wait3A_618, %while3A_270, %dma_wait3A_621] : memref<10x4096x8192xf32, #tpu.memory_space<hbm>> -> memref<1x1x4096xf32, #tpu.memory_space<hbm>>
        %dma_wait3A_623 = tpu.memref_squeeze %dma_wait3A_622 : memref<1x1x4096xf32, #tpu.memory_space<hbm>> -> memref<4096xf32, #tpu.memory_space<hbm>>
        %dma_wait3A_624 = arith.constant 0 : i32
        %dma_wait3A_625 = tpu.memref_slice %arg4[%dma_wait3A_618, %while3A_270, %dma_wait3A_624] : memref<10x4096x8192xf32, #tpu.memory_space<hbm>> -> memref<1x1x4096xf32, #tpu.memory_space<hbm>>
        %dma_wait3A_626 = tpu.memref_squeeze %dma_wait3A_625 : memref<1x1x4096xf32, #tpu.memory_space<hbm>> -> memref<4096xf32, #tpu.memory_space<hbm>>
        %dma_wait3A_627 = arith.constant 32768 : i32
        %dma_wait3A_628 = tpu.memref_slice %arg7[%dma_wait3A_627] : memref<36864xf32, #tpu.memory_space<vmem>> -> memref<4096xf32, #tpu.memory_space<vmem>>
        tpu.wait_dma2 semaphore(%arg16 : memref<!tpu.dma_semaphore, #tpu.memory_space<semaphore_mem>>) src(%dma_wait3A_628 : memref<4096xf32, #tpu.memory_space<vmem>>) dst(%dma_wait3A_626 : memref<4096xf32, #tpu.memory_space<hbm>>)
        %dma_wait3A_629 = arith.constant 0 : i32
        %dma_wait3A_630 = arith.constant 0 : i32
        %dma_wait3A_631 = tpu.memref_slice %arg4[%dma_wait3A_629, %while3A_270, %dma_wait3A_630] : memref<10x4096x8192xf32, #tpu.memory_space<hbm>> -> memref<1x1x4096xf32, #tpu.memory_space<hbm>>
        %dma_wait3A_632 = tpu.memref_squeeze %dma_wait3A_631 : memref<1x1x4096xf32, #tpu.memory_space<hbm>> -> memref<4096xf32, #tpu.memory_space<hbm>>
        %dma_wait3A_633 = arith.constant 0 : i32
        %dma_wait3A_634 = tpu.memref_slice %arg4[%dma_wait3A_629, %while3A_270, %dma_wait3A_633] : memref<10x4096x8192xf32, #tpu.memory_space<hbm>> -> memref<1x1x4096xf32, #tpu.memory_space<hbm>>
        %dma_wait3A_635 = tpu.memref_squeeze %dma_wait3A_634 : memref<1x1x4096xf32, #tpu.memory_space<hbm>> -> memref<4096xf32, #tpu.memory_space<hbm>>
        tpu.wait_dma2 semaphore(%arg16 : memref<!tpu.dma_semaphore, #tpu.memory_space<semaphore_mem>>) src(%arg11 : memref<4096xf32, #tpu.memory_space<vmem>>) dst(%dma_wait3A_635 : memref<4096xf32, #tpu.memory_space<hbm>>)
      } else {
      }
      %dma_wait3A_279 = arith.constant 0 : i32
      %dma_wait3A_280 = tpu.memref_slice %arg2[%while3A_270, %dma_wait3A_279] : memref<4096x8192xf32, #tpu.memory_space<hbm>> -> memref<1x4096xf32, #tpu.memory_space<hbm>>
      %dma_wait3A_281 = tpu.memref_squeeze %dma_wait3A_280 : memref<1x4096xf32, #tpu.memory_space<hbm>> -> memref<4096xf32, #tpu.memory_space<hbm>>
      %dma_wait3A_282 = arith.constant 0 : i32
      %dma_wait3A_283 = tpu.memref_slice %arg2[%while3A_270, %dma_wait3A_282] : memref<4096x8192xf32, #tpu.memory_space<hbm>> -> memref<1x4096xf32, #tpu.memory_space<hbm>>
      %dma_wait3A_284 = tpu.memref_squeeze %dma_wait3A_283 : memref<1x4096xf32, #tpu.memory_space<hbm>> -> memref<4096xf32, #tpu.memory_space<hbm>>
      tpu.wait_dma2 semaphore(%arg14 : memref<!tpu.dma_semaphore, #tpu.memory_space<semaphore_mem>>) src(%dma_wait3A_284 : memref<4096xf32, #tpu.memory_space<hbm>>) dst(%arg5 : memref<4096xf32, #tpu.memory_space<vmem>>)
      %gt3A_285 = arith.cmpi sgt, %while3A_270, %mul3A_2 : i32
      %convert_element_type3A_286 = arith.extui %gt3A_285 : i1 to i32
      %cond3A_287 = arith.constant 0 : i32
      %cond3A_288 = arith.cmpi ne, %convert_element_type3A_286, %cond3A_287 : i32
      scf.if %cond3A_288 {
        %parallel_loop3A_530 = arith.constant 0 : i32
        %parallel_loop3A_531 = arith.constant 256 : i32
        %parallel_loop3A_532 = arith.constant 1 : i32
        scf.for %parallel_loop3A_533 = %parallel_loop3A_530 to %parallel_loop3A_531 step %parallel_loop3A_532  : i32 {
          %parallel_loop3A_534 = arith.constant 16 : i32
          %parallel_loop3A_535 = arith.muli %parallel_loop3A_533, %parallel_loop3A_534 : i32
          %parallel_loop3A_536 = arith.index_cast %parallel_loop3A_535 : i32 to index
          %parallel_loop3A_537 = tpu.vector_load %arg9[%parallel_loop3A_536] {strides = array<i32>} : memref<4096xi32, #tpu.memory_space<vmem>>, vector<16xi32>,
          %parallel_loop3A_538 = arith.constant 16 : i32
          %parallel_loop3A_539 = arith.muli %parallel_loop3A_533, %parallel_loop3A_538 : i32
          %parallel_loop3A_540 = arith.index_cast %parallel_loop3A_539 : i32 to index
          %parallel_loop3A_541 = tpu.vector_load %arg5[%parallel_loop3A_540] {strides = array<i32>} : memref<4096xf32, #tpu.memory_space<vmem>>, vector<16xf32>,
          %parallel_loop3A_542 = arith.cmpf ogt, %parallel_loop3A_541, %broadcast_in_dim3A : vector<16xf32>
          %parallel_loop3A_543 = arith.constant 1 : i32
          %parallel_loop3A_544 = arith.constant 0 : i32
          %parallel_loop3A_545 = vector.broadcast %parallel_loop3A_543 : i32 to vector<16xi32>
          %parallel_loop3A_546 = vector.broadcast %parallel_loop3A_544 : i32 to vector<16xi32>
          %parallel_loop3A_547 = arith.select %parallel_loop3A_542, %parallel_loop3A_545, %parallel_loop3A_546 : vector<16xi1>, vector<16xi32>
          %parallel_loop3A_548 = arith.cmpf ogt, %parallel_loop3A_541, %broadcast_in_dim3A_6 : vector<16xf32>
          %parallel_loop3A_549 = arith.constant 1 : i32
          %parallel_loop3A_550 = arith.constant 0 : i32
          %parallel_loop3A_551 = vector.broadcast %parallel_loop3A_549 : i32 to vector<16xi32>
          %parallel_loop3A_552 = vector.broadcast %parallel_loop3A_550 : i32 to vector<16xi32>
          %parallel_loop3A_553 = arith.select %parallel_loop3A_548, %parallel_loop3A_551, %parallel_loop3A_552 : vector<16xi1>, vector<16xi32>
          %parallel_loop3A_554 = arith.addi %parallel_loop3A_547, %parallel_loop3A_553 : vector<16xi32>
          %parallel_loop3A_555 = arith.cmpf ogt, %parallel_loop3A_541, %broadcast_in_dim3A_9 : vector<16xf32>
          %parallel_loop3A_556 = arith.constant 1 : i32
          %parallel_loop3A_557 = arith.constant 0 : i32
          %parallel_loop3A_558 = vector.broadcast %parallel_loop3A_556 : i32 to vector<16xi32>
          %parallel_loop3A_559 = vector.broadcast %parallel_loop3A_557 : i32 to vector<16xi32>
          %parallel_loop3A_560 = arith.select %parallel_loop3A_555, %parallel_loop3A_558, %parallel_loop3A_559 : vector<16xi1>, vector<16xi32>
          %parallel_loop3A_561 = arith.addi %parallel_loop3A_554, %parallel_loop3A_560 : vector<16xi32>
          %parallel_loop3A_562 = arith.cmpf ogt, %parallel_loop3A_541, %broadcast_in_dim3A_12 : vector<16xf32>
          %parallel_loop3A_563 = arith.constant 1 : i32
          %parallel_loop3A_564 = arith.constant 0 : i32
          %parallel_loop3A_565 = vector.broadcast %parallel_loop3A_563 : i32 to vector<16xi32>
          %parallel_loop3A_566 = vector.broadcast %parallel_loop3A_564 : i32 to vector<16xi32>
          %parallel_loop3A_567 = arith.select %parallel_loop3A_562, %parallel_loop3A_565, %parallel_loop3A_566 : vector<16xi1>, vector<16xi32>
          %parallel_loop3A_568 = arith.addi %parallel_loop3A_561, %parallel_loop3A_567 : vector<16xi32>
          %parallel_loop3A_569 = arith.cmpf ogt, %parallel_loop3A_541, %broadcast_in_dim3A_15 : vector<16xf32>
          %parallel_loop3A_570 = arith.constant 1 : i32
          %parallel_loop3A_571 = arith.constant 0 : i32
          %parallel_loop3A_572 = vector.broadcast %parallel_loop3A_570 : i32 to vector<16xi32>
          %parallel_loop3A_573 = vector.broadcast %parallel_loop3A_571 : i32 to vector<16xi32>
          %parallel_loop3A_574 = arith.select %parallel_loop3A_569, %parallel_loop3A_572, %parallel_loop3A_573 : vector<16xi1>, vector<16xi32>
          %parallel_loop3A_575 = arith.addi %parallel_loop3A_568, %parallel_loop3A_574 : vector<16xi32>
          %parallel_loop3A_576 = arith.cmpf ogt, %parallel_loop3A_541, %broadcast_in_dim3A_18 : vector<16xf32>
          %parallel_loop3A_577 = arith.constant 1 : i32
          %parallel_loop3A_578 = arith.constant 0 : i32
          %parallel_loop3A_579 = vector.broadcast %parallel_loop3A_577 : i32 to vector<16xi32>
          %parallel_loop3A_580 = vector.broadcast %parallel_loop3A_578 : i32 to vector<16xi32>
          %parallel_loop3A_581 = arith.select %parallel_loop3A_576, %parallel_loop3A_579, %parallel_loop3A_580 : vector<16xi1>, vector<16xi32>
          %parallel_loop3A_582 = arith.addi %parallel_loop3A_575, %parallel_loop3A_581 : vector<16xi32>
          %parallel_loop3A_583 = arith.cmpf ogt, %parallel_loop3A_541, %broadcast_in_dim3A_21 : vector<16xf32>
          %parallel_loop3A_584 = arith.constant 1 : i32
          %parallel_loop3A_585 = arith.constant 0 : i32
          %parallel_loop3A_586 = vector.broadcast %parallel_loop3A_584 : i32 to vector<16xi32>
          %parallel_loop3A_587 = vector.broadcast %parallel_loop3A_585 : i32 to vector<16xi32>
          %parallel_loop3A_588 = arith.select %parallel_loop3A_583, %parallel_loop3A_586, %parallel_loop3A_587 : vector<16xi1>, vector<16xi32>
          %parallel_loop3A_589 = arith.addi %parallel_loop3A_582, %parallel_loop3A_588 : vector<16xi32>
          %parallel_loop3A_590 = arith.cmpf ogt, %parallel_loop3A_541, %broadcast_in_dim3A_24 : vector<16xf32>
          %parallel_loop3A_591 = arith.constant 1 : i32
          %parallel_loop3A_592 = arith.constant 0 : i32
          %parallel_loop3A_593 = vector.broadcast %parallel_loop3A_591 : i32 to vector<16xi32>
          %parallel_loop3A_594 = vector.broadcast %parallel_loop3A_592 : i32 to vector<16xi32>
          %parallel_loop3A_595 = arith.select %parallel_loop3A_590, %parallel_loop3A_593, %parallel_loop3A_594 : vector<16xi1>, vector<16xi32>
          %parallel_loop3A_596 = arith.addi %parallel_loop3A_589, %parallel_loop3A_595 : vector<16xi32>
          %parallel_loop3A_597 = arith.constant 4096 : i32
          %parallel_loop3A_598 = vector.broadcast %parallel_loop3A_597 : i32 to vector<16xi32>
          %parallel_loop3A_599 = arith.muli %parallel_loop3A_596, %parallel_loop3A_598 : vector<16xi32>
          %parallel_loop3A_600 = arith.constant 16 : i32
          %parallel_loop3A_601 = arith.muli %parallel_loop3A_533, %parallel_loop3A_600 : i32
          %parallel_loop3A_602 = vector.broadcast %parallel_loop3A_601 : i32 to vector<16xi32>
          %parallel_loop3A_603 = arith.addi %parallel_loop3A_602, %iota3A : vector<16xi32>
          %parallel_loop3A_604 = arith.addi %parallel_loop3A_599, %parallel_loop3A_603 : vector<16xi32>
          %parallel_loop3A_605 = arith.constant 16 : i32
          %parallel_loop3A_606 = arith.muli %parallel_loop3A_533, %parallel_loop3A_605 : i32
          %parallel_loop3A_607 = arith.index_cast %parallel_loop3A_606 : i32 to index
          %parallel_loop3A_608 = tpu.vector_load %arg9[%parallel_loop3A_607] {strides = array<i32>} : memref<4096xi32, #tpu.memory_space<vmem>>, vector<16xi32>,
          tpu.vector_store %arg9[%parallel_loop3A_607], %parallel_loop3A_604 {strides = array<i32>} : memref<4096xi32, #tpu.memory_space<vmem>>, vector<16xi32>,
          tpu.vector_store_idx %arg7[%parallel_loop3A_604], %get3A_32 : memref<36864xf32, #tpu.memory_space<vmem>>[vector<16xi32>], vector<16xf32>,
          %parallel_loop3A_609 = arith.cmpi ne, %parallel_loop3A_537, %parallel_loop3A_604 : vector<16xi32>
          tpu.vector_store_idx %arg7[%parallel_loop3A_537], %get3A_35 masked %parallel_loop3A_609 : memref<36864xf32, #tpu.memory_space<vmem>>[vector<16xi32>], vector<16xf32>, vector<16xi1>
        } {sc.loop_unroll_factor = 8 : i64, sc.parallel_access}
      } else {
      }
      %eq3A = arith.cmpi eq, %while3A_270, %mul3A_2 : i32
      %convert_element_type3A_289 = arith.extui %eq3A : i1 to i32
      %cond3A_290 = arith.constant 0 : i32
      %cond3A_291 = arith.cmpi ne, %convert_element_type3A_289, %cond3A_290 : i32
      scf.if %cond3A_291 {
        %parallel_loop3A_530 = arith.constant 0 : i32
        %parallel_loop3A_531 = arith.constant 256 : i32
        %parallel_loop3A_532 = arith.constant 1 : i32
        scf.for %parallel_loop3A_533 = %parallel_loop3A_530 to %parallel_loop3A_531 step %parallel_loop3A_532  : i32 {
          %parallel_loop3A_534 = arith.constant 16 : i32
          %parallel_loop3A_535 = arith.muli %parallel_loop3A_533, %parallel_loop3A_534 : i32
          %parallel_loop3A_536 = arith.index_cast %parallel_loop3A_535 : i32 to index
          %parallel_loop3A_537 = tpu.vector_load %arg5[%parallel_loop3A_536] {strides = array<i32>} : memref<4096xf32, #tpu.memory_space<vmem>>, vector<16xf32>,
          %parallel_loop3A_538 = arith.cmpf ogt, %parallel_loop3A_537, %broadcast_in_dim3A : vector<16xf32>
          %parallel_loop3A_539 = arith.constant 1 : i32
          %parallel_loop3A_540 = arith.constant 0 : i32
          %parallel_loop3A_541 = vector.broadcast %parallel_loop3A_539 : i32 to vector<16xi32>
          %parallel_loop3A_542 = vector.broadcast %parallel_loop3A_540 : i32 to vector<16xi32>
          %parallel_loop3A_543 = arith.select %parallel_loop3A_538, %parallel_loop3A_541, %parallel_loop3A_542 : vector<16xi1>, vector<16xi32>
          %parallel_loop3A_544 = arith.cmpf ogt, %parallel_loop3A_537, %broadcast_in_dim3A_6 : vector<16xf32>
          %parallel_loop3A_545 = arith.constant 1 : i32
          %parallel_loop3A_546 = arith.constant 0 : i32
          %parallel_loop3A_547 = vector.broadcast %parallel_loop3A_545 : i32 to vector<16xi32>
          %parallel_loop3A_548 = vector.broadcast %parallel_loop3A_546 : i32 to vector<16xi32>
          %parallel_loop3A_549 = arith.select %parallel_loop3A_544, %parallel_loop3A_547, %parallel_loop3A_548 : vector<16xi1>, vector<16xi32>
          %parallel_loop3A_550 = arith.addi %parallel_loop3A_543, %parallel_loop3A_549 : vector<16xi32>
          %parallel_loop3A_551 = arith.cmpf ogt, %parallel_loop3A_537, %broadcast_in_dim3A_9 : vector<16xf32>
          %parallel_loop3A_552 = arith.constant 1 : i32
          %parallel_loop3A_553 = arith.constant 0 : i32
          %parallel_loop3A_554 = vector.broadcast %parallel_loop3A_552 : i32 to vector<16xi32>
          %parallel_loop3A_555 = vector.broadcast %parallel_loop3A_553 : i32 to vector<16xi32>
          %parallel_loop3A_556 = arith.select %parallel_loop3A_551, %parallel_loop3A_554, %parallel_loop3A_555 : vector<16xi1>, vector<16xi32>
          %parallel_loop3A_557 = arith.addi %parallel_loop3A_550, %parallel_loop3A_556 : vector<16xi32>
          %parallel_loop3A_558 = arith.cmpf ogt, %parallel_loop3A_537, %broadcast_in_dim3A_12 : vector<16xf32>
          %parallel_loop3A_559 = arith.constant 1 : i32
          %parallel_loop3A_560 = arith.constant 0 : i32
          %parallel_loop3A_561 = vector.broadcast %parallel_loop3A_559 : i32 to vector<16xi32>
          %parallel_loop3A_562 = vector.broadcast %parallel_loop3A_560 : i32 to vector<16xi32>
          %parallel_loop3A_563 = arith.select %parallel_loop3A_558, %parallel_loop3A_561, %parallel_loop3A_562 : vector<16xi1>, vector<16xi32>
          %parallel_loop3A_564 = arith.addi %parallel_loop3A_557, %parallel_loop3A_563 : vector<16xi32>
          %parallel_loop3A_565 = arith.cmpf ogt, %parallel_loop3A_537, %broadcast_in_dim3A_15 : vector<16xf32>
          %parallel_loop3A_566 = arith.constant 1 : i32
          %parallel_loop3A_567 = arith.constant 0 : i32
          %parallel_loop3A_568 = vector.broadcast %parallel_loop3A_566 : i32 to vector<16xi32>
          %parallel_loop3A_569 = vector.broadcast %parallel_loop3A_567 : i32 to vector<16xi32>
          %parallel_loop3A_570 = arith.select %parallel_loop3A_565, %parallel_loop3A_568, %parallel_loop3A_569 : vector<16xi1>, vector<16xi32>
          %parallel_loop3A_571 = arith.addi %parallel_loop3A_564, %parallel_loop3A_570 : vector<16xi32>
          %parallel_loop3A_572 = arith.cmpf ogt, %parallel_loop3A_537, %broadcast_in_dim3A_18 : vector<16xf32>
          %parallel_loop3A_573 = arith.constant 1 : i32
          %parallel_loop3A_574 = arith.constant 0 : i32
          %parallel_loop3A_575 = vector.broadcast %parallel_loop3A_573 : i32 to vector<16xi32>
          %parallel_loop3A_576 = vector.broadcast %parallel_loop3A_574 : i32 to vector<16xi32>
          %parallel_loop3A_577 = arith.select %parallel_loop3A_572, %parallel_loop3A_575, %parallel_loop3A_576 : vector<16xi1>, vector<16xi32>
          %parallel_loop3A_578 = arith.addi %parallel_loop3A_571, %parallel_loop3A_577 : vector<16xi32>
          %parallel_loop3A_579 = arith.cmpf ogt, %parallel_loop3A_537, %broadcast_in_dim3A_21 : vector<16xf32>
          %parallel_loop3A_580 = arith.constant 1 : i32
          %parallel_loop3A_581 = arith.constant 0 : i32
          %parallel_loop3A_582 = vector.broadcast %parallel_loop3A_580 : i32 to vector<16xi32>
          %parallel_loop3A_583 = vector.broadcast %parallel_loop3A_581 : i32 to vector<16xi32>
          %parallel_loop3A_584 = arith.select %parallel_loop3A_579, %parallel_loop3A_582, %parallel_loop3A_583 : vector<16xi1>, vector<16xi32>
          %parallel_loop3A_585 = arith.addi %parallel_loop3A_578, %parallel_loop3A_584 : vector<16xi32>
          %parallel_loop3A_586 = arith.cmpf ogt, %parallel_loop3A_537, %broadcast_in_dim3A_24 : vector<16xf32>
          %parallel_loop3A_587 = arith.constant 1 : i32
          %parallel_loop3A_588 = arith.constant 0 : i32
          %parallel_loop3A_589 = vector.broadcast %parallel_loop3A_587 : i32 to vector<16xi32>
          %parallel_loop3A_590 = vector.broadcast %parallel_loop3A_588 : i32 to vector<16xi32>
          %parallel_loop3A_591 = arith.select %parallel_loop3A_586, %parallel_loop3A_589, %parallel_loop3A_590 : vector<16xi1>, vector<16xi32>
          %parallel_loop3A_592 = arith.addi %parallel_loop3A_585, %parallel_loop3A_591 : vector<16xi32>
          %parallel_loop3A_593 = arith.constant 4096 : i32
          %parallel_loop3A_594 = vector.broadcast %parallel_loop3A_593 : i32 to vector<16xi32>
          %parallel_loop3A_595 = arith.muli %parallel_loop3A_592, %parallel_loop3A_594 : vector<16xi32>
          %parallel_loop3A_596 = arith.constant 16 : i32
          %parallel_loop3A_597 = arith.muli %parallel_loop3A_533, %parallel_loop3A_596 : i32
          %parallel_loop3A_598 = vector.broadcast %parallel_loop3A_597 : i32 to vector<16xi32>
          %parallel_loop3A_599 = arith.addi %parallel_loop3A_598, %iota3A : vector<16xi32>
          %parallel_loop3A_600 = arith.addi %parallel_loop3A_595, %parallel_loop3A_599 : vector<16xi32>
          %parallel_loop3A_601 = arith.constant 16 : i32
          %parallel_loop3A_602 = arith.muli %parallel_loop3A_533, %parallel_loop3A_601 : i32
          %parallel_loop3A_603 = arith.index_cast %parallel_loop3A_602 : i32 to index
          %parallel_loop3A_604 = tpu.vector_load %arg9[%parallel_loop3A_603] {strides = array<i32>} : memref<4096xi32, #tpu.memory_space<vmem>>, vector<16xi32>,
          tpu.vector_store %arg9[%parallel_loop3A_603], %parallel_loop3A_600 {strides = array<i32>} : memref<4096xi32, #tpu.memory_space<vmem>>, vector<16xi32>,
          tpu.vector_store_idx %arg7[%parallel_loop3A_600], %get3A_32 : memref<36864xf32, #tpu.memory_space<vmem>>[vector<16xi32>], vector<16xf32>,
        } {sc.loop_unroll_factor = 8 : i64, sc.parallel_access}
      } else {
      }
      %dma_start3A_292 = arith.constant 1 : i32
      %dma_start3A_293 = arith.constant 0 : i32
      %dma_start3A_294 = tpu.memref_slice %arg7[%dma_start3A_293] : memref<36864xf32, #tpu.memory_space<vmem>> -> memref<4096xf32, #tpu.memory_space<vmem>>
      %dma_start3A_295 = arith.constant 0 : i32
      %dma_start3A_296 = tpu.memref_slice %arg4[%dma_start3A_292, %while3A_270, %dma_start3A_295] : memref<10x4096x8192xf32, #tpu.memory_space<hbm>> -> memref<1x1x4096xf32, #tpu.memory_space<hbm>>
      %dma_start3A_297 = tpu.memref_squeeze %dma_start3A_296 : memref<1x1x4096xf32, #tpu.memory_space<hbm>> -> memref<4096xf32, #tpu.memory_space<hbm>>
      %dma_start3A_298 = arith.constant 0 : i32
      %dma_start3A_299 = tpu.memref_slice %arg4[%dma_start3A_292, %while3A_270, %dma_start3A_298] : memref<10x4096x8192xf32, #tpu.memory_space<hbm>> -> memref<1x1x4096xf32, #tpu.memory_space<hbm>>
      %dma_start3A_300 = tpu.memref_squeeze %dma_start3A_299 : memref<1x1x4096xf32, #tpu.memory_space<hbm>> -> memref<4096xf32, #tpu.memory_space<hbm>>
      %dma_start3A_301 = arith.constant 0 : i32
      %dma_start3A_302 = tpu.memref_slice %arg7[%dma_start3A_301] : memref<36864xf32, #tpu.memory_space<vmem>> -> memref<4096xf32, #tpu.memory_space<vmem>>
      tpu.enqueue_dma source(%dma_start3A_302 : memref<4096xf32, #tpu.memory_space<vmem>>) target(%dma_start3A_300 : memref<4096xf32, #tpu.memory_space<hbm>>) target_semaphore(%arg16 : memref<!tpu.dma_semaphore, #tpu.memory_space<semaphore_mem>>)
      %dma_start3A_303 = arith.constant 2 : i32
      %dma_start3A_304 = arith.constant 4096 : i32
      %dma_start3A_305 = tpu.memref_slice %arg7[%dma_start3A_304] : memref<36864xf32, #tpu.memory_space<vmem>> -> memref<4096xf32, #tpu.memory_space<vmem>>
      %dma_start3A_306 = arith.constant 0 : i32
      %dma_start3A_307 = tpu.memref_slice %arg4[%dma_start3A_303, %while3A_270, %dma_start3A_306] : memref<10x4096x8192xf32, #tpu.memory_space<hbm>> -> memref<1x1x4096xf32, #tpu.memory_space<hbm>>
      %dma_start3A_308 = tpu.memref_squeeze %dma_start3A_307 : memref<1x1x4096xf32, #tpu.memory_space<hbm>> -> memref<4096xf32, #tpu.memory_space<hbm>>
      %dma_start3A_309 = arith.constant 0 : i32
      %dma_start3A_310 = tpu.memref_slice %arg4[%dma_start3A_303, %while3A_270, %dma_start3A_309] : memref<10x4096x8192xf32, #tpu.memory_space<hbm>> -> memref<1x1x4096xf32, #tpu.memory_space<hbm>>
      %dma_start3A_311 = tpu.memref_squeeze %dma_start3A_310 : memref<1x1x4096xf32, #tpu.memory_space<hbm>> -> memref<4096xf32, #tpu.memory_space<hbm>>
      %dma_start3A_312 = arith.constant 4096 : i32
      %dma_start3A_313 = tpu.memref_slice %arg7[%dma_start3A_312] : memref<36864xf32, #tpu.memory_space<vmem>> -> memref<4096xf32, #tpu.memory_space<vmem>>
      tpu.enqueue_dma source(%dma_start3A_313 : memref<4096xf32, #tpu.memory_space<vmem>>) target(%dma_start3A_311 : memref<4096xf32, #tpu.memory_space<hbm>>) target_semaphore(%arg16 : memref<!tpu.dma_semaphore, #tpu.memory_space<semaphore_mem>>)
      %dma_start3A_314 = arith.constant 3 : i32
      %dma_start3A_315 = arith.constant 8192 : i32
      %dma_start3A_316 = tpu.memref_slice %arg7[%dma_start3A_315] : memref<36864xf32, #tpu.memory_space<vmem>> -> memref<4096xf32, #tpu.memory_space<vmem>>
      %dma_start3A_317 = arith.constant 0 : i32
      %dma_start3A_318 = tpu.memref_slice %arg4[%dma_start3A_314, %while3A_270, %dma_start3A_317] : memref<10x4096x8192xf32, #tpu.memory_space<hbm>> -> memref<1x1x4096xf32, #tpu.memory_space<hbm>>
      %dma_start3A_319 = tpu.memref_squeeze %dma_start3A_318 : memref<1x1x4096xf32, #tpu.memory_space<hbm>> -> memref<4096xf32, #tpu.memory_space<hbm>>
      %dma_start3A_320 = arith.constant 0 : i32
      %dma_start3A_321 = tpu.memref_slice %arg4[%dma_start3A_314, %while3A_270, %dma_start3A_320] : memref<10x4096x8192xf32, #tpu.memory_space<hbm>> -> memref<1x1x4096xf32, #tpu.memory_space<hbm>>
      %dma_start3A_322 = tpu.memref_squeeze %dma_start3A_321 : memref<1x1x4096xf32, #tpu.memory_space<hbm>> -> memref<4096xf32, #tpu.memory_space<hbm>>
      %dma_start3A_323 = arith.constant 8192 : i32
      %dma_start3A_324 = tpu.memref_slice %arg7[%dma_start3A_323] : memref<36864xf32, #tpu.memory_space<vmem>> -> memref<4096xf32, #tpu.memory_space<vmem>>
      tpu.enqueue_dma source(%dma_start3A_324 : memref<4096xf32, #tpu.memory_space<vmem>>) target(%dma_start3A_322 : memref<4096xf32, #tpu.memory_space<hbm>>) target_semaphore(%arg16 : memref<!tpu.dma_semaphore, #tpu.memory_space<semaphore_mem>>)
      %dma_start3A_325 = arith.constant 4 : i32
      %dma_start3A_326 = arith.constant 12288 : i32
      %dma_start3A_327 = tpu.memref_slice %arg7[%dma_start3A_326] : memref<36864xf32, #tpu.memory_space<vmem>> -> memref<4096xf32, #tpu.memory_space<vmem>>
      %dma_start3A_328 = arith.constant 0 : i32
      %dma_start3A_329 = tpu.memref_slice %arg4[%dma_start3A_325, %while3A_270, %dma_start3A_328] : memref<10x4096x8192xf32, #tpu.memory_space<hbm>> -> memref<1x1x4096xf32, #tpu.memory_space<hbm>>
      %dma_start3A_330 = tpu.memref_squeeze %dma_start3A_329 : memref<1x1x4096xf32, #tpu.memory_space<hbm>> -> memref<4096xf32, #tpu.memory_space<hbm>>
      %dma_start3A_331 = arith.constant 0 : i32
      %dma_start3A_332 = tpu.memref_slice %arg4[%dma_start3A_325, %while3A_270, %dma_start3A_331] : memref<10x4096x8192xf32, #tpu.memory_space<hbm>> -> memref<1x1x4096xf32, #tpu.memory_space<hbm>>
      %dma_start3A_333 = tpu.memref_squeeze %dma_start3A_332 : memref<1x1x4096xf32, #tpu.memory_space<hbm>> -> memref<4096xf32, #tpu.memory_space<hbm>>
      %dma_start3A_334 = arith.constant 12288 : i32
      %dma_start3A_335 = tpu.memref_slice %arg7[%dma_start3A_334] : memref<36864xf32, #tpu.memory_space<vmem>> -> memref<4096xf32, #tpu.memory_space<vmem>>
      tpu.enqueue_dma source(%dma_start3A_335 : memref<4096xf32, #tpu.memory_space<vmem>>) target(%dma_start3A_333 : memref<4096xf32, #tpu.memory_space<hbm>>) target_semaphore(%arg16 : memref<!tpu.dma_semaphore, #tpu.memory_space<semaphore_mem>>)
      %dma_start3A_336 = arith.constant 5 : i32
      %dma_start3A_337 = arith.constant 16384 : i32
      %dma_start3A_338 = tpu.memref_slice %arg7[%dma_start3A_337] : memref<36864xf32, #tpu.memory_space<vmem>> -> memref<4096xf32, #tpu.memory_space<vmem>>
      %dma_start3A_339 = arith.constant 0 : i32
      %dma_start3A_340 = tpu.memref_slice %arg4[%dma_start3A_336, %while3A_270, %dma_start3A_339] : memref<10x4096x8192xf32, #tpu.memory_space<hbm>> -> memref<1x1x4096xf32, #tpu.memory_space<hbm>>
      %dma_start3A_341 = tpu.memref_squeeze %dma_start3A_340 : memref<1x1x4096xf32, #tpu.memory_space<hbm>> -> memref<4096xf32, #tpu.memory_space<hbm>>
      %dma_start3A_342 = arith.constant 0 : i32
      %dma_start3A_343 = tpu.memref_slice %arg4[%dma_start3A_336, %while3A_270, %dma_start3A_342] : memref<10x4096x8192xf32, #tpu.memory_space<hbm>> -> memref<1x1x4096xf32, #tpu.memory_space<hbm>>
      %dma_start3A_344 = tpu.memref_squeeze %dma_start3A_343 : memref<1x1x4096xf32, #tpu.memory_space<hbm>> -> memref<4096xf32, #tpu.memory_space<hbm>>
      %dma_start3A_345 = arith.constant 16384 : i32
      %dma_start3A_346 = tpu.memref_slice %arg7[%dma_start3A_345] : memref<36864xf32, #tpu.memory_space<vmem>> -> memref<4096xf32, #tpu.memory_space<vmem>>
      tpu.enqueue_dma source(%dma_start3A_346 : memref<4096xf32, #tpu.memory_space<vmem>>) target(%dma_start3A_344 : memref<4096xf32, #tpu.memory_space<hbm>>) target_semaphore(%arg16 : memref<!tpu.dma_semaphore, #tpu.memory_space<semaphore_mem>>)
      %dma_start3A_347 = arith.constant 6 : i32
      %dma_start3A_348 = arith.constant 20480 : i32
      %dma_start3A_349 = tpu.memref_slice %arg7[%dma_start3A_348] : memref<36864xf32, #tpu.memory_space<vmem>> -> memref<4096xf32, #tpu.memory_space<vmem>>
      %dma_start3A_350 = arith.constant 0 : i32
      %dma_start3A_351 = tpu.memref_slice %arg4[%dma_start3A_347, %while3A_270, %dma_start3A_350] : memref<10x4096x8192xf32, #tpu.memory_space<hbm>> -> memref<1x1x4096xf32, #tpu.memory_space<hbm>>
      %dma_start3A_352 = tpu.memref_squeeze %dma_start3A_351 : memref<1x1x4096xf32, #tpu.memory_space<hbm>> -> memref<4096xf32, #tpu.memory_space<hbm>>
      %dma_start3A_353 = arith.constant 0 : i32
      %dma_start3A_354 = tpu.memref_slice %arg4[%dma_start3A_347, %while3A_270, %dma_start3A_353] : memref<10x4096x8192xf32, #tpu.memory_space<hbm>> -> memref<1x1x4096xf32, #tpu.memory_space<hbm>>
      %dma_start3A_355 = tpu.memref_squeeze %dma_start3A_354 : memref<1x1x4096xf32, #tpu.memory_space<hbm>> -> memref<4096xf32, #tpu.memory_space<hbm>>
      %dma_start3A_356 = arith.constant 20480 : i32
      %dma_start3A_357 = tpu.memref_slice %arg7[%dma_start3A_356] : memref<36864xf32, #tpu.memory_space<vmem>> -> memref<4096xf32, #tpu.memory_space<vmem>>
      tpu.enqueue_dma source(%dma_start3A_357 : memref<4096xf32, #tpu.memory_space<vmem>>) target(%dma_start3A_355 : memref<4096xf32, #tpu.memory_space<hbm>>) target_semaphore(%arg16 : memref<!tpu.dma_semaphore, #tpu.memory_space<semaphore_mem>>)
      %dma_start3A_358 = arith.constant 7 : i32
      %dma_start3A_359 = arith.constant 24576 : i32
      %dma_start3A_360 = tpu.memref_slice %arg7[%dma_start3A_359] : memref<36864xf32, #tpu.memory_space<vmem>> -> memref<4096xf32, #tpu.memory_space<vmem>>
      %dma_start3A_361 = arith.constant 0 : i32
      %dma_start3A_362 = tpu.memref_slice %arg4[%dma_start3A_358, %while3A_270, %dma_start3A_361] : memref<10x4096x8192xf32, #tpu.memory_space<hbm>> -> memref<1x1x4096xf32, #tpu.memory_space<hbm>>
      %dma_start3A_363 = tpu.memref_squeeze %dma_start3A_362 : memref<1x1x4096xf32, #tpu.memory_space<hbm>> -> memref<4096xf32, #tpu.memory_space<hbm>>
      %dma_start3A_364 = arith.constant 0 : i32
      %dma_start3A_365 = tpu.memref_slice %arg4[%dma_start3A_358, %while3A_270, %dma_start3A_364] : memref<10x4096x8192xf32, #tpu.memory_space<hbm>> -> memref<1x1x4096xf32, #tpu.memory_space<hbm>>
      %dma_start3A_366 = tpu.memref_squeeze %dma_start3A_365 : memref<1x1x4096xf32, #tpu.memory_space<hbm>> -> memref<4096xf32, #tpu.memory_space<hbm>>
      %dma_start3A_367 = arith.constant 24576 : i32
      %dma_start3A_368 = tpu.memref_slice %arg7[%dma_start3A_367] : memref<36864xf32, #tpu.memory_space<vmem>> -> memref<4096xf32, #tpu.memory_space<vmem>>
      tpu.enqueue_dma source(%dma_start3A_368 : memref<4096xf32, #tpu.memory_space<vmem>>) target(%dma_start3A_366 : memref<4096xf32, #tpu.memory_space<hbm>>) target_semaphore(%arg16 : memref<!tpu.dma_semaphore, #tpu.memory_space<semaphore_mem>>)
      %dma_start3A_369 = arith.constant 8 : i32
      %dma_start3A_370 = arith.constant 28672 : i32
      %dma_start3A_371 = tpu.memref_slice %arg7[%dma_start3A_370] : memref<36864xf32, #tpu.memory_space<vmem>> -> memref<4096xf32, #tpu.memory_space<vmem>>
      %dma_start3A_372 = arith.constant 0 : i32
      %dma_start3A_373 = tpu.memref_slice %arg4[%dma_start3A_369, %while3A_270, %dma_start3A_372] : memref<10x4096x8192xf32, #tpu.memory_space<hbm>> -> memref<1x1x4096xf32, #tpu.memory_space<hbm>>
      %dma_start3A_374 = tpu.memref_squeeze %dma_start3A_373 : memref<1x1x4096xf32, #tpu.memory_space<hbm>> -> memref<4096xf32, #tpu.memory_space<hbm>>
      %dma_start3A_375 = arith.constant 0 : i32
      %dma_start3A_376 = tpu.memref_slice %arg4[%dma_start3A_369, %while3A_270, %dma_start3A_375] : memref<10x4096x8192xf32, #tpu.memory_space<hbm>> -> memref<1x1x4096xf32, #tpu.memory_space<hbm>>
      %dma_start3A_377 = tpu.memref_squeeze %dma_start3A_376 : memref<1x1x4096xf32, #tpu.memory_space<hbm>> -> memref<4096xf32, #tpu.memory_space<hbm>>
      %dma_start3A_378 = arith.constant 28672 : i32
      %dma_start3A_379 = tpu.memref_slice %arg7[%dma_start3A_378] : memref<36864xf32, #tpu.memory_space<vmem>> -> memref<4096xf32, #tpu.memory_space<vmem>>
      tpu.enqueue_dma source(%dma_start3A_379 : memref<4096xf32, #tpu.memory_space<vmem>>) target(%dma_start3A_377 : memref<4096xf32, #tpu.memory_space<hbm>>) target_semaphore(%arg16 : memref<!tpu.dma_semaphore, #tpu.memory_space<semaphore_mem>>)
      %dma_start3A_380 = arith.constant 9 : i32
      %dma_start3A_381 = arith.constant 32768 : i32
      %dma_start3A_382 = tpu.memref_slice %arg7[%dma_start3A_381] : memref<36864xf32, #tpu.memory_space<vmem>> -> memref<4096xf32, #tpu.memory_space<vmem>>
      %dma_start3A_383 = arith.constant 0 : i32
      %dma_start3A_384 = tpu.memref_slice %arg4[%dma_start3A_380, %while3A_270, %dma_start3A_383] : memref<10x4096x8192xf32, #tpu.memory_space<hbm>> -> memref<1x1x4096xf32, #tpu.memory_space<hbm>>
      %dma_start3A_385 = tpu.memref_squeeze %dma_start3A_384 : memref<1x1x4096xf32, #tpu.memory_space<hbm>> -> memref<4096xf32, #tpu.memory_space<hbm>>
      %dma_start3A_386 = arith.constant 0 : i32
      %dma_start3A_387 = tpu.memref_slice %arg4[%dma_start3A_380, %while3A_270, %dma_start3A_386] : memref<10x4096x8192xf32, #tpu.memory_space<hbm>> -> memref<1x1x4096xf32, #tpu.memory_space<hbm>>
      %dma_start3A_388 = tpu.memref_squeeze %dma_start3A_387 : memref<1x1x4096xf32, #tpu.memory_space<hbm>> -> memref<4096xf32, #tpu.memory_space<hbm>>
      %dma_start3A_389 = arith.constant 32768 : i32
      %dma_start3A_390 = tpu.memref_slice %arg7[%dma_start3A_389] : memref<36864xf32, #tpu.memory_space<vmem>> -> memref<4096xf32, #tpu.memory_space<vmem>>
      tpu.enqueue_dma source(%dma_start3A_390 : memref<4096xf32, #tpu.memory_space<vmem>>) target(%dma_start3A_388 : memref<4096xf32, #tpu.memory_space<hbm>>) target_semaphore(%arg16 : memref<!tpu.dma_semaphore, #tpu.memory_space<semaphore_mem>>)
      %dma_start3A_391 = arith.constant 0 : i32
      %dma_start3A_392 = arith.constant 0 : i32
      %dma_start3A_393 = tpu.memref_slice %arg4[%dma_start3A_391, %while3A_270, %dma_start3A_392] : memref<10x4096x8192xf32, #tpu.memory_space<hbm>> -> memref<1x1x4096xf32, #tpu.memory_space<hbm>>
      %dma_start3A_394 = tpu.memref_squeeze %dma_start3A_393 : memref<1x1x4096xf32, #tpu.memory_space<hbm>> -> memref<4096xf32, #tpu.memory_space<hbm>>
      %dma_start3A_395 = arith.constant 0 : i32
      %dma_start3A_396 = tpu.memref_slice %arg4[%dma_start3A_391, %while3A_270, %dma_start3A_395] : memref<10x4096x8192xf32, #tpu.memory_space<hbm>> -> memref<1x1x4096xf32, #tpu.memory_space<hbm>>
      %dma_start3A_397 = tpu.memref_squeeze %dma_start3A_396 : memref<1x1x4096xf32, #tpu.memory_space<hbm>> -> memref<4096xf32, #tpu.memory_space<hbm>>
      tpu.enqueue_dma source(%arg11 : memref<4096xf32, #tpu.memory_space<vmem>>) target(%dma_start3A_397 : memref<4096xf32, #tpu.memory_space<hbm>>) target_semaphore(%arg16 : memref<!tpu.dma_semaphore, #tpu.memory_space<semaphore_mem>>)
      %add3A_398 = arith.constant 1 : i32
      %add3A_399 = arith.addi %while3A_270, %add3A_398 : i32
      %add3A_400 = arith.constant 128 : i32
      %add3A_401 = arith.addi %mul3A_2, %add3A_400 : i32
      %lt3A = arith.cmpi slt, %add3A_399, %add3A_401 : i32
      %convert_element_type3A_402 = arith.extui %lt3A : i1 to i32
      %cond3A_403 = arith.constant 0 : i32
      %cond3A_404 = arith.cmpi ne, %convert_element_type3A_402, %cond3A_403 : i32
      scf.if %cond3A_404 {
        %add3A_530 = arith.constant 1 : i32
        %add3A_531 = arith.addi %while3A_270, %add3A_530 : i32
        %dma_start3A_532 = arith.constant 0 : i32
        %dma_start3A_533 = tpu.memref_slice %arg2[%add3A_531, %dma_start3A_532] : memref<4096x8192xf32, #tpu.memory_space<hbm>> -> memref<1x4096xf32, #tpu.memory_space<hbm>>
        %dma_start3A_534 = tpu.memref_squeeze %dma_start3A_533 : memref<1x4096xf32, #tpu.memory_space<hbm>> -> memref<4096xf32, #tpu.memory_space<hbm>>
        %dma_start3A_535 = arith.constant 0 : i32
        %dma_start3A_536 = tpu.memref_slice %arg2[%add3A_531, %dma_start3A_535] : memref<4096x8192xf32, #tpu.memory_space<hbm>> -> memref<1x4096xf32, #tpu.memory_space<hbm>>
        %dma_start3A_537 = tpu.memref_squeeze %dma_start3A_536 : memref<1x4096xf32, #tpu.memory_space<hbm>> -> memref<4096xf32, #tpu.memory_space<hbm>>
        tpu.enqueue_dma source(%dma_start3A_537 : memref<4096xf32, #tpu.memory_space<hbm>>) target(%arg5 : memref<4096xf32, #tpu.memory_space<vmem>>) target_semaphore(%arg14 : memref<!tpu.dma_semaphore, #tpu.memory_space<semaphore_mem>>)
      } else {
      }
      %gt3A_405 = arith.cmpi sgt, %while3A_270, %mul3A_2 : i32
      %convert_element_type3A_406 = arith.extui %gt3A_405 : i1 to i32
      %cond3A_407 = arith.constant 0 : i32
      %cond3A_408 = arith.cmpi ne, %convert_element_type3A_406, %cond3A_407 : i32
      scf.if %cond3A_408 {
        %dma_wait3A_530 = arith.constant 1 : i32
        %dma_wait3A_531 = arith.constant 0 : i32
        %dma_wait3A_532 = tpu.memref_slice %arg8[%dma_wait3A_531] : memref<36864xf32, #tpu.memory_space<vmem>> -> memref<4096xf32, #tpu.memory_space<vmem>>
        %dma_wait3A_533 = arith.constant 4096 : i32
        %dma_wait3A_534 = tpu.memref_slice %arg4[%dma_wait3A_530, %while3A_270, %dma_wait3A_533] : memref<10x4096x8192xf32, #tpu.memory_space<hbm>> -> memref<1x1x4096xf32, #tpu.memory_space<hbm>>
        %dma_wait3A_535 = tpu.memref_squeeze %dma_wait3A_534 : memref<1x1x4096xf32, #tpu.memory_space<hbm>> -> memref<4096xf32, #tpu.memory_space<hbm>>
        %dma_wait3A_536 = arith.constant 4096 : i32
        %dma_wait3A_537 = tpu.memref_slice %arg4[%dma_wait3A_530, %while3A_270, %dma_wait3A_536] : memref<10x4096x8192xf32, #tpu.memory_space<hbm>> -> memref<1x1x4096xf32, #tpu.memory_space<hbm>>
        %dma_wait3A_538 = tpu.memref_squeeze %dma_wait3A_537 : memref<1x1x4096xf32, #tpu.memory_space<hbm>> -> memref<4096xf32, #tpu.memory_space<hbm>>
        %dma_wait3A_539 = arith.constant 0 : i32
        %dma_wait3A_540 = tpu.memref_slice %arg8[%dma_wait3A_539] : memref<36864xf32, #tpu.memory_space<vmem>> -> memref<4096xf32, #tpu.memory_space<vmem>>
        tpu.wait_dma2 semaphore(%arg17 : memref<!tpu.dma_semaphore, #tpu.memory_space<semaphore_mem>>) src(%dma_wait3A_540 : memref<4096xf32, #tpu.memory_space<vmem>>) dst(%dma_wait3A_538 : memref<4096xf32, #tpu.memory_space<hbm>>)
        %dma_wait3A_541 = arith.constant 2 : i32
        %dma_wait3A_542 = arith.constant 4096 : i32
        %dma_wait3A_543 = tpu.memref_slice %arg8[%dma_wait3A_542] : memref<36864xf32, #tpu.memory_space<vmem>> -> memref<4096xf32, #tpu.memory_space<vmem>>
        %dma_wait3A_544 = arith.constant 4096 : i32
        %dma_wait3A_545 = tpu.memref_slice %arg4[%dma_wait3A_541, %while3A_270, %dma_wait3A_544] : memref<10x4096x8192xf32, #tpu.memory_space<hbm>> -> memref<1x1x4096xf32, #tpu.memory_space<hbm>>
        %dma_wait3A_546 = tpu.memref_squeeze %dma_wait3A_545 : memref<1x1x4096xf32, #tpu.memory_space<hbm>> -> memref<4096xf32, #tpu.memory_space<hbm>>
        %dma_wait3A_547 = arith.constant 4096 : i32
        %dma_wait3A_548 = tpu.memref_slice %arg4[%dma_wait3A_541, %while3A_270, %dma_wait3A_547] : memref<10x4096x8192xf32, #tpu.memory_space<hbm>> -> memref<1x1x4096xf32, #tpu.memory_space<hbm>>
        %dma_wait3A_549 = tpu.memref_squeeze %dma_wait3A_548 : memref<1x1x4096xf32, #tpu.memory_space<hbm>> -> memref<4096xf32, #tpu.memory_space<hbm>>
        %dma_wait3A_550 = arith.constant 4096 : i32
        %dma_wait3A_551 = tpu.memref_slice %arg8[%dma_wait3A_550] : memref<36864xf32, #tpu.memory_space<vmem>> -> memref<4096xf32, #tpu.memory_space<vmem>>
        tpu.wait_dma2 semaphore(%arg17 : memref<!tpu.dma_semaphore, #tpu.memory_space<semaphore_mem>>) src(%dma_wait3A_551 : memref<4096xf32, #tpu.memory_space<vmem>>) dst(%dma_wait3A_549 : memref<4096xf32, #tpu.memory_space<hbm>>)
        %dma_wait3A_552 = arith.constant 3 : i32
        %dma_wait3A_553 = arith.constant 8192 : i32
        %dma_wait3A_554 = tpu.memref_slice %arg8[%dma_wait3A_553] : memref<36864xf32, #tpu.memory_space<vmem>> -> memref<4096xf32, #tpu.memory_space<vmem>>
        %dma_wait3A_555 = arith.constant 4096 : i32
        %dma_wait3A_556 = tpu.memref_slice %arg4[%dma_wait3A_552, %while3A_270, %dma_wait3A_555] : memref<10x4096x8192xf32, #tpu.memory_space<hbm>> -> memref<1x1x4096xf32, #tpu.memory_space<hbm>>
        %dma_wait3A_557 = tpu.memref_squeeze %dma_wait3A_556 : memref<1x1x4096xf32, #tpu.memory_space<hbm>> -> memref<4096xf32, #tpu.memory_space<hbm>>
        %dma_wait3A_558 = arith.constant 4096 : i32
        %dma_wait3A_559 = tpu.memref_slice %arg4[%dma_wait3A_552, %while3A_270, %dma_wait3A_558] : memref<10x4096x8192xf32, #tpu.memory_space<hbm>> -> memref<1x1x4096xf32, #tpu.memory_space<hbm>>
        %dma_wait3A_560 = tpu.memref_squeeze %dma_wait3A_559 : memref<1x1x4096xf32, #tpu.memory_space<hbm>> -> memref<4096xf32, #tpu.memory_space<hbm>>
        %dma_wait3A_561 = arith.constant 8192 : i32
        %dma_wait3A_562 = tpu.memref_slice %arg8[%dma_wait3A_561] : memref<36864xf32, #tpu.memory_space<vmem>> -> memref<4096xf32, #tpu.memory_space<vmem>>
        tpu.wait_dma2 semaphore(%arg17 : memref<!tpu.dma_semaphore, #tpu.memory_space<semaphore_mem>>) src(%dma_wait3A_562 : memref<4096xf32, #tpu.memory_space<vmem>>) dst(%dma_wait3A_560 : memref<4096xf32, #tpu.memory_space<hbm>>)
        %dma_wait3A_563 = arith.constant 4 : i32
        %dma_wait3A_564 = arith.constant 12288 : i32
        %dma_wait3A_565 = tpu.memref_slice %arg8[%dma_wait3A_564] : memref<36864xf32, #tpu.memory_space<vmem>> -> memref<4096xf32, #tpu.memory_space<vmem>>
        %dma_wait3A_566 = arith.constant 4096 : i32
        %dma_wait3A_567 = tpu.memref_slice %arg4[%dma_wait3A_563, %while3A_270, %dma_wait3A_566] : memref<10x4096x8192xf32, #tpu.memory_space<hbm>> -> memref<1x1x4096xf32, #tpu.memory_space<hbm>>
        %dma_wait3A_568 = tpu.memref_squeeze %dma_wait3A_567 : memref<1x1x4096xf32, #tpu.memory_space<hbm>> -> memref<4096xf32, #tpu.memory_space<hbm>>
        %dma_wait3A_569 = arith.constant 4096 : i32
        %dma_wait3A_570 = tpu.memref_slice %arg4[%dma_wait3A_563, %while3A_270, %dma_wait3A_569] : memref<10x4096x8192xf32, #tpu.memory_space<hbm>> -> memref<1x1x4096xf32, #tpu.memory_space<hbm>>
        %dma_wait3A_571 = tpu.memref_squeeze %dma_wait3A_570 : memref<1x1x4096xf32, #tpu.memory_space<hbm>> -> memref<4096xf32, #tpu.memory_space<hbm>>
        %dma_wait3A_572 = arith.constant 12288 : i32
        %dma_wait3A_573 = tpu.memref_slice %arg8[%dma_wait3A_572] : memref<36864xf32, #tpu.memory_space<vmem>> -> memref<4096xf32, #tpu.memory_space<vmem>>
        tpu.wait_dma2 semaphore(%arg17 : memref<!tpu.dma_semaphore, #tpu.memory_space<semaphore_mem>>) src(%dma_wait3A_573 : memref<4096xf32, #tpu.memory_space<vmem>>) dst(%dma_wait3A_571 : memref<4096xf32, #tpu.memory_space<hbm>>)
        %dma_wait3A_574 = arith.constant 5 : i32
        %dma_wait3A_575 = arith.constant 16384 : i32
        %dma_wait3A_576 = tpu.memref_slice %arg8[%dma_wait3A_575] : memref<36864xf32, #tpu.memory_space<vmem>> -> memref<4096xf32, #tpu.memory_space<vmem>>
        %dma_wait3A_577 = arith.constant 4096 : i32
        %dma_wait3A_578 = tpu.memref_slice %arg4[%dma_wait3A_574, %while3A_270, %dma_wait3A_577] : memref<10x4096x8192xf32, #tpu.memory_space<hbm>> -> memref<1x1x4096xf32, #tpu.memory_space<hbm>>
        %dma_wait3A_579 = tpu.memref_squeeze %dma_wait3A_578 : memref<1x1x4096xf32, #tpu.memory_space<hbm>> -> memref<4096xf32, #tpu.memory_space<hbm>>
        %dma_wait3A_580 = arith.constant 4096 : i32
        %dma_wait3A_581 = tpu.memref_slice %arg4[%dma_wait3A_574, %while3A_270, %dma_wait3A_580] : memref<10x4096x8192xf32, #tpu.memory_space<hbm>> -> memref<1x1x4096xf32, #tpu.memory_space<hbm>>
        %dma_wait3A_582 = tpu.memref_squeeze %dma_wait3A_581 : memref<1x1x4096xf32, #tpu.memory_space<hbm>> -> memref<4096xf32, #tpu.memory_space<hbm>>
        %dma_wait3A_583 = arith.constant 16384 : i32
        %dma_wait3A_584 = tpu.memref_slice %arg8[%dma_wait3A_583] : memref<36864xf32, #tpu.memory_space<vmem>> -> memref<4096xf32, #tpu.memory_space<vmem>>
        tpu.wait_dma2 semaphore(%arg17 : memref<!tpu.dma_semaphore, #tpu.memory_space<semaphore_mem>>) src(%dma_wait3A_584 : memref<4096xf32, #tpu.memory_space<vmem>>) dst(%dma_wait3A_582 : memref<4096xf32, #tpu.memory_space<hbm>>)
        %dma_wait3A_585 = arith.constant 6 : i32
        %dma_wait3A_586 = arith.constant 20480 : i32
        %dma_wait3A_587 = tpu.memref_slice %arg8[%dma_wait3A_586] : memref<36864xf32, #tpu.memory_space<vmem>> -> memref<4096xf32, #tpu.memory_space<vmem>>
        %dma_wait3A_588 = arith.constant 4096 : i32
        %dma_wait3A_589 = tpu.memref_slice %arg4[%dma_wait3A_585, %while3A_270, %dma_wait3A_588] : memref<10x4096x8192xf32, #tpu.memory_space<hbm>> -> memref<1x1x4096xf32, #tpu.memory_space<hbm>>
        %dma_wait3A_590 = tpu.memref_squeeze %dma_wait3A_589 : memref<1x1x4096xf32, #tpu.memory_space<hbm>> -> memref<4096xf32, #tpu.memory_space<hbm>>
        %dma_wait3A_591 = arith.constant 4096 : i32
        %dma_wait3A_592 = tpu.memref_slice %arg4[%dma_wait3A_585, %while3A_270, %dma_wait3A_591] : memref<10x4096x8192xf32, #tpu.memory_space<hbm>> -> memref<1x1x4096xf32, #tpu.memory_space<hbm>>
        %dma_wait3A_593 = tpu.memref_squeeze %dma_wait3A_592 : memref<1x1x4096xf32, #tpu.memory_space<hbm>> -> memref<4096xf32, #tpu.memory_space<hbm>>
        %dma_wait3A_594 = arith.constant 20480 : i32
        %dma_wait3A_595 = tpu.memref_slice %arg8[%dma_wait3A_594] : memref<36864xf32, #tpu.memory_space<vmem>> -> memref<4096xf32, #tpu.memory_space<vmem>>
        tpu.wait_dma2 semaphore(%arg17 : memref<!tpu.dma_semaphore, #tpu.memory_space<semaphore_mem>>) src(%dma_wait3A_595 : memref<4096xf32, #tpu.memory_space<vmem>>) dst(%dma_wait3A_593 : memref<4096xf32, #tpu.memory_space<hbm>>)
        %dma_wait3A_596 = arith.constant 7 : i32
        %dma_wait3A_597 = arith.constant 24576 : i32
        %dma_wait3A_598 = tpu.memref_slice %arg8[%dma_wait3A_597] : memref<36864xf32, #tpu.memory_space<vmem>> -> memref<4096xf32, #tpu.memory_space<vmem>>
        %dma_wait3A_599 = arith.constant 4096 : i32
        %dma_wait3A_600 = tpu.memref_slice %arg4[%dma_wait3A_596, %while3A_270, %dma_wait3A_599] : memref<10x4096x8192xf32, #tpu.memory_space<hbm>> -> memref<1x1x4096xf32, #tpu.memory_space<hbm>>
        %dma_wait3A_601 = tpu.memref_squeeze %dma_wait3A_600 : memref<1x1x4096xf32, #tpu.memory_space<hbm>> -> memref<4096xf32, #tpu.memory_space<hbm>>
        %dma_wait3A_602 = arith.constant 4096 : i32
        %dma_wait3A_603 = tpu.memref_slice %arg4[%dma_wait3A_596, %while3A_270, %dma_wait3A_602] : memref<10x4096x8192xf32, #tpu.memory_space<hbm>> -> memref<1x1x4096xf32, #tpu.memory_space<hbm>>
        %dma_wait3A_604 = tpu.memref_squeeze %dma_wait3A_603 : memref<1x1x4096xf32, #tpu.memory_space<hbm>> -> memref<4096xf32, #tpu.memory_space<hbm>>
        %dma_wait3A_605 = arith.constant 24576 : i32
        %dma_wait3A_606 = tpu.memref_slice %arg8[%dma_wait3A_605] : memref<36864xf32, #tpu.memory_space<vmem>> -> memref<4096xf32, #tpu.memory_space<vmem>>
        tpu.wait_dma2 semaphore(%arg17 : memref<!tpu.dma_semaphore, #tpu.memory_space<semaphore_mem>>) src(%dma_wait3A_606 : memref<4096xf32, #tpu.memory_space<vmem>>) dst(%dma_wait3A_604 : memref<4096xf32, #tpu.memory_space<hbm>>)
        %dma_wait3A_607 = arith.constant 8 : i32
        %dma_wait3A_608 = arith.constant 28672 : i32
        %dma_wait3A_609 = tpu.memref_slice %arg8[%dma_wait3A_608] : memref<36864xf32, #tpu.memory_space<vmem>> -> memref<4096xf32, #tpu.memory_space<vmem>>
        %dma_wait3A_610 = arith.constant 4096 : i32
        %dma_wait3A_611 = tpu.memref_slice %arg4[%dma_wait3A_607, %while3A_270, %dma_wait3A_610] : memref<10x4096x8192xf32, #tpu.memory_space<hbm>> -> memref<1x1x4096xf32, #tpu.memory_space<hbm>>
        %dma_wait3A_612 = tpu.memref_squeeze %dma_wait3A_611 : memref<1x1x4096xf32, #tpu.memory_space<hbm>> -> memref<4096xf32, #tpu.memory_space<hbm>>
        %dma_wait3A_613 = arith.constant 4096 : i32
        %dma_wait3A_614 = tpu.memref_slice %arg4[%dma_wait3A_607, %while3A_270, %dma_wait3A_613] : memref<10x4096x8192xf32, #tpu.memory_space<hbm>> -> memref<1x1x4096xf32, #tpu.memory_space<hbm>>
        %dma_wait3A_615 = tpu.memref_squeeze %dma_wait3A_614 : memref<1x1x4096xf32, #tpu.memory_space<hbm>> -> memref<4096xf32, #tpu.memory_space<hbm>>
        %dma_wait3A_616 = arith.constant 28672 : i32
        %dma_wait3A_617 = tpu.memref_slice %arg8[%dma_wait3A_616] : memref<36864xf32, #tpu.memory_space<vmem>> -> memref<4096xf32, #tpu.memory_space<vmem>>
        tpu.wait_dma2 semaphore(%arg17 : memref<!tpu.dma_semaphore, #tpu.memory_space<semaphore_mem>>) src(%dma_wait3A_617 : memref<4096xf32, #tpu.memory_space<vmem>>) dst(%dma_wait3A_615 : memref<4096xf32, #tpu.memory_space<hbm>>)
        %dma_wait3A_618 = arith.constant 9 : i32
        %dma_wait3A_619 = arith.constant 32768 : i32
        %dma_wait3A_620 = tpu.memref_slice %arg8[%dma_wait3A_619] : memref<36864xf32, #tpu.memory_space<vmem>> -> memref<4096xf32, #tpu.memory_space<vmem>>
        %dma_wait3A_621 = arith.constant 4096 : i32
        %dma_wait3A_622 = tpu.memref_slice %arg4[%dma_wait3A_618, %while3A_270, %dma_wait3A_621] : memref<10x4096x8192xf32, #tpu.memory_space<hbm>> -> memref<1x1x4096xf32, #tpu.memory_space<hbm>>
        %dma_wait3A_623 = tpu.memref_squeeze %dma_wait3A_622 : memref<1x1x4096xf32, #tpu.memory_space<hbm>> -> memref<4096xf32, #tpu.memory_space<hbm>>
        %dma_wait3A_624 = arith.constant 4096 : i32
        %dma_wait3A_625 = tpu.memref_slice %arg4[%dma_wait3A_618, %while3A_270, %dma_wait3A_624] : memref<10x4096x8192xf32, #tpu.memory_space<hbm>> -> memref<1x1x4096xf32, #tpu.memory_space<hbm>>
        %dma_wait3A_626 = tpu.memref_squeeze %dma_wait3A_625 : memref<1x1x4096xf32, #tpu.memory_space<hbm>> -> memref<4096xf32, #tpu.memory_space<hbm>>
        %dma_wait3A_627 = arith.constant 32768 : i32
        %dma_wait3A_628 = tpu.memref_slice %arg8[%dma_wait3A_627] : memref<36864xf32, #tpu.memory_space<vmem>> -> memref<4096xf32, #tpu.memory_space<vmem>>
        tpu.wait_dma2 semaphore(%arg17 : memref<!tpu.dma_semaphore, #tpu.memory_space<semaphore_mem>>) src(%dma_wait3A_628 : memref<4096xf32, #tpu.memory_space<vmem>>) dst(%dma_wait3A_626 : memref<4096xf32, #tpu.memory_space<hbm>>)
        %dma_wait3A_629 = arith.constant 0 : i32
        %dma_wait3A_630 = arith.constant 4096 : i32
        %dma_wait3A_631 = tpu.memref_slice %arg4[%dma_wait3A_629, %while3A_270, %dma_wait3A_630] : memref<10x4096x8192xf32, #tpu.memory_space<hbm>> -> memref<1x1x4096xf32, #tpu.memory_space<hbm>>
        %dma_wait3A_632 = tpu.memref_squeeze %dma_wait3A_631 : memref<1x1x4096xf32, #tpu.memory_space<hbm>> -> memref<4096xf32, #tpu.memory_space<hbm>>
        %dma_wait3A_633 = arith.constant 4096 : i32
        %dma_wait3A_634 = tpu.memref_slice %arg4[%dma_wait3A_629, %while3A_270, %dma_wait3A_633] : memref<10x4096x8192xf32, #tpu.memory_space<hbm>> -> memref<1x1x4096xf32, #tpu.memory_space<hbm>>
        %dma_wait3A_635 = tpu.memref_squeeze %dma_wait3A_634 : memref<1x1x4096xf32, #tpu.memory_space<hbm>> -> memref<4096xf32, #tpu.memory_space<hbm>>
        tpu.wait_dma2 semaphore(%arg17 : memref<!tpu.dma_semaphore, #tpu.memory_space<semaphore_mem>>) src(%arg11 : memref<4096xf32, #tpu.memory_space<vmem>>) dst(%dma_wait3A_635 : memref<4096xf32, #tpu.memory_space<hbm>>)
      } else {
      }
      %dma_wait3A_409 = arith.constant 4096 : i32
      %dma_wait3A_410 = tpu.memref_slice %arg2[%while3A_270, %dma_wait3A_409] : memref<4096x8192xf32, #tpu.memory_space<hbm>> -> memref<1x4096xf32, #tpu.memory_space<hbm>>
      %dma_wait3A_411 = tpu.memref_squeeze %dma_wait3A_410 : memref<1x4096xf32, #tpu.memory_space<hbm>> -> memref<4096xf32, #tpu.memory_space<hbm>>
      %dma_wait3A_412 = arith.constant 4096 : i32
      %dma_wait3A_413 = tpu.memref_slice %arg2[%while3A_270, %dma_wait3A_412] : memref<4096x8192xf32, #tpu.memory_space<hbm>> -> memref<1x4096xf32, #tpu.memory_space<hbm>>
      %dma_wait3A_414 = tpu.memref_squeeze %dma_wait3A_413 : memref<1x4096xf32, #tpu.memory_space<hbm>> -> memref<4096xf32, #tpu.memory_space<hbm>>
      tpu.wait_dma2 semaphore(%arg15 : memref<!tpu.dma_semaphore, #tpu.memory_space<semaphore_mem>>) src(%dma_wait3A_414 : memref<4096xf32, #tpu.memory_space<hbm>>) dst(%arg6 : memref<4096xf32, #tpu.memory_space<vmem>>)
      %gt3A_415 = arith.cmpi sgt, %while3A_270, %mul3A_2 : i32
      %convert_element_type3A_416 = arith.extui %gt3A_415 : i1 to i32
      %cond3A_417 = arith.constant 0 : i32
      %cond3A_418 = arith.cmpi ne, %convert_element_type3A_416, %cond3A_417 : i32
      scf.if %cond3A_418 {
        %parallel_loop3A_530 = arith.constant 0 : i32
        %parallel_loop3A_531 = arith.constant 256 : i32
        %parallel_loop3A_532 = arith.constant 1 : i32
        scf.for %parallel_loop3A_533 = %parallel_loop3A_530 to %parallel_loop3A_531 step %parallel_loop3A_532  : i32 {
          %parallel_loop3A_534 = arith.constant 16 : i32
          %parallel_loop3A_535 = arith.muli %parallel_loop3A_533, %parallel_loop3A_534 : i32
          %parallel_loop3A_536 = arith.index_cast %parallel_loop3A_535 : i32 to index
          %parallel_loop3A_537 = tpu.vector_load %arg10[%parallel_loop3A_536] {strides = array<i32>} : memref<4096xi32, #tpu.memory_space<vmem>>, vector<16xi32>,
          %parallel_loop3A_538 = arith.constant 16 : i32
          %parallel_loop3A_539 = arith.muli %parallel_loop3A_533, %parallel_loop3A_538 : i32
          %parallel_loop3A_540 = arith.index_cast %parallel_loop3A_539 : i32 to index
          %parallel_loop3A_541 = tpu.vector_load %arg6[%parallel_loop3A_540] {strides = array<i32>} : memref<4096xf32, #tpu.memory_space<vmem>>, vector<16xf32>,
          %parallel_loop3A_542 = arith.cmpf ogt, %parallel_loop3A_541, %broadcast_in_dim3A : vector<16xf32>
          %parallel_loop3A_543 = arith.constant 1 : i32
          %parallel_loop3A_544 = arith.constant 0 : i32
          %parallel_loop3A_545 = vector.broadcast %parallel_loop3A_543 : i32 to vector<16xi32>
          %parallel_loop3A_546 = vector.broadcast %parallel_loop3A_544 : i32 to vector<16xi32>
          %parallel_loop3A_547 = arith.select %parallel_loop3A_542, %parallel_loop3A_545, %parallel_loop3A_546 : vector<16xi1>, vector<16xi32>
          %parallel_loop3A_548 = arith.cmpf ogt, %parallel_loop3A_541, %broadcast_in_dim3A_6 : vector<16xf32>
          %parallel_loop3A_549 = arith.constant 1 : i32
          %parallel_loop3A_550 = arith.constant 0 : i32
          %parallel_loop3A_551 = vector.broadcast %parallel_loop3A_549 : i32 to vector<16xi32>
          %parallel_loop3A_552 = vector.broadcast %parallel_loop3A_550 : i32 to vector<16xi32>
          %parallel_loop3A_553 = arith.select %parallel_loop3A_548, %parallel_loop3A_551, %parallel_loop3A_552 : vector<16xi1>, vector<16xi32>
          %parallel_loop3A_554 = arith.addi %parallel_loop3A_547, %parallel_loop3A_553 : vector<16xi32>
          %parallel_loop3A_555 = arith.cmpf ogt, %parallel_loop3A_541, %broadcast_in_dim3A_9 : vector<16xf32>
          %parallel_loop3A_556 = arith.constant 1 : i32
          %parallel_loop3A_557 = arith.constant 0 : i32
          %parallel_loop3A_558 = vector.broadcast %parallel_loop3A_556 : i32 to vector<16xi32>
          %parallel_loop3A_559 = vector.broadcast %parallel_loop3A_557 : i32 to vector<16xi32>
          %parallel_loop3A_560 = arith.select %parallel_loop3A_555, %parallel_loop3A_558, %parallel_loop3A_559 : vector<16xi1>, vector<16xi32>
          %parallel_loop3A_561 = arith.addi %parallel_loop3A_554, %parallel_loop3A_560 : vector<16xi32>
          %parallel_loop3A_562 = arith.cmpf ogt, %parallel_loop3A_541, %broadcast_in_dim3A_12 : vector<16xf32>
          %parallel_loop3A_563 = arith.constant 1 : i32
          %parallel_loop3A_564 = arith.constant 0 : i32
          %parallel_loop3A_565 = vector.broadcast %parallel_loop3A_563 : i32 to vector<16xi32>
          %parallel_loop3A_566 = vector.broadcast %parallel_loop3A_564 : i32 to vector<16xi32>
          %parallel_loop3A_567 = arith.select %parallel_loop3A_562, %parallel_loop3A_565, %parallel_loop3A_566 : vector<16xi1>, vector<16xi32>
          %parallel_loop3A_568 = arith.addi %parallel_loop3A_561, %parallel_loop3A_567 : vector<16xi32>
          %parallel_loop3A_569 = arith.cmpf ogt, %parallel_loop3A_541, %broadcast_in_dim3A_15 : vector<16xf32>
          %parallel_loop3A_570 = arith.constant 1 : i32
          %parallel_loop3A_571 = arith.constant 0 : i32
          %parallel_loop3A_572 = vector.broadcast %parallel_loop3A_570 : i32 to vector<16xi32>
          %parallel_loop3A_573 = vector.broadcast %parallel_loop3A_571 : i32 to vector<16xi32>
          %parallel_loop3A_574 = arith.select %parallel_loop3A_569, %parallel_loop3A_572, %parallel_loop3A_573 : vector<16xi1>, vector<16xi32>
          %parallel_loop3A_575 = arith.addi %parallel_loop3A_568, %parallel_loop3A_574 : vector<16xi32>
          %parallel_loop3A_576 = arith.cmpf ogt, %parallel_loop3A_541, %broadcast_in_dim3A_18 : vector<16xf32>
          %parallel_loop3A_577 = arith.constant 1 : i32
          %parallel_loop3A_578 = arith.constant 0 : i32
          %parallel_loop3A_579 = vector.broadcast %parallel_loop3A_577 : i32 to vector<16xi32>
          %parallel_loop3A_580 = vector.broadcast %parallel_loop3A_578 : i32 to vector<16xi32>
          %parallel_loop3A_581 = arith.select %parallel_loop3A_576, %parallel_loop3A_579, %parallel_loop3A_580 : vector<16xi1>, vector<16xi32>
          %parallel_loop3A_582 = arith.addi %parallel_loop3A_575, %parallel_loop3A_581 : vector<16xi32>
          %parallel_loop3A_583 = arith.cmpf ogt, %parallel_loop3A_541, %broadcast_in_dim3A_21 : vector<16xf32>
          %parallel_loop3A_584 = arith.constant 1 : i32
          %parallel_loop3A_585 = arith.constant 0 : i32
          %parallel_loop3A_586 = vector.broadcast %parallel_loop3A_584 : i32 to vector<16xi32>
          %parallel_loop3A_587 = vector.broadcast %parallel_loop3A_585 : i32 to vector<16xi32>
          %parallel_loop3A_588 = arith.select %parallel_loop3A_583, %parallel_loop3A_586, %parallel_loop3A_587 : vector<16xi1>, vector<16xi32>
          %parallel_loop3A_589 = arith.addi %parallel_loop3A_582, %parallel_loop3A_588 : vector<16xi32>
          %parallel_loop3A_590 = arith.cmpf ogt, %parallel_loop3A_541, %broadcast_in_dim3A_24 : vector<16xf32>
          %parallel_loop3A_591 = arith.constant 1 : i32
          %parallel_loop3A_592 = arith.constant 0 : i32
          %parallel_loop3A_593 = vector.broadcast %parallel_loop3A_591 : i32 to vector<16xi32>
          %parallel_loop3A_594 = vector.broadcast %parallel_loop3A_592 : i32 to vector<16xi32>
          %parallel_loop3A_595 = arith.select %parallel_loop3A_590, %parallel_loop3A_593, %parallel_loop3A_594 : vector<16xi1>, vector<16xi32>
          %parallel_loop3A_596 = arith.addi %parallel_loop3A_589, %parallel_loop3A_595 : vector<16xi32>
          %parallel_loop3A_597 = arith.constant 4096 : i32
          %parallel_loop3A_598 = vector.broadcast %parallel_loop3A_597 : i32 to vector<16xi32>
          %parallel_loop3A_599 = arith.muli %parallel_loop3A_596, %parallel_loop3A_598 : vector<16xi32>
          %parallel_loop3A_600 = arith.constant 16 : i32
          %parallel_loop3A_601 = arith.muli %parallel_loop3A_533, %parallel_loop3A_600 : i32
          %parallel_loop3A_602 = vector.broadcast %parallel_loop3A_601 : i32 to vector<16xi32>
          %parallel_loop3A_603 = arith.addi %parallel_loop3A_602, %iota3A : vector<16xi32>
          %parallel_loop3A_604 = arith.addi %parallel_loop3A_599, %parallel_loop3A_603 : vector<16xi32>
          %parallel_loop3A_605 = arith.constant 16 : i32
          %parallel_loop3A_606 = arith.muli %parallel_loop3A_533, %parallel_loop3A_605 : i32
          %parallel_loop3A_607 = arith.index_cast %parallel_loop3A_606 : i32 to index
          %parallel_loop3A_608 = tpu.vector_load %arg10[%parallel_loop3A_607] {strides = array<i32>} : memref<4096xi32, #tpu.memory_space<vmem>>, vector<16xi32>,
          tpu.vector_store %arg10[%parallel_loop3A_607], %parallel_loop3A_604 {strides = array<i32>} : memref<4096xi32, #tpu.memory_space<vmem>>, vector<16xi32>,
          tpu.vector_store_idx %arg8[%parallel_loop3A_604], %get3A_32 : memref<36864xf32, #tpu.memory_space<vmem>>[vector<16xi32>], vector<16xf32>,
          %parallel_loop3A_609 = arith.cmpi ne, %parallel_loop3A_537, %parallel_loop3A_604 : vector<16xi32>
          tpu.vector_store_idx %arg8[%parallel_loop3A_537], %get3A_35 masked %parallel_loop3A_609 : memref<36864xf32, #tpu.memory_space<vmem>>[vector<16xi32>], vector<16xf32>, vector<16xi1>
        } {sc.loop_unroll_factor = 8 : i64, sc.parallel_access}
      } else {
      }
      %eq3A_419 = arith.cmpi eq, %while3A_270, %mul3A_2 : i32
      %convert_element_type3A_420 = arith.extui %eq3A_419 : i1 to i32
      %cond3A_421 = arith.constant 0 : i32
      %cond3A_422 = arith.cmpi ne, %convert_element_type3A_420, %cond3A_421 : i32
      scf.if %cond3A_422 {
        %parallel_loop3A_530 = arith.constant 0 : i32
        %parallel_loop3A_531 = arith.constant 256 : i32
        %parallel_loop3A_532 = arith.constant 1 : i32
        scf.for %parallel_loop3A_533 = %parallel_loop3A_530 to %parallel_loop3A_531 step %parallel_loop3A_532  : i32 {
          %parallel_loop3A_534 = arith.constant 16 : i32
          %parallel_loop3A_535 = arith.muli %parallel_loop3A_533, %parallel_loop3A_534 : i32
          %parallel_loop3A_536 = arith.index_cast %parallel_loop3A_535 : i32 to index
          %parallel_loop3A_537 = tpu.vector_load %arg6[%parallel_loop3A_536] {strides = array<i32>} : memref<4096xf32, #tpu.memory_space<vmem>>, vector<16xf32>,
          %parallel_loop3A_538 = arith.cmpf ogt, %parallel_loop3A_537, %broadcast_in_dim3A : vector<16xf32>
          %parallel_loop3A_539 = arith.constant 1 : i32
          %parallel_loop3A_540 = arith.constant 0 : i32
          %parallel_loop3A_541 = vector.broadcast %parallel_loop3A_539 : i32 to vector<16xi32>
          %parallel_loop3A_542 = vector.broadcast %parallel_loop3A_540 : i32 to vector<16xi32>
          %parallel_loop3A_543 = arith.select %parallel_loop3A_538, %parallel_loop3A_541, %parallel_loop3A_542 : vector<16xi1>, vector<16xi32>
          %parallel_loop3A_544 = arith.cmpf ogt, %parallel_loop3A_537, %broadcast_in_dim3A_6 : vector<16xf32>
          %parallel_loop3A_545 = arith.constant 1 : i32
          %parallel_loop3A_546 = arith.constant 0 : i32
          %parallel_loop3A_547 = vector.broadcast %parallel_loop3A_545 : i32 to vector<16xi32>
          %parallel_loop3A_548 = vector.broadcast %parallel_loop3A_546 : i32 to vector<16xi32>
          %parallel_loop3A_549 = arith.select %parallel_loop3A_544, %parallel_loop3A_547, %parallel_loop3A_548 : vector<16xi1>, vector<16xi32>
          %parallel_loop3A_550 = arith.addi %parallel_loop3A_543, %parallel_loop3A_549 : vector<16xi32>
          %parallel_loop3A_551 = arith.cmpf ogt, %parallel_loop3A_537, %broadcast_in_dim3A_9 : vector<16xf32>
          %parallel_loop3A_552 = arith.constant 1 : i32
          %parallel_loop3A_553 = arith.constant 0 : i32
          %parallel_loop3A_554 = vector.broadcast %parallel_loop3A_552 : i32 to vector<16xi32>
          %parallel_loop3A_555 = vector.broadcast %parallel_loop3A_553 : i32 to vector<16xi32>
          %parallel_loop3A_556 = arith.select %parallel_loop3A_551, %parallel_loop3A_554, %parallel_loop3A_555 : vector<16xi1>, vector<16xi32>
          %parallel_loop3A_557 = arith.addi %parallel_loop3A_550, %parallel_loop3A_556 : vector<16xi32>
          %parallel_loop3A_558 = arith.cmpf ogt, %parallel_loop3A_537, %broadcast_in_dim3A_12 : vector<16xf32>
          %parallel_loop3A_559 = arith.constant 1 : i32
          %parallel_loop3A_560 = arith.constant 0 : i32
          %parallel_loop3A_561 = vector.broadcast %parallel_loop3A_559 : i32 to vector<16xi32>
          %parallel_loop3A_562 = vector.broadcast %parallel_loop3A_560 : i32 to vector<16xi32>
          %parallel_loop3A_563 = arith.select %parallel_loop3A_558, %parallel_loop3A_561, %parallel_loop3A_562 : vector<16xi1>, vector<16xi32>
          %parallel_loop3A_564 = arith.addi %parallel_loop3A_557, %parallel_loop3A_563 : vector<16xi32>
          %parallel_loop3A_565 = arith.cmpf ogt, %parallel_loop3A_537, %broadcast_in_dim3A_15 : vector<16xf32>
          %parallel_loop3A_566 = arith.constant 1 : i32
          %parallel_loop3A_567 = arith.constant 0 : i32
          %parallel_loop3A_568 = vector.broadcast %parallel_loop3A_566 : i32 to vector<16xi32>
          %parallel_loop3A_569 = vector.broadcast %parallel_loop3A_567 : i32 to vector<16xi32>
          %parallel_loop3A_570 = arith.select %parallel_loop3A_565, %parallel_loop3A_568, %parallel_loop3A_569 : vector<16xi1>, vector<16xi32>
          %parallel_loop3A_571 = arith.addi %parallel_loop3A_564, %parallel_loop3A_570 : vector<16xi32>
          %parallel_loop3A_572 = arith.cmpf ogt, %parallel_loop3A_537, %broadcast_in_dim3A_18 : vector<16xf32>
          %parallel_loop3A_573 = arith.constant 1 : i32
          %parallel_loop3A_574 = arith.constant 0 : i32
          %parallel_loop3A_575 = vector.broadcast %parallel_loop3A_573 : i32 to vector<16xi32>
          %parallel_loop3A_576 = vector.broadcast %parallel_loop3A_574 : i32 to vector<16xi32>
          %parallel_loop3A_577 = arith.select %parallel_loop3A_572, %parallel_loop3A_575, %parallel_loop3A_576 : vector<16xi1>, vector<16xi32>
          %parallel_loop3A_578 = arith.addi %parallel_loop3A_571, %parallel_loop3A_577 : vector<16xi32>
          %parallel_loop3A_579 = arith.cmpf ogt, %parallel_loop3A_537, %broadcast_in_dim3A_21 : vector<16xf32>
          %parallel_loop3A_580 = arith.constant 1 : i32
          %parallel_loop3A_581 = arith.constant 0 : i32
          %parallel_loop3A_582 = vector.broadcast %parallel_loop3A_580 : i32 to vector<16xi32>
          %parallel_loop3A_583 = vector.broadcast %parallel_loop3A_581 : i32 to vector<16xi32>
          %parallel_loop3A_584 = arith.select %parallel_loop3A_579, %parallel_loop3A_582, %parallel_loop3A_583 : vector<16xi1>, vector<16xi32>
          %parallel_loop3A_585 = arith.addi %parallel_loop3A_578, %parallel_loop3A_584 : vector<16xi32>
          %parallel_loop3A_586 = arith.cmpf ogt, %parallel_loop3A_537, %broadcast_in_dim3A_24 : vector<16xf32>
          %parallel_loop3A_587 = arith.constant 1 : i32
          %parallel_loop3A_588 = arith.constant 0 : i32
          %parallel_loop3A_589 = vector.broadcast %parallel_loop3A_587 : i32 to vector<16xi32>
          %parallel_loop3A_590 = vector.broadcast %parallel_loop3A_588 : i32 to vector<16xi32>
          %parallel_loop3A_591 = arith.select %parallel_loop3A_586, %parallel_loop3A_589, %parallel_loop3A_590 : vector<16xi1>, vector<16xi32>
          %parallel_loop3A_592 = arith.addi %parallel_loop3A_585, %parallel_loop3A_591 : vector<16xi32>
          %parallel_loop3A_593 = arith.constant 4096 : i32
          %parallel_loop3A_594 = vector.broadcast %parallel_loop3A_593 : i32 to vector<16xi32>
          %parallel_loop3A_595 = arith.muli %parallel_loop3A_592, %parallel_loop3A_594 : vector<16xi32>
          %parallel_loop3A_596 = arith.constant 16 : i32
          %parallel_loop3A_597 = arith.muli %parallel_loop3A_533, %parallel_loop3A_596 : i32
          %parallel_loop3A_598 = vector.broadcast %parallel_loop3A_597 : i32 to vector<16xi32>
          %parallel_loop3A_599 = arith.addi %parallel_loop3A_598, %iota3A : vector<16xi32>
          %parallel_loop3A_600 = arith.addi %parallel_loop3A_595, %parallel_loop3A_599 : vector<16xi32>
          %parallel_loop3A_601 = arith.constant 16 : i32
          %parallel_loop3A_602 = arith.muli %parallel_loop3A_533, %parallel_loop3A_601 : i32
          %parallel_loop3A_603 = arith.index_cast %parallel_loop3A_602 : i32 to index
          %parallel_loop3A_604 = tpu.vector_load %arg10[%parallel_loop3A_603] {strides = array<i32>} : memref<4096xi32, #tpu.memory_space<vmem>>, vector<16xi32>,
          tpu.vector_store %arg10[%parallel_loop3A_603], %parallel_loop3A_600 {strides = array<i32>} : memref<4096xi32, #tpu.memory_space<vmem>>, vector<16xi32>,
          tpu.vector_store_idx %arg8[%parallel_loop3A_600], %get3A_32 : memref<36864xf32, #tpu.memory_space<vmem>>[vector<16xi32>], vector<16xf32>,
        } {sc.loop_unroll_factor = 8 : i64, sc.parallel_access}
      } else {
      }
      %dma_start3A_423 = arith.constant 1 : i32
      %dma_start3A_424 = arith.constant 0 : i32
      %dma_start3A_425 = tpu.memref_slice %arg8[%dma_start3A_424] : memref<36864xf32, #tpu.memory_space<vmem>> -> memref<4096xf32, #tpu.memory_space<vmem>>
      %dma_start3A_426 = arith.constant 4096 : i32
      %dma_start3A_427 = tpu.memref_slice %arg4[%dma_start3A_423, %while3A_270, %dma_start3A_426] : memref<10x4096x8192xf32, #tpu.memory_space<hbm>> -> memref<1x1x4096xf32, #tpu.memory_space<hbm>>
      %dma_start3A_428 = tpu.memref_squeeze %dma_start3A_427 : memref<1x1x4096xf32, #tpu.memory_space<hbm>> -> memref<4096xf32, #tpu.memory_space<hbm>>
      %dma_start3A_429 = arith.constant 4096 : i32
      %dma_start3A_430 = tpu.memref_slice %arg4[%dma_start3A_423, %while3A_270, %dma_start3A_429] : memref<10x4096x8192xf32, #tpu.memory_space<hbm>> -> memref<1x1x4096xf32, #tpu.memory_space<hbm>>
      %dma_start3A_431 = tpu.memref_squeeze %dma_start3A_430 : memref<1x1x4096xf32, #tpu.memory_space<hbm>> -> memref<4096xf32, #tpu.memory_space<hbm>>
      %dma_start3A_432 = arith.constant 0 : i32
      %dma_start3A_433 = tpu.memref_slice %arg8[%dma_start3A_432] : memref<36864xf32, #tpu.memory_space<vmem>> -> memref<4096xf32, #tpu.memory_space<vmem>>
      tpu.enqueue_dma source(%dma_start3A_433 : memref<4096xf32, #tpu.memory_space<vmem>>) target(%dma_start3A_431 : memref<4096xf32, #tpu.memory_space<hbm>>) target_semaphore(%arg17 : memref<!tpu.dma_semaphore, #tpu.memory_space<semaphore_mem>>)
      %dma_start3A_434 = arith.constant 2 : i32
      %dma_start3A_435 = arith.constant 4096 : i32
      %dma_start3A_436 = tpu.memref_slice %arg8[%dma_start3A_435] : memref<36864xf32, #tpu.memory_space<vmem>> -> memref<4096xf32, #tpu.memory_space<vmem>>
      %dma_start3A_437 = arith.constant 4096 : i32
      %dma_start3A_438 = tpu.memref_slice %arg4[%dma_start3A_434, %while3A_270, %dma_start3A_437] : memref<10x4096x8192xf32, #tpu.memory_space<hbm>> -> memref<1x1x4096xf32, #tpu.memory_space<hbm>>
      %dma_start3A_439 = tpu.memref_squeeze %dma_start3A_438 : memref<1x1x4096xf32, #tpu.memory_space<hbm>> -> memref<4096xf32, #tpu.memory_space<hbm>>
      %dma_start3A_440 = arith.constant 4096 : i32
      %dma_start3A_441 = tpu.memref_slice %arg4[%dma_start3A_434, %while3A_270, %dma_start3A_440] : memref<10x4096x8192xf32, #tpu.memory_space<hbm>> -> memref<1x1x4096xf32, #tpu.memory_space<hbm>>
      %dma_start3A_442 = tpu.memref_squeeze %dma_start3A_441 : memref<1x1x4096xf32, #tpu.memory_space<hbm>> -> memref<4096xf32, #tpu.memory_space<hbm>>
      %dma_start3A_443 = arith.constant 4096 : i32
      %dma_start3A_444 = tpu.memref_slice %arg8[%dma_start3A_443] : memref<36864xf32, #tpu.memory_space<vmem>> -> memref<4096xf32, #tpu.memory_space<vmem>>
      tpu.enqueue_dma source(%dma_start3A_444 : memref<4096xf32, #tpu.memory_space<vmem>>) target(%dma_start3A_442 : memref<4096xf32, #tpu.memory_space<hbm>>) target_semaphore(%arg17 : memref<!tpu.dma_semaphore, #tpu.memory_space<semaphore_mem>>)
      %dma_start3A_445 = arith.constant 3 : i32
      %dma_start3A_446 = arith.constant 8192 : i32
      %dma_start3A_447 = tpu.memref_slice %arg8[%dma_start3A_446] : memref<36864xf32, #tpu.memory_space<vmem>> -> memref<4096xf32, #tpu.memory_space<vmem>>
      %dma_start3A_448 = arith.constant 4096 : i32
      %dma_start3A_449 = tpu.memref_slice %arg4[%dma_start3A_445, %while3A_270, %dma_start3A_448] : memref<10x4096x8192xf32, #tpu.memory_space<hbm>> -> memref<1x1x4096xf32, #tpu.memory_space<hbm>>
      %dma_start3A_450 = tpu.memref_squeeze %dma_start3A_449 : memref<1x1x4096xf32, #tpu.memory_space<hbm>> -> memref<4096xf32, #tpu.memory_space<hbm>>
      %dma_start3A_451 = arith.constant 4096 : i32
      %dma_start3A_452 = tpu.memref_slice %arg4[%dma_start3A_445, %while3A_270, %dma_start3A_451] : memref<10x4096x8192xf32, #tpu.memory_space<hbm>> -> memref<1x1x4096xf32, #tpu.memory_space<hbm>>
      %dma_start3A_453 = tpu.memref_squeeze %dma_start3A_452 : memref<1x1x4096xf32, #tpu.memory_space<hbm>> -> memref<4096xf32, #tpu.memory_space<hbm>>
      %dma_start3A_454 = arith.constant 8192 : i32
      %dma_start3A_455 = tpu.memref_slice %arg8[%dma_start3A_454] : memref<36864xf32, #tpu.memory_space<vmem>> -> memref<4096xf32, #tpu.memory_space<vmem>>
      tpu.enqueue_dma source(%dma_start3A_455 : memref<4096xf32, #tpu.memory_space<vmem>>) target(%dma_start3A_453 : memref<4096xf32, #tpu.memory_space<hbm>>) target_semaphore(%arg17 : memref<!tpu.dma_semaphore, #tpu.memory_space<semaphore_mem>>)
      %dma_start3A_456 = arith.constant 4 : i32
      %dma_start3A_457 = arith.constant 12288 : i32
      %dma_start3A_458 = tpu.memref_slice %arg8[%dma_start3A_457] : memref<36864xf32, #tpu.memory_space<vmem>> -> memref<4096xf32, #tpu.memory_space<vmem>>
      %dma_start3A_459 = arith.constant 4096 : i32
      %dma_start3A_460 = tpu.memref_slice %arg4[%dma_start3A_456, %while3A_270, %dma_start3A_459] : memref<10x4096x8192xf32, #tpu.memory_space<hbm>> -> memref<1x1x4096xf32, #tpu.memory_space<hbm>>
      %dma_start3A_461 = tpu.memref_squeeze %dma_start3A_460 : memref<1x1x4096xf32, #tpu.memory_space<hbm>> -> memref<4096xf32, #tpu.memory_space<hbm>>
      %dma_start3A_462 = arith.constant 4096 : i32
      %dma_start3A_463 = tpu.memref_slice %arg4[%dma_start3A_456, %while3A_270, %dma_start3A_462] : memref<10x4096x8192xf32, #tpu.memory_space<hbm>> -> memref<1x1x4096xf32, #tpu.memory_space<hbm>>
      %dma_start3A_464 = tpu.memref_squeeze %dma_start3A_463 : memref<1x1x4096xf32, #tpu.memory_space<hbm>> -> memref<4096xf32, #tpu.memory_space<hbm>>
      %dma_start3A_465 = arith.constant 12288 : i32
      %dma_start3A_466 = tpu.memref_slice %arg8[%dma_start3A_465] : memref<36864xf32, #tpu.memory_space<vmem>> -> memref<4096xf32, #tpu.memory_space<vmem>>
      tpu.enqueue_dma source(%dma_start3A_466 : memref<4096xf32, #tpu.memory_space<vmem>>) target(%dma_start3A_464 : memref<4096xf32, #tpu.memory_space<hbm>>) target_semaphore(%arg17 : memref<!tpu.dma_semaphore, #tpu.memory_space<semaphore_mem>>)
      %dma_start3A_467 = arith.constant 5 : i32
      %dma_start3A_468 = arith.constant 16384 : i32
      %dma_start3A_469 = tpu.memref_slice %arg8[%dma_start3A_468] : memref<36864xf32, #tpu.memory_space<vmem>> -> memref<4096xf32, #tpu.memory_space<vmem>>
      %dma_start3A_470 = arith.constant 4096 : i32
      %dma_start3A_471 = tpu.memref_slice %arg4[%dma_start3A_467, %while3A_270, %dma_start3A_470] : memref<10x4096x8192xf32, #tpu.memory_space<hbm>> -> memref<1x1x4096xf32, #tpu.memory_space<hbm>>
      %dma_start3A_472 = tpu.memref_squeeze %dma_start3A_471 : memref<1x1x4096xf32, #tpu.memory_space<hbm>> -> memref<4096xf32, #tpu.memory_space<hbm>>
      %dma_start3A_473 = arith.constant 4096 : i32
      %dma_start3A_474 = tpu.memref_slice %arg4[%dma_start3A_467, %while3A_270, %dma_start3A_473] : memref<10x4096x8192xf32, #tpu.memory_space<hbm>> -> memref<1x1x4096xf32, #tpu.memory_space<hbm>>
      %dma_start3A_475 = tpu.memref_squeeze %dma_start3A_474 : memref<1x1x4096xf32, #tpu.memory_space<hbm>> -> memref<4096xf32, #tpu.memory_space<hbm>>
      %dma_start3A_476 = arith.constant 16384 : i32
      %dma_start3A_477 = tpu.memref_slice %arg8[%dma_start3A_476] : memref<36864xf32, #tpu.memory_space<vmem>> -> memref<4096xf32, #tpu.memory_space<vmem>>
      tpu.enqueue_dma source(%dma_start3A_477 : memref<4096xf32, #tpu.memory_space<vmem>>) target(%dma_start3A_475 : memref<4096xf32, #tpu.memory_space<hbm>>) target_semaphore(%arg17 : memref<!tpu.dma_semaphore, #tpu.memory_space<semaphore_mem>>)
      %dma_start3A_478 = arith.constant 6 : i32
      %dma_start3A_479 = arith.constant 20480 : i32
      %dma_start3A_480 = tpu.memref_slice %arg8[%dma_start3A_479] : memref<36864xf32, #tpu.memory_space<vmem>> -> memref<4096xf32, #tpu.memory_space<vmem>>
      %dma_start3A_481 = arith.constant 4096 : i32
      %dma_start3A_482 = tpu.memref_slice %arg4[%dma_start3A_478, %while3A_270, %dma_start3A_481] : memref<10x4096x8192xf32, #tpu.memory_space<hbm>> -> memref<1x1x4096xf32, #tpu.memory_space<hbm>>
      %dma_start3A_483 = tpu.memref_squeeze %dma_start3A_482 : memref<1x1x4096xf32, #tpu.memory_space<hbm>> -> memref<4096xf32, #tpu.memory_space<hbm>>
      %dma_start3A_484 = arith.constant 4096 : i32
      %dma_start3A_485 = tpu.memref_slice %arg4[%dma_start3A_478, %while3A_270, %dma_start3A_484] : memref<10x4096x8192xf32, #tpu.memory_space<hbm>> -> memref<1x1x4096xf32, #tpu.memory_space<hbm>>
      %dma_start3A_486 = tpu.memref_squeeze %dma_start3A_485 : memref<1x1x4096xf32, #tpu.memory_space<hbm>> -> memref<4096xf32, #tpu.memory_space<hbm>>
      %dma_start3A_487 = arith.constant 20480 : i32
      %dma_start3A_488 = tpu.memref_slice %arg8[%dma_start3A_487] : memref<36864xf32, #tpu.memory_space<vmem>> -> memref<4096xf32, #tpu.memory_space<vmem>>
      tpu.enqueue_dma source(%dma_start3A_488 : memref<4096xf32, #tpu.memory_space<vmem>>) target(%dma_start3A_486 : memref<4096xf32, #tpu.memory_space<hbm>>) target_semaphore(%arg17 : memref<!tpu.dma_semaphore, #tpu.memory_space<semaphore_mem>>)
      %dma_start3A_489 = arith.constant 7 : i32
      %dma_start3A_490 = arith.constant 24576 : i32
      %dma_start3A_491 = tpu.memref_slice %arg8[%dma_start3A_490] : memref<36864xf32, #tpu.memory_space<vmem>> -> memref<4096xf32, #tpu.memory_space<vmem>>
      %dma_start3A_492 = arith.constant 4096 : i32
      %dma_start3A_493 = tpu.memref_slice %arg4[%dma_start3A_489, %while3A_270, %dma_start3A_492] : memref<10x4096x8192xf32, #tpu.memory_space<hbm>> -> memref<1x1x4096xf32, #tpu.memory_space<hbm>>
      %dma_start3A_494 = tpu.memref_squeeze %dma_start3A_493 : memref<1x1x4096xf32, #tpu.memory_space<hbm>> -> memref<4096xf32, #tpu.memory_space<hbm>>
      %dma_start3A_495 = arith.constant 4096 : i32
      %dma_start3A_496 = tpu.memref_slice %arg4[%dma_start3A_489, %while3A_270, %dma_start3A_495] : memref<10x4096x8192xf32, #tpu.memory_space<hbm>> -> memref<1x1x4096xf32, #tpu.memory_space<hbm>>
      %dma_start3A_497 = tpu.memref_squeeze %dma_start3A_496 : memref<1x1x4096xf32, #tpu.memory_space<hbm>> -> memref<4096xf32, #tpu.memory_space<hbm>>
      %dma_start3A_498 = arith.constant 24576 : i32
      %dma_start3A_499 = tpu.memref_slice %arg8[%dma_start3A_498] : memref<36864xf32, #tpu.memory_space<vmem>> -> memref<4096xf32, #tpu.memory_space<vmem>>
      tpu.enqueue_dma source(%dma_start3A_499 : memref<4096xf32, #tpu.memory_space<vmem>>) target(%dma_start3A_497 : memref<4096xf32, #tpu.memory_space<hbm>>) target_semaphore(%arg17 : memref<!tpu.dma_semaphore, #tpu.memory_space<semaphore_mem>>)
      %dma_start3A_500 = arith.constant 8 : i32
      %dma_start3A_501 = arith.constant 28672 : i32
      %dma_start3A_502 = tpu.memref_slice %arg8[%dma_start3A_501] : memref<36864xf32, #tpu.memory_space<vmem>> -> memref<4096xf32, #tpu.memory_space<vmem>>
      %dma_start3A_503 = arith.constant 4096 : i32
      %dma_start3A_504 = tpu.memref_slice %arg4[%dma_start3A_500, %while3A_270, %dma_start3A_503] : memref<10x4096x8192xf32, #tpu.memory_space<hbm>> -> memref<1x1x4096xf32, #tpu.memory_space<hbm>>
      %dma_start3A_505 = tpu.memref_squeeze %dma_start3A_504 : memref<1x1x4096xf32, #tpu.memory_space<hbm>> -> memref<4096xf32, #tpu.memory_space<hbm>>
      %dma_start3A_506 = arith.constant 4096 : i32
      %dma_start3A_507 = tpu.memref_slice %arg4[%dma_start3A_500, %while3A_270, %dma_start3A_506] : memref<10x4096x8192xf32, #tpu.memory_space<hbm>> -> memref<1x1x4096xf32, #tpu.memory_space<hbm>>
      %dma_start3A_508 = tpu.memref_squeeze %dma_start3A_507 : memref<1x1x4096xf32, #tpu.memory_space<hbm>> -> memref<4096xf32, #tpu.memory_space<hbm>>
      %dma_start3A_509 = arith.constant 28672 : i32
      %dma_start3A_510 = tpu.memref_slice %arg8[%dma_start3A_509] : memref<36864xf32, #tpu.memory_space<vmem>> -> memref<4096xf32, #tpu.memory_space<vmem>>
      tpu.enqueue_dma source(%dma_start3A_510 : memref<4096xf32, #tpu.memory_space<vmem>>) target(%dma_start3A_508 : memref<4096xf32, #tpu.memory_space<hbm>>) target_semaphore(%arg17 : memref<!tpu.dma_semaphore, #tpu.memory_space<semaphore_mem>>)
      %dma_start3A_511 = arith.constant 9 : i32
      %dma_start3A_512 = arith.constant 32768 : i32
      %dma_start3A_513 = tpu.memref_slice %arg8[%dma_start3A_512] : memref<36864xf32, #tpu.memory_space<vmem>> -> memref<4096xf32, #tpu.memory_space<vmem>>
      %dma_start3A_514 = arith.constant 4096 : i32
      %dma_start3A_515 = tpu.memref_slice %arg4[%dma_start3A_511, %while3A_270, %dma_start3A_514] : memref<10x4096x8192xf32, #tpu.memory_space<hbm>> -> memref<1x1x4096xf32, #tpu.memory_space<hbm>>
      %dma_start3A_516 = tpu.memref_squeeze %dma_start3A_515 : memref<1x1x4096xf32, #tpu.memory_space<hbm>> -> memref<4096xf32, #tpu.memory_space<hbm>>
      %dma_start3A_517 = arith.constant 4096 : i32
      %dma_start3A_518 = tpu.memref_slice %arg4[%dma_start3A_511, %while3A_270, %dma_start3A_517] : memref<10x4096x8192xf32, #tpu.memory_space<hbm>> -> memref<1x1x4096xf32, #tpu.memory_space<hbm>>
      %dma_start3A_519 = tpu.memref_squeeze %dma_start3A_518 : memref<1x1x4096xf32, #tpu.memory_space<hbm>> -> memref<4096xf32, #tpu.memory_space<hbm>>
      %dma_start3A_520 = arith.constant 32768 : i32
      %dma_start3A_521 = tpu.memref_slice %arg8[%dma_start3A_520] : memref<36864xf32, #tpu.memory_space<vmem>> -> memref<4096xf32, #tpu.memory_space<vmem>>
      tpu.enqueue_dma source(%dma_start3A_521 : memref<4096xf32, #tpu.memory_space<vmem>>) target(%dma_start3A_519 : memref<4096xf32, #tpu.memory_space<hbm>>) target_semaphore(%arg17 : memref<!tpu.dma_semaphore, #tpu.memory_space<semaphore_mem>>)
      %dma_start3A_522 = arith.constant 0 : i32
      %dma_start3A_523 = arith.constant 4096 : i32
      %dma_start3A_524 = tpu.memref_slice %arg4[%dma_start3A_522, %while3A_270, %dma_start3A_523] : memref<10x4096x8192xf32, #tpu.memory_space<hbm>> -> memref<1x1x4096xf32, #tpu.memory_space<hbm>>
      %dma_start3A_525 = tpu.memref_squeeze %dma_start3A_524 : memref<1x1x4096xf32, #tpu.memory_space<hbm>> -> memref<4096xf32, #tpu.memory_space<hbm>>
      %dma_start3A_526 = arith.constant 4096 : i32
      %dma_start3A_527 = tpu.memref_slice %arg4[%dma_start3A_522, %while3A_270, %dma_start3A_526] : memref<10x4096x8192xf32, #tpu.memory_space<hbm>> -> memref<1x1x4096xf32, #tpu.memory_space<hbm>>
      %dma_start3A_528 = tpu.memref_squeeze %dma_start3A_527 : memref<1x1x4096xf32, #tpu.memory_space<hbm>> -> memref<4096xf32, #tpu.memory_space<hbm>>
      tpu.enqueue_dma source(%arg11 : memref<4096xf32, #tpu.memory_space<vmem>>) target(%dma_start3A_528 : memref<4096xf32, #tpu.memory_space<hbm>>) target_semaphore(%arg17 : memref<!tpu.dma_semaphore, #tpu.memory_space<semaphore_mem>>)
      %while3A_529 = arith.constant 0 : i32
      scf.yield %while3A_529 : i32
    }
    %add3A_56 = arith.constant 128 : i32
    %add3A_57 = arith.addi %mul3A_2, %add3A_56 : i32
    %sub3A = arith.constant 1 : i32
    %sub3A_58 = arith.subi %add3A_57, %sub3A : i32
    %dma_wait3A = arith.constant 1 : i32
    %dma_wait3A_59 = arith.constant 0 : i32
    %dma_wait3A_60 = tpu.memref_slice %arg7[%dma_wait3A_59] : memref<36864xf32, #tpu.memory_space<vmem>> -> memref<4096xf32, #tpu.memory_space<vmem>>
    %dma_wait3A_61 = arith.constant 0 : i32
    %dma_wait3A_62 = tpu.memref_slice %arg4[%dma_wait3A, %sub3A_58, %dma_wait3A_61] : memref<10x4096x8192xf32, #tpu.memory_space<hbm>> -> memref<1x1x4096xf32, #tpu.memory_space<hbm>>
    %dma_wait3A_63 = tpu.memref_squeeze %dma_wait3A_62 : memref<1x1x4096xf32, #tpu.memory_space<hbm>> -> memref<4096xf32, #tpu.memory_space<hbm>>
    %dma_wait3A_64 = arith.constant 0 : i32
    %dma_wait3A_65 = tpu.memref_slice %arg4[%dma_wait3A, %sub3A_58, %dma_wait3A_64] : memref<10x4096x8192xf32, #tpu.memory_space<hbm>> -> memref<1x1x4096xf32, #tpu.memory_space<hbm>>
    %dma_wait3A_66 = tpu.memref_squeeze %dma_wait3A_65 : memref<1x1x4096xf32, #tpu.memory_space<hbm>> -> memref<4096xf32, #tpu.memory_space<hbm>>
    %dma_wait3A_67 = arith.constant 0 : i32
    %dma_wait3A_68 = tpu.memref_slice %arg7[%dma_wait3A_67] : memref<36864xf32, #tpu.memory_space<vmem>> -> memref<4096xf32, #tpu.memory_space<vmem>>
    tpu.wait_dma2 semaphore(%arg16 : memref<!tpu.dma_semaphore, #tpu.memory_space<semaphore_mem>>) src(%dma_wait3A_68 : memref<4096xf32, #tpu.memory_space<vmem>>) dst(%dma_wait3A_66 : memref<4096xf32, #tpu.memory_space<hbm>>)
    %dma_wait3A_69 = arith.constant 2 : i32
    %dma_wait3A_70 = arith.constant 4096 : i32
    %dma_wait3A_71 = tpu.memref_slice %arg7[%dma_wait3A_70] : memref<36864xf32, #tpu.memory_space<vmem>> -> memref<4096xf32, #tpu.memory_space<vmem>>
    %dma_wait3A_72 = arith.constant 0 : i32
    %dma_wait3A_73 = tpu.memref_slice %arg4[%dma_wait3A_69, %sub3A_58, %dma_wait3A_72] : memref<10x4096x8192xf32, #tpu.memory_space<hbm>> -> memref<1x1x4096xf32, #tpu.memory_space<hbm>>
    %dma_wait3A_74 = tpu.memref_squeeze %dma_wait3A_73 : memref<1x1x4096xf32, #tpu.memory_space<hbm>> -> memref<4096xf32, #tpu.memory_space<hbm>>
    %dma_wait3A_75 = arith.constant 0 : i32
    %dma_wait3A_76 = tpu.memref_slice %arg4[%dma_wait3A_69, %sub3A_58, %dma_wait3A_75] : memref<10x4096x8192xf32, #tpu.memory_space<hbm>> -> memref<1x1x4096xf32, #tpu.memory_space<hbm>>
    %dma_wait3A_77 = tpu.memref_squeeze %dma_wait3A_76 : memref<1x1x4096xf32, #tpu.memory_space<hbm>> -> memref<4096xf32, #tpu.memory_space<hbm>>
    %dma_wait3A_78 = arith.constant 4096 : i32
    %dma_wait3A_79 = tpu.memref_slice %arg7[%dma_wait3A_78] : memref<36864xf32, #tpu.memory_space<vmem>> -> memref<4096xf32, #tpu.memory_space<vmem>>
    tpu.wait_dma2 semaphore(%arg16 : memref<!tpu.dma_semaphore, #tpu.memory_space<semaphore_mem>>) src(%dma_wait3A_79 : memref<4096xf32, #tpu.memory_space<vmem>>) dst(%dma_wait3A_77 : memref<4096xf32, #tpu.memory_space<hbm>>)
    %dma_wait3A_80 = arith.constant 3 : i32
    %dma_wait3A_81 = arith.constant 8192 : i32
    %dma_wait3A_82 = tpu.memref_slice %arg7[%dma_wait3A_81] : memref<36864xf32, #tpu.memory_space<vmem>> -> memref<4096xf32, #tpu.memory_space<vmem>>
    %dma_wait3A_83 = arith.constant 0 : i32
    %dma_wait3A_84 = tpu.memref_slice %arg4[%dma_wait3A_80, %sub3A_58, %dma_wait3A_83] : memref<10x4096x8192xf32, #tpu.memory_space<hbm>> -> memref<1x1x4096xf32, #tpu.memory_space<hbm>>
    %dma_wait3A_85 = tpu.memref_squeeze %dma_wait3A_84 : memref<1x1x4096xf32, #tpu.memory_space<hbm>> -> memref<4096xf32, #tpu.memory_space<hbm>>
    %dma_wait3A_86 = arith.constant 0 : i32
    %dma_wait3A_87 = tpu.memref_slice %arg4[%dma_wait3A_80, %sub3A_58, %dma_wait3A_86] : memref<10x4096x8192xf32, #tpu.memory_space<hbm>> -> memref<1x1x4096xf32, #tpu.memory_space<hbm>>
    %dma_wait3A_88 = tpu.memref_squeeze %dma_wait3A_87 : memref<1x1x4096xf32, #tpu.memory_space<hbm>> -> memref<4096xf32, #tpu.memory_space<hbm>>
    %dma_wait3A_89 = arith.constant 8192 : i32
    %dma_wait3A_90 = tpu.memref_slice %arg7[%dma_wait3A_89] : memref<36864xf32, #tpu.memory_space<vmem>> -> memref<4096xf32, #tpu.memory_space<vmem>>
    tpu.wait_dma2 semaphore(%arg16 : memref<!tpu.dma_semaphore, #tpu.memory_space<semaphore_mem>>) src(%dma_wait3A_90 : memref<4096xf32, #tpu.memory_space<vmem>>) dst(%dma_wait3A_88 : memref<4096xf32, #tpu.memory_space<hbm>>)
    %dma_wait3A_91 = arith.constant 4 : i32
    %dma_wait3A_92 = arith.constant 12288 : i32
    %dma_wait3A_93 = tpu.memref_slice %arg7[%dma_wait3A_92] : memref<36864xf32, #tpu.memory_space<vmem>> -> memref<4096xf32, #tpu.memory_space<vmem>>
    %dma_wait3A_94 = arith.constant 0 : i32
    %dma_wait3A_95 = tpu.memref_slice %arg4[%dma_wait3A_91, %sub3A_58, %dma_wait3A_94] : memref<10x4096x8192xf32, #tpu.memory_space<hbm>> -> memref<1x1x4096xf32, #tpu.memory_space<hbm>>
    %dma_wait3A_96 = tpu.memref_squeeze %dma_wait3A_95 : memref<1x1x4096xf32, #tpu.memory_space<hbm>> -> memref<4096xf32, #tpu.memory_space<hbm>>
    %dma_wait3A_97 = arith.constant 0 : i32
    %dma_wait3A_98 = tpu.memref_slice %arg4[%dma_wait3A_91, %sub3A_58, %dma_wait3A_97] : memref<10x4096x8192xf32, #tpu.memory_space<hbm>> -> memref<1x1x4096xf32, #tpu.memory_space<hbm>>
    %dma_wait3A_99 = tpu.memref_squeeze %dma_wait3A_98 : memref<1x1x4096xf32, #tpu.memory_space<hbm>> -> memref<4096xf32, #tpu.memory_space<hbm>>
    %dma_wait3A_100 = arith.constant 12288 : i32
    %dma_wait3A_101 = tpu.memref_slice %arg7[%dma_wait3A_100] : memref<36864xf32, #tpu.memory_space<vmem>> -> memref<4096xf32, #tpu.memory_space<vmem>>
    tpu.wait_dma2 semaphore(%arg16 : memref<!tpu.dma_semaphore, #tpu.memory_space<semaphore_mem>>) src(%dma_wait3A_101 : memref<4096xf32, #tpu.memory_space<vmem>>) dst(%dma_wait3A_99 : memref<4096xf32, #tpu.memory_space<hbm>>)
    %dma_wait3A_102 = arith.constant 5 : i32
    %dma_wait3A_103 = arith.constant 16384 : i32
    %dma_wait3A_104 = tpu.memref_slice %arg7[%dma_wait3A_103] : memref<36864xf32, #tpu.memory_space<vmem>> -> memref<4096xf32, #tpu.memory_space<vmem>>
    %dma_wait3A_105 = arith.constant 0 : i32
    %dma_wait3A_106 = tpu.memref_slice %arg4[%dma_wait3A_102, %sub3A_58, %dma_wait3A_105] : memref<10x4096x8192xf32, #tpu.memory_space<hbm>> -> memref<1x1x4096xf32, #tpu.memory_space<hbm>>
    %dma_wait3A_107 = tpu.memref_squeeze %dma_wait3A_106 : memref<1x1x4096xf32, #tpu.memory_space<hbm>> -> memref<4096xf32, #tpu.memory_space<hbm>>
    %dma_wait3A_108 = arith.constant 0 : i32
    %dma_wait3A_109 = tpu.memref_slice %arg4[%dma_wait3A_102, %sub3A_58, %dma_wait3A_108] : memref<10x4096x8192xf32, #tpu.memory_space<hbm>> -> memref<1x1x4096xf32, #tpu.memory_space<hbm>>
    %dma_wait3A_110 = tpu.memref_squeeze %dma_wait3A_109 : memref<1x1x4096xf32, #tpu.memory_space<hbm>> -> memref<4096xf32, #tpu.memory_space<hbm>>
    %dma_wait3A_111 = arith.constant 16384 : i32
    %dma_wait3A_112 = tpu.memref_slice %arg7[%dma_wait3A_111] : memref<36864xf32, #tpu.memory_space<vmem>> -> memref<4096xf32, #tpu.memory_space<vmem>>
    tpu.wait_dma2 semaphore(%arg16 : memref<!tpu.dma_semaphore, #tpu.memory_space<semaphore_mem>>) src(%dma_wait3A_112 : memref<4096xf32, #tpu.memory_space<vmem>>) dst(%dma_wait3A_110 : memref<4096xf32, #tpu.memory_space<hbm>>)
    %dma_wait3A_113 = arith.constant 6 : i32
    %dma_wait3A_114 = arith.constant 20480 : i32
    %dma_wait3A_115 = tpu.memref_slice %arg7[%dma_wait3A_114] : memref<36864xf32, #tpu.memory_space<vmem>> -> memref<4096xf32, #tpu.memory_space<vmem>>
    %dma_wait3A_116 = arith.constant 0 : i32
    %dma_wait3A_117 = tpu.memref_slice %arg4[%dma_wait3A_113, %sub3A_58, %dma_wait3A_116] : memref<10x4096x8192xf32, #tpu.memory_space<hbm>> -> memref<1x1x4096xf32, #tpu.memory_space<hbm>>
    %dma_wait3A_118 = tpu.memref_squeeze %dma_wait3A_117 : memref<1x1x4096xf32, #tpu.memory_space<hbm>> -> memref<4096xf32, #tpu.memory_space<hbm>>
    %dma_wait3A_119 = arith.constant 0 : i32
    %dma_wait3A_120 = tpu.memref_slice %arg4[%dma_wait3A_113, %sub3A_58, %dma_wait3A_119] : memref<10x4096x8192xf32, #tpu.memory_space<hbm>> -> memref<1x1x4096xf32, #tpu.memory_space<hbm>>
    %dma_wait3A_121 = tpu.memref_squeeze %dma_wait3A_120 : memref<1x1x4096xf32, #tpu.memory_space<hbm>> -> memref<4096xf32, #tpu.memory_space<hbm>>
    %dma_wait3A_122 = arith.constant 20480 : i32
    %dma_wait3A_123 = tpu.memref_slice %arg7[%dma_wait3A_122] : memref<36864xf32, #tpu.memory_space<vmem>> -> memref<4096xf32, #tpu.memory_space<vmem>>
    tpu.wait_dma2 semaphore(%arg16 : memref<!tpu.dma_semaphore, #tpu.memory_space<semaphore_mem>>) src(%dma_wait3A_123 : memref<4096xf32, #tpu.memory_space<vmem>>) dst(%dma_wait3A_121 : memref<4096xf32, #tpu.memory_space<hbm>>)
    %dma_wait3A_124 = arith.constant 7 : i32
    %dma_wait3A_125 = arith.constant 24576 : i32
    %dma_wait3A_126 = tpu.memref_slice %arg7[%dma_wait3A_125] : memref<36864xf32, #tpu.memory_space<vmem>> -> memref<4096xf32, #tpu.memory_space<vmem>>
    %dma_wait3A_127 = arith.constant 0 : i32
    %dma_wait3A_128 = tpu.memref_slice %arg4[%dma_wait3A_124, %sub3A_58, %dma_wait3A_127] : memref<10x4096x8192xf32, #tpu.memory_space<hbm>> -> memref<1x1x4096xf32, #tpu.memory_space<hbm>>
    %dma_wait3A_129 = tpu.memref_squeeze %dma_wait3A_128 : memref<1x1x4096xf32, #tpu.memory_space<hbm>> -> memref<4096xf32, #tpu.memory_space<hbm>>
    %dma_wait3A_130 = arith.constant 0 : i32
    %dma_wait3A_131 = tpu.memref_slice %arg4[%dma_wait3A_124, %sub3A_58, %dma_wait3A_130] : memref<10x4096x8192xf32, #tpu.memory_space<hbm>> -> memref<1x1x4096xf32, #tpu.memory_space<hbm>>
    %dma_wait3A_132 = tpu.memref_squeeze %dma_wait3A_131 : memref<1x1x4096xf32, #tpu.memory_space<hbm>> -> memref<4096xf32, #tpu.memory_space<hbm>>
    %dma_wait3A_133 = arith.constant 24576 : i32
    %dma_wait3A_134 = tpu.memref_slice %arg7[%dma_wait3A_133] : memref<36864xf32, #tpu.memory_space<vmem>> -> memref<4096xf32, #tpu.memory_space<vmem>>
    tpu.wait_dma2 semaphore(%arg16 : memref<!tpu.dma_semaphore, #tpu.memory_space<semaphore_mem>>) src(%dma_wait3A_134 : memref<4096xf32, #tpu.memory_space<vmem>>) dst(%dma_wait3A_132 : memref<4096xf32, #tpu.memory_space<hbm>>)
    %dma_wait3A_135 = arith.constant 8 : i32
    %dma_wait3A_136 = arith.constant 28672 : i32
    %dma_wait3A_137 = tpu.memref_slice %arg7[%dma_wait3A_136] : memref<36864xf32, #tpu.memory_space<vmem>> -> memref<4096xf32, #tpu.memory_space<vmem>>
    %dma_wait3A_138 = arith.constant 0 : i32
    %dma_wait3A_139 = tpu.memref_slice %arg4[%dma_wait3A_135, %sub3A_58, %dma_wait3A_138] : memref<10x4096x8192xf32, #tpu.memory_space<hbm>> -> memref<1x1x4096xf32, #tpu.memory_space<hbm>>
    %dma_wait3A_140 = tpu.memref_squeeze %dma_wait3A_139 : memref<1x1x4096xf32, #tpu.memory_space<hbm>> -> memref<4096xf32, #tpu.memory_space<hbm>>
    %dma_wait3A_141 = arith.constant 0 : i32
    %dma_wait3A_142 = tpu.memref_slice %arg4[%dma_wait3A_135, %sub3A_58, %dma_wait3A_141] : memref<10x4096x8192xf32, #tpu.memory_space<hbm>> -> memref<1x1x4096xf32, #tpu.memory_space<hbm>>
    %dma_wait3A_143 = tpu.memref_squeeze %dma_wait3A_142 : memref<1x1x4096xf32, #tpu.memory_space<hbm>> -> memref<4096xf32, #tpu.memory_space<hbm>>
    %dma_wait3A_144 = arith.constant 28672 : i32
    %dma_wait3A_145 = tpu.memref_slice %arg7[%dma_wait3A_144] : memref<36864xf32, #tpu.memory_space<vmem>> -> memref<4096xf32, #tpu.memory_space<vmem>>
    tpu.wait_dma2 semaphore(%arg16 : memref<!tpu.dma_semaphore, #tpu.memory_space<semaphore_mem>>) src(%dma_wait3A_145 : memref<4096xf32, #tpu.memory_space<vmem>>) dst(%dma_wait3A_143 : memref<4096xf32, #tpu.memory_space<hbm>>)
    %dma_wait3A_146 = arith.constant 9 : i32
    %dma_wait3A_147 = arith.constant 32768 : i32
    %dma_wait3A_148 = tpu.memref_slice %arg7[%dma_wait3A_147] : memref<36864xf32, #tpu.memory_space<vmem>> -> memref<4096xf32, #tpu.memory_space<vmem>>
    %dma_wait3A_149 = arith.constant 0 : i32
    %dma_wait3A_150 = tpu.memref_slice %arg4[%dma_wait3A_146, %sub3A_58, %dma_wait3A_149] : memref<10x4096x8192xf32, #tpu.memory_space<hbm>> -> memref<1x1x4096xf32, #tpu.memory_space<hbm>>
    %dma_wait3A_151 = tpu.memref_squeeze %dma_wait3A_150 : memref<1x1x4096xf32, #tpu.memory_space<hbm>> -> memref<4096xf32, #tpu.memory_space<hbm>>
    %dma_wait3A_152 = arith.constant 0 : i32
    %dma_wait3A_153 = tpu.memref_slice %arg4[%dma_wait3A_146, %sub3A_58, %dma_wait3A_152] : memref<10x4096x8192xf32, #tpu.memory_space<hbm>> -> memref<1x1x4096xf32, #tpu.memory_space<hbm>>
    %dma_wait3A_154 = tpu.memref_squeeze %dma_wait3A_153 : memref<1x1x4096xf32, #tpu.memory_space<hbm>> -> memref<4096xf32, #tpu.memory_space<hbm>>
    %dma_wait3A_155 = arith.constant 32768 : i32
    %dma_wait3A_156 = tpu.memref_slice %arg7[%dma_wait3A_155] : memref<36864xf32, #tpu.memory_space<vmem>> -> memref<4096xf32, #tpu.memory_space<vmem>>
    tpu.wait_dma2 semaphore(%arg16 : memref<!tpu.dma_semaphore, #tpu.memory_space<semaphore_mem>>) src(%dma_wait3A_156 : memref<4096xf32, #tpu.memory_space<vmem>>) dst(%dma_wait3A_154 : memref<4096xf32, #tpu.memory_space<hbm>>)
    %dma_wait3A_157 = arith.constant 0 : i32
    %dma_wait3A_158 = arith.constant 0 : i32
    %dma_wait3A_159 = tpu.memref_slice %arg4[%dma_wait3A_157, %sub3A_58, %dma_wait3A_158] : memref<10x4096x8192xf32, #tpu.memory_space<hbm>> -> memref<1x1x4096xf32, #tpu.memory_space<hbm>>
    %dma_wait3A_160 = tpu.memref_squeeze %dma_wait3A_159 : memref<1x1x4096xf32, #tpu.memory_space<hbm>> -> memref<4096xf32, #tpu.memory_space<hbm>>
    %dma_wait3A_161 = arith.constant 0 : i32
    %dma_wait3A_162 = tpu.memref_slice %arg4[%dma_wait3A_157, %sub3A_58, %dma_wait3A_161] : memref<10x4096x8192xf32, #tpu.memory_space<hbm>> -> memref<1x1x4096xf32, #tpu.memory_space<hbm>>
    %dma_wait3A_163 = tpu.memref_squeeze %dma_wait3A_162 : memref<1x1x4096xf32, #tpu.memory_space<hbm>> -> memref<4096xf32, #tpu.memory_space<hbm>>
    tpu.wait_dma2 semaphore(%arg16 : memref<!tpu.dma_semaphore, #tpu.memory_space<semaphore_mem>>) src(%arg11 : memref<4096xf32, #tpu.memory_space<vmem>>) dst(%dma_wait3A_163 : memref<4096xf32, #tpu.memory_space<hbm>>)
    %dma_wait3A_164 = arith.constant 1 : i32
    %dma_wait3A_165 = arith.constant 0 : i32
    %dma_wait3A_166 = tpu.memref_slice %arg8[%dma_wait3A_165] : memref<36864xf32, #tpu.memory_space<vmem>> -> memref<4096xf32, #tpu.memory_space<vmem>>
    %dma_wait3A_167 = arith.constant 4096 : i32
    %dma_wait3A_168 = tpu.memref_slice %arg4[%dma_wait3A_164, %sub3A_58, %dma_wait3A_167] : memref<10x4096x8192xf32, #tpu.memory_space<hbm>> -> memref<1x1x4096xf32, #tpu.memory_space<hbm>>
    %dma_wait3A_169 = tpu.memref_squeeze %dma_wait3A_168 : memref<1x1x4096xf32, #tpu.memory_space<hbm>> -> memref<4096xf32, #tpu.memory_space<hbm>>
    %dma_wait3A_170 = arith.constant 4096 : i32
    %dma_wait3A_171 = tpu.memref_slice %arg4[%dma_wait3A_164, %sub3A_58, %dma_wait3A_170] : memref<10x4096x8192xf32, #tpu.memory_space<hbm>> -> memref<1x1x4096xf32, #tpu.memory_space<hbm>>
    %dma_wait3A_172 = tpu.memref_squeeze %dma_wait3A_171 : memref<1x1x4096xf32, #tpu.memory_space<hbm>> -> memref<4096xf32, #tpu.memory_space<hbm>>
    %dma_wait3A_173 = arith.constant 0 : i32
    %dma_wait3A_174 = tpu.memref_slice %arg8[%dma_wait3A_173] : memref<36864xf32, #tpu.memory_space<vmem>> -> memref<4096xf32, #tpu.memory_space<vmem>>
    tpu.wait_dma2 semaphore(%arg17 : memref<!tpu.dma_semaphore, #tpu.memory_space<semaphore_mem>>) src(%dma_wait3A_174 : memref<4096xf32, #tpu.memory_space<vmem>>) dst(%dma_wait3A_172 : memref<4096xf32, #tpu.memory_space<hbm>>)
    %dma_wait3A_175 = arith.constant 2 : i32
    %dma_wait3A_176 = arith.constant 4096 : i32
    %dma_wait3A_177 = tpu.memref_slice %arg8[%dma_wait3A_176] : memref<36864xf32, #tpu.memory_space<vmem>> -> memref<4096xf32, #tpu.memory_space<vmem>>
    %dma_wait3A_178 = arith.constant 4096 : i32
    %dma_wait3A_179 = tpu.memref_slice %arg4[%dma_wait3A_175, %sub3A_58, %dma_wait3A_178] : memref<10x4096x8192xf32, #tpu.memory_space<hbm>> -> memref<1x1x4096xf32, #tpu.memory_space<hbm>>
    %dma_wait3A_180 = tpu.memref_squeeze %dma_wait3A_179 : memref<1x1x4096xf32, #tpu.memory_space<hbm>> -> memref<4096xf32, #tpu.memory_space<hbm>>
    %dma_wait3A_181 = arith.constant 4096 : i32
    %dma_wait3A_182 = tpu.memref_slice %arg4[%dma_wait3A_175, %sub3A_58, %dma_wait3A_181] : memref<10x4096x8192xf32, #tpu.memory_space<hbm>> -> memref<1x1x4096xf32, #tpu.memory_space<hbm>>
    %dma_wait3A_183 = tpu.memref_squeeze %dma_wait3A_182 : memref<1x1x4096xf32, #tpu.memory_space<hbm>> -> memref<4096xf32, #tpu.memory_space<hbm>>
    %dma_wait3A_184 = arith.constant 4096 : i32
    %dma_wait3A_185 = tpu.memref_slice %arg8[%dma_wait3A_184] : memref<36864xf32, #tpu.memory_space<vmem>> -> memref<4096xf32, #tpu.memory_space<vmem>>
    tpu.wait_dma2 semaphore(%arg17 : memref<!tpu.dma_semaphore, #tpu.memory_space<semaphore_mem>>) src(%dma_wait3A_185 : memref<4096xf32, #tpu.memory_space<vmem>>) dst(%dma_wait3A_183 : memref<4096xf32, #tpu.memory_space<hbm>>)
    %dma_wait3A_186 = arith.constant 3 : i32
    %dma_wait3A_187 = arith.constant 8192 : i32
    %dma_wait3A_188 = tpu.memref_slice %arg8[%dma_wait3A_187] : memref<36864xf32, #tpu.memory_space<vmem>> -> memref<4096xf32, #tpu.memory_space<vmem>>
    %dma_wait3A_189 = arith.constant 4096 : i32
    %dma_wait3A_190 = tpu.memref_slice %arg4[%dma_wait3A_186, %sub3A_58, %dma_wait3A_189] : memref<10x4096x8192xf32, #tpu.memory_space<hbm>> -> memref<1x1x4096xf32, #tpu.memory_space<hbm>>
    %dma_wait3A_191 = tpu.memref_squeeze %dma_wait3A_190 : memref<1x1x4096xf32, #tpu.memory_space<hbm>> -> memref<4096xf32, #tpu.memory_space<hbm>>
    %dma_wait3A_192 = arith.constant 4096 : i32
    %dma_wait3A_193 = tpu.memref_slice %arg4[%dma_wait3A_186, %sub3A_58, %dma_wait3A_192] : memref<10x4096x8192xf32, #tpu.memory_space<hbm>> -> memref<1x1x4096xf32, #tpu.memory_space<hbm>>
    %dma_wait3A_194 = tpu.memref_squeeze %dma_wait3A_193 : memref<1x1x4096xf32, #tpu.memory_space<hbm>> -> memref<4096xf32, #tpu.memory_space<hbm>>
    %dma_wait3A_195 = arith.constant 8192 : i32
    %dma_wait3A_196 = tpu.memref_slice %arg8[%dma_wait3A_195] : memref<36864xf32, #tpu.memory_space<vmem>> -> memref<4096xf32, #tpu.memory_space<vmem>>
    tpu.wait_dma2 semaphore(%arg17 : memref<!tpu.dma_semaphore, #tpu.memory_space<semaphore_mem>>) src(%dma_wait3A_196 : memref<4096xf32, #tpu.memory_space<vmem>>) dst(%dma_wait3A_194 : memref<4096xf32, #tpu.memory_space<hbm>>)
    %dma_wait3A_197 = arith.constant 4 : i32
    %dma_wait3A_198 = arith.constant 12288 : i32
    %dma_wait3A_199 = tpu.memref_slice %arg8[%dma_wait3A_198] : memref<36864xf32, #tpu.memory_space<vmem>> -> memref<4096xf32, #tpu.memory_space<vmem>>
    %dma_wait3A_200 = arith.constant 4096 : i32
    %dma_wait3A_201 = tpu.memref_slice %arg4[%dma_wait3A_197, %sub3A_58, %dma_wait3A_200] : memref<10x4096x8192xf32, #tpu.memory_space<hbm>> -> memref<1x1x4096xf32, #tpu.memory_space<hbm>>
    %dma_wait3A_202 = tpu.memref_squeeze %dma_wait3A_201 : memref<1x1x4096xf32, #tpu.memory_space<hbm>> -> memref<4096xf32, #tpu.memory_space<hbm>>
    %dma_wait3A_203 = arith.constant 4096 : i32
    %dma_wait3A_204 = tpu.memref_slice %arg4[%dma_wait3A_197, %sub3A_58, %dma_wait3A_203] : memref<10x4096x8192xf32, #tpu.memory_space<hbm>> -> memref<1x1x4096xf32, #tpu.memory_space<hbm>>
    %dma_wait3A_205 = tpu.memref_squeeze %dma_wait3A_204 : memref<1x1x4096xf32, #tpu.memory_space<hbm>> -> memref<4096xf32, #tpu.memory_space<hbm>>
    %dma_wait3A_206 = arith.constant 12288 : i32
    %dma_wait3A_207 = tpu.memref_slice %arg8[%dma_wait3A_206] : memref<36864xf32, #tpu.memory_space<vmem>> -> memref<4096xf32, #tpu.memory_space<vmem>>
    tpu.wait_dma2 semaphore(%arg17 : memref<!tpu.dma_semaphore, #tpu.memory_space<semaphore_mem>>) src(%dma_wait3A_207 : memref<4096xf32, #tpu.memory_space<vmem>>) dst(%dma_wait3A_205 : memref<4096xf32, #tpu.memory_space<hbm>>)
    %dma_wait3A_208 = arith.constant 5 : i32
    %dma_wait3A_209 = arith.constant 16384 : i32
    %dma_wait3A_210 = tpu.memref_slice %arg8[%dma_wait3A_209] : memref<36864xf32, #tpu.memory_space<vmem>> -> memref<4096xf32, #tpu.memory_space<vmem>>
    %dma_wait3A_211 = arith.constant 4096 : i32
    %dma_wait3A_212 = tpu.memref_slice %arg4[%dma_wait3A_208, %sub3A_58, %dma_wait3A_211] : memref<10x4096x8192xf32, #tpu.memory_space<hbm>> -> memref<1x1x4096xf32, #tpu.memory_space<hbm>>
    %dma_wait3A_213 = tpu.memref_squeeze %dma_wait3A_212 : memref<1x1x4096xf32, #tpu.memory_space<hbm>> -> memref<4096xf32, #tpu.memory_space<hbm>>
    %dma_wait3A_214 = arith.constant 4096 : i32
    %dma_wait3A_215 = tpu.memref_slice %arg4[%dma_wait3A_208, %sub3A_58, %dma_wait3A_214] : memref<10x4096x8192xf32, #tpu.memory_space<hbm>> -> memref<1x1x4096xf32, #tpu.memory_space<hbm>>
    %dma_wait3A_216 = tpu.memref_squeeze %dma_wait3A_215 : memref<1x1x4096xf32, #tpu.memory_space<hbm>> -> memref<4096xf32, #tpu.memory_space<hbm>>
    %dma_wait3A_217 = arith.constant 16384 : i32
    %dma_wait3A_218 = tpu.memref_slice %arg8[%dma_wait3A_217] : memref<36864xf32, #tpu.memory_space<vmem>> -> memref<4096xf32, #tpu.memory_space<vmem>>
    tpu.wait_dma2 semaphore(%arg17 : memref<!tpu.dma_semaphore, #tpu.memory_space<semaphore_mem>>) src(%dma_wait3A_218 : memref<4096xf32, #tpu.memory_space<vmem>>) dst(%dma_wait3A_216 : memref<4096xf32, #tpu.memory_space<hbm>>)
    %dma_wait3A_219 = arith.constant 6 : i32
    %dma_wait3A_220 = arith.constant 20480 : i32
    %dma_wait3A_221 = tpu.memref_slice %arg8[%dma_wait3A_220] : memref<36864xf32, #tpu.memory_space<vmem>> -> memref<4096xf32, #tpu.memory_space<vmem>>
    %dma_wait3A_222 = arith.constant 4096 : i32
    %dma_wait3A_223 = tpu.memref_slice %arg4[%dma_wait3A_219, %sub3A_58, %dma_wait3A_222] : memref<10x4096x8192xf32, #tpu.memory_space<hbm>> -> memref<1x1x4096xf32, #tpu.memory_space<hbm>>
    %dma_wait3A_224 = tpu.memref_squeeze %dma_wait3A_223 : memref<1x1x4096xf32, #tpu.memory_space<hbm>> -> memref<4096xf32, #tpu.memory_space<hbm>>
    %dma_wait3A_225 = arith.constant 4096 : i32
    %dma_wait3A_226 = tpu.memref_slice %arg4[%dma_wait3A_219, %sub3A_58, %dma_wait3A_225] : memref<10x4096x8192xf32, #tpu.memory_space<hbm>> -> memref<1x1x4096xf32, #tpu.memory_space<hbm>>
    %dma_wait3A_227 = tpu.memref_squeeze %dma_wait3A_226 : memref<1x1x4096xf32, #tpu.memory_space<hbm>> -> memref<4096xf32, #tpu.memory_space<hbm>>
    %dma_wait3A_228 = arith.constant 20480 : i32
    %dma_wait3A_229 = tpu.memref_slice %arg8[%dma_wait3A_228] : memref<36864xf32, #tpu.memory_space<vmem>> -> memref<4096xf32, #tpu.memory_space<vmem>>
    tpu.wait_dma2 semaphore(%arg17 : memref<!tpu.dma_semaphore, #tpu.memory_space<semaphore_mem>>) src(%dma_wait3A_229 : memref<4096xf32, #tpu.memory_space<vmem>>) dst(%dma_wait3A_227 : memref<4096xf32, #tpu.memory_space<hbm>>)
    %dma_wait3A_230 = arith.constant 7 : i32
    %dma_wait3A_231 = arith.constant 24576 : i32
    %dma_wait3A_232 = tpu.memref_slice %arg8[%dma_wait3A_231] : memref<36864xf32, #tpu.memory_space<vmem>> -> memref<4096xf32, #tpu.memory_space<vmem>>
    %dma_wait3A_233 = arith.constant 4096 : i32
    %dma_wait3A_234 = tpu.memref_slice %arg4[%dma_wait3A_230, %sub3A_58, %dma_wait3A_233] : memref<10x4096x8192xf32, #tpu.memory_space<hbm>> -> memref<1x1x4096xf32, #tpu.memory_space<hbm>>
    %dma_wait3A_235 = tpu.memref_squeeze %dma_wait3A_234 : memref<1x1x4096xf32, #tpu.memory_space<hbm>> -> memref<4096xf32, #tpu.memory_space<hbm>>
    %dma_wait3A_236 = arith.constant 4096 : i32
    %dma_wait3A_237 = tpu.memref_slice %arg4[%dma_wait3A_230, %sub3A_58, %dma_wait3A_236] : memref<10x4096x8192xf32, #tpu.memory_space<hbm>> -> memref<1x1x4096xf32, #tpu.memory_space<hbm>>
    %dma_wait3A_238 = tpu.memref_squeeze %dma_wait3A_237 : memref<1x1x4096xf32, #tpu.memory_space<hbm>> -> memref<4096xf32, #tpu.memory_space<hbm>>
    %dma_wait3A_239 = arith.constant 24576 : i32
    %dma_wait3A_240 = tpu.memref_slice %arg8[%dma_wait3A_239] : memref<36864xf32, #tpu.memory_space<vmem>> -> memref<4096xf32, #tpu.memory_space<vmem>>
    tpu.wait_dma2 semaphore(%arg17 : memref<!tpu.dma_semaphore, #tpu.memory_space<semaphore_mem>>) src(%dma_wait3A_240 : memref<4096xf32, #tpu.memory_space<vmem>>) dst(%dma_wait3A_238 : memref<4096xf32, #tpu.memory_space<hbm>>)
    %dma_wait3A_241 = arith.constant 8 : i32
    %dma_wait3A_242 = arith.constant 28672 : i32
    %dma_wait3A_243 = tpu.memref_slice %arg8[%dma_wait3A_242] : memref<36864xf32, #tpu.memory_space<vmem>> -> memref<4096xf32, #tpu.memory_space<vmem>>
    %dma_wait3A_244 = arith.constant 4096 : i32
    %dma_wait3A_245 = tpu.memref_slice %arg4[%dma_wait3A_241, %sub3A_58, %dma_wait3A_244] : memref<10x4096x8192xf32, #tpu.memory_space<hbm>> -> memref<1x1x4096xf32, #tpu.memory_space<hbm>>
    %dma_wait3A_246 = tpu.memref_squeeze %dma_wait3A_245 : memref<1x1x4096xf32, #tpu.memory_space<hbm>> -> memref<4096xf32, #tpu.memory_space<hbm>>
    %dma_wait3A_247 = arith.constant 4096 : i32
    %dma_wait3A_248 = tpu.memref_slice %arg4[%dma_wait3A_241, %sub3A_58, %dma_wait3A_247] : memref<10x4096x8192xf32, #tpu.memory_space<hbm>> -> memref<1x1x4096xf32, #tpu.memory_space<hbm>>
    %dma_wait3A_249 = tpu.memref_squeeze %dma_wait3A_248 : memref<1x1x4096xf32, #tpu.memory_space<hbm>> -> memref<4096xf32, #tpu.memory_space<hbm>>
    %dma_wait3A_250 = arith.constant 28672 : i32
    %dma_wait3A_251 = tpu.memref_slice %arg8[%dma_wait3A_250] : memref<36864xf32, #tpu.memory_space<vmem>> -> memref<4096xf32, #tpu.memory_space<vmem>>
    tpu.wait_dma2 semaphore(%arg17 : memref<!tpu.dma_semaphore, #tpu.memory_space<semaphore_mem>>) src(%dma_wait3A_251 : memref<4096xf32, #tpu.memory_space<vmem>>) dst(%dma_wait3A_249 : memref<4096xf32, #tpu.memory_space<hbm>>)
    %dma_wait3A_252 = arith.constant 9 : i32
    %dma_wait3A_253 = arith.constant 32768 : i32
    %dma_wait3A_254 = tpu.memref_slice %arg8[%dma_wait3A_253] : memref<36864xf32, #tpu.memory_space<vmem>> -> memref<4096xf32, #tpu.memory_space<vmem>>
    %dma_wait3A_255 = arith.constant 4096 : i32
    %dma_wait3A_256 = tpu.memref_slice %arg4[%dma_wait3A_252, %sub3A_58, %dma_wait3A_255] : memref<10x4096x8192xf32, #tpu.memory_space<hbm>> -> memref<1x1x4096xf32, #tpu.memory_space<hbm>>
    %dma_wait3A_257 = tpu.memref_squeeze %dma_wait3A_256 : memref<1x1x4096xf32, #tpu.memory_space<hbm>> -> memref<4096xf32, #tpu.memory_space<hbm>>
    %dma_wait3A_258 = arith.constant 4096 : i32
    %dma_wait3A_259 = tpu.memref_slice %arg4[%dma_wait3A_252, %sub3A_58, %dma_wait3A_258] : memref<10x4096x8192xf32, #tpu.memory_space<hbm>> -> memref<1x1x4096xf32, #tpu.memory_space<hbm>>
    %dma_wait3A_260 = tpu.memref_squeeze %dma_wait3A_259 : memref<1x1x4096xf32, #tpu.memory_space<hbm>> -> memref<4096xf32, #tpu.memory_space<hbm>>
    %dma_wait3A_261 = arith.constant 32768 : i32
    %dma_wait3A_262 = tpu.memref_slice %arg8[%dma_wait3A_261] : memref<36864xf32, #tpu.memory_space<vmem>> -> memref<4096xf32, #tpu.memory_space<vmem>>
    tpu.wait_dma2 semaphore(%arg17 : memref<!tpu.dma_semaphore, #tpu.memory_space<semaphore_mem>>) src(%dma_wait3A_262 : memref<4096xf32, #tpu.memory_space<vmem>>) dst(%dma_wait3A_260 : memref<4096xf32, #tpu.memory_space<hbm>>)
    %dma_wait3A_263 = arith.constant 0 : i32
    %dma_wait3A_264 = arith.constant 4096 : i32
    %dma_wait3A_265 = tpu.memref_slice %arg4[%dma_wait3A_263, %sub3A_58, %dma_wait3A_264] : memref<10x4096x8192xf32, #tpu.memory_space<hbm>> -> memref<1x1x4096xf32, #tpu.memory_space<hbm>>
    %dma_wait3A_266 = tpu.memref_squeeze %dma_wait3A_265 : memref<1x1x4096xf32, #tpu.memory_space<hbm>> -> memref<4096xf32, #tpu.memory_space<hbm>>
    %dma_wait3A_267 = arith.constant 4096 : i32
    %dma_wait3A_268 = tpu.memref_slice %arg4[%dma_wait3A_263, %sub3A_58, %dma_wait3A_267] : memref<10x4096x8192xf32, #tpu.memory_space<hbm>> -> memref<1x1x4096xf32, #tpu.memory_space<hbm>>
    %dma_wait3A_269 = tpu.memref_squeeze %dma_wait3A_268 : memref<1x1x4096xf32, #tpu.memory_space<hbm>> -> memref<4096xf32, #tpu.memory_space<hbm>>
    tpu.wait_dma2 semaphore(%arg17 : memref<!tpu.dma_semaphore, #tpu.memory_space<semaphore_mem>>) src(%arg11 : memref<4096xf32, #tpu.memory_space<vmem>>) dst(%dma_wait3A_269 : memref<4096xf32, #tpu.memory_space<hbm>>)
    return
  }
}

</mosaic_0001>

<sc_bundles>
// kernel: kernel.3.cloned.1.call-start
scs
__scs_entry_jumppad:
0x0: {  	(pc) =	sbr.rel $0x88, $3  }
0x1: {  	(tag) =	ssettag $0x0;
	lr =	simm.s32 $0x1  }
0x2: {  	[smem:$0x3F9F] =	sst lr;
	_ =	strace $0xD0000000  }
0x3: {  	_ = 	snop  }
0x4: {  	_ = 	snop  }
0x5: {  	_ = 	snop  }
0x6: {  	_ = 	snop  }
0x7: {  	_ = 	snop  }
__scs_overlays_trampoline_lowered:
0x8: {  	[smem:$0x3FAE] =	sst s0  }
0x9: {  	[smem:$0x3FAF] =	sst s1  }
0xa: {  	[smem:$0x3FB0] =	sst s2  }
0xb: {  	[smem:$0x3FB1] =	sst s3  }
0xc: {  	[smem:$0x3FB2] =	sst s4  }
0xd: {  	[smem:$0x3FB3] =	sst s5  }
0xe: {  	[smem:$0x3FB4] =	sst s6  }
0xf: {  	[smem:$0x3FB5] =	sst s7  }
0x10: {  	[smem:$0x3FB6] =	sst s8  }
0x11: {  	[smem:$0x3FB7] =	sst s9;
	s0 =	simm.s32 @!p0 $0x0  }
0x12: {  	s1 =	sld [smem:$0x3F9D];
	s0 =	simm.s32 @p0 $0x1  }
0x13: {  	[smem:$0x3FB8] =	sst s0;
	s0 =	simm.s32 @!p1 $0x0  }
0x14: {  	s2 =	sld [smem:$0x3F9C];
	s0 =	simm.s32 @p1 $0x1  }
0x15: {  	[smem:$0x3FB9] =	sst s0;
	s0 =	simm.s32 @!p2 $0x0  }
0x16: {  	s3 =	sld [smem:$0x3FDB];
	s0 =	simm.s32 @p2 $0x1  }
0x17: {  	s4 =	simm.s32 $0x1BF5;
	[smem:$0x3FBB] =	sst s0  }
0x18: {  	s0 =	sld [smem:$0x3F9E];
	_ =	swait.ge [sflag:s4], $0x0  }
0x19: {  	s7 =	sld [smem:$0x3F9F]  }
0x1a: {  	s8 =	sadd.s32 $0xFFFFE003, lr  }
0x1b: {  	s9 =	sadd.s32 $0xFFFFFEF7, lr;
	s5 =	simm.s32 $0xFFFFFFFF;
	p2 =	slt.u32 s8, $0xFFFFF086  }
0x1c: {  	p1 =	slt.u32 s9, $0xF7A;
	s5 =	simm.s32 @!p2 $0x0  }
0x1d: {  	s5 =	simm.s32 @p1 $0x1;
	p0 =	seq.s32 s7, s2  }
0x1e: {  	s7 =	smul.u32 @!p0 $0xF7A, s2;
	p2 =	seq.s32 @!p0 s5, $0x0  }
0x1f: {  	s9 =	smul.u32 $0xF7A, s1;
	s8 =	simm.s32 @!p0 $0x1BF5;
	p2 =	por !p2, p0  }
0x20: {  	[sflag:s8] =	ssyncset.s32 @!p0 $0xFFFFF086;
	s6 =	sadd.s32 @!p0 s3, s7;
	s7 =	simm.s32 @!p0 $0x108  }
0x21: {  	s3 =	sadd.s32 s3, s9;
	s6 =	sadd.s32 @!p0 $0x88, s6;
	s7 =	simm.s32 @p2 $0x1082  }
0x22: {  	[simem:s7], [sflag:s8] =	dma.local @!p0 [hbm:s6], $0xF7A  }
0x23: {  	s9 =	sor.u32 $0xD0000000, s2;
	s6 =	simm.s32 $0x108;
	_ =	swait.ge @!p0 [sflag:s8], $0x0  }
0x24: {  	s3 =	sadd.s32 $0x88, s3;
	s6 =	simm.s32 @!p1 $0x1082;
	[sflag:s4] =	ssyncset.s32 $0xFFFFF086  }
0x25: {  	[simem:s6], [sflag:s4] =	dma.local [hbm:s3], $0xF7A  }
0x26: {  	[smem:$0x3F9F] =	sst s1;
	(tag) =	ssettag s2;
	_ =	strace s9  }
0x27: {  	s1 =	sld [smem:$0x3FAF]  }
0x28: {  	s2 =	sld [smem:$0x3FB0]  }
0x29: {  	s4 =	sld [smem:$0x3FB2]  }
0x2a: {  	p0 =	seq.s32 s5, $0x0;
	s5 =	sld [smem:$0x3FB3]  }
0x2b: {  	s6 =	sld [smem:$0x3FB4]  }
0x2c: {  	s7 =	sld [smem:$0x3FB5]  }
0x2d: {  	s3 =	simm.s32 $0x108;
	s8 =	sld [smem:$0x3FB6]  }
0x2e: {  	s3 =	simm.s32 @!p0 $0x1082;
	s9 =	sld [smem:$0x3FB7]  }
0x2f: {  	lr =	sadd.s32 s0, s3;
	s0 =	sld [smem:$0x3FAE]  }
0x30: {  	s3 =	sld [smem:$0x3FB1]  }
0x31: {  	[smem:$0x3FBA] =	sst s10  }
0x32: {  	s10 =	sld [smem:$0x3FB8];
	_ =	sdelay $0x3  }
0x33: {  	p0 =	seq.s32 s10, $0x1;
	s10 =	sld [smem:$0x3FBA];
	_ =	sdelay $0x3  }
0x34: {  	[smem:$0x3FBA] =	sst s10  }
0x35: {  	s10 =	sld [smem:$0x3FB9];
	_ =	sdelay $0x3  }
0x36: {  	p1 =	seq.s32 s10, $0x1;
	s10 =	sld [smem:$0x3FBA];
	_ =	sdelay $0x3  }
0x37: {  	[smem:$0x3FBA] =	sst s10  }
0x38: {  	s10 =	sld [smem:$0x3FBB]  }
0x39: {  	_ = 	snop;
	(pc) =	sbr.ind lr, $3  }
0x3a: {  	_ = 	snop  }
0x3b: {  	_ = 	snop  }
0x3c: {  	p2 =	seq.s32 s10, $0x1;
	s10 =	sld [smem:$0x3FBA]  }
0x3d: {  	_ =	shalt  }
0x3e: {  	_ =	shalt  }
0x3f: {  	_ =	shalt  }
0x40: {  	_ =	shalt  }
0x41: {  	_ =	shalt  }
0x42: {  	_ =	shalt  }
0x43: {  	_ =	shalt  }
0x44: {  	_ =	shalt  }
0x45: {  	_ =	shalt  }
0x46: {  	_ =	shalt  }
0x47: {  	_ =	shalt  }
0x48: {  	_ =	shalt  }
0x49: {  	_ =	shalt  }
0x4a: {  	_ =	shalt  }
0x4b: {  	_ =	shalt  }
0x4c: {  	_ =	shalt  }
0x4d: {  	_ =	shalt  }
0x4e: {  	_ =	shalt  }
0x4f: {  	_ =	shalt  }
0x50: {  	_ =	shalt  }
0x51: {  	_ =	shalt  }
0x52: {  	_ =	shalt  }
0x53: {  	_ =	shalt  }
0x54: {  	_ =	shalt  }
0x55: {  	_ =	shalt  }
0x56: {  	_ =	shalt  }
0x57: {  	_ =	shalt  }
0x58: {  	_ =	shalt  }
0x59: {  	_ =	shalt  }
0x5a: {  	_ =	shalt  }
0x5b: {  	_ =	shalt  }
0x5c: {  	_ =	shalt  }
0x5d: {  	_ =	shalt  }
0x5e: {  	_ =	shalt  }
0x5f: {  	_ =	shalt  }
0x60: {  	_ =	shalt  }
0x61: {  	_ =	shalt  }
0x62: {  	_ =	shalt  }
0x63: {  	_ =	shalt  }
0x64: {  	_ =	shalt  }
0x65: {  	_ =	shalt  }
0x66: {  	_ =	shalt  }
0x67: {  	_ =	shalt  }
0x68: {  	_ =	shalt  }
0x69: {  	_ =	shalt  }
0x6a: {  	_ =	shalt  }
0x6b: {  	_ =	shalt  }
0x6c: {  	_ =	shalt  }
0x6d: {  	_ =	shalt  }
0x6e: {  	_ =	shalt  }
0x6f: {  	_ =	shalt  }
0x70: {  	_ =	shalt  }
0x71: {  	_ =	shalt  }
0x72: {  	_ =	shalt  }
0x73: {  	_ =	shalt  }
0x74: {  	_ =	shalt  }
0x75: {  	_ =	shalt  }
0x76: {  	_ =	shalt  }
0x77: {  	_ =	shalt  }
0x78: {  	_ =	shalt  }
0x79: {  	_ =	shalt  }
0x7a: {  	_ =	shalt  }
0x7b: {  	_ =	shalt  }
0x7c: {  	_ =	shalt  }
0x7d: {  	_ =	shalt  }
0x7e: {  	_ =	shalt  }
0x7f: {  	_ =	shalt  }
0x80: {  	_ =	shalt  }
0x81: {  	_ =	shalt  }
0x82: {  	_ =	shalt  }
0x83: {  	_ =	shalt  }
0x84: {  	_ =	shalt  }
0x85: {  	_ =	shalt  }
0x86: {  	_ =	shalt  }
0x87: {  	_ =	shalt  }
.Lfunc_end0:
.L_simem_size_0:
called_computation_lowered:
.L_overlay_start_0:
0x88: {  	s2 =	sld [smem:$0x3FD9]  }
0x89: {  	s3 =	sld [smem:$0x3FFE];
	_ =	sdelay $0x1  }
0x8a: {  	s1 =	srdreg.scid  }
0x8b: {  	s0 =	sand.u32 $0x1, s1  }
0x8c: {  	s18 =	sshll.u32 s0, $0xA;
	s2 =	sadd.s32 s3, s2  }
0x8d: {  	s2 =	sadd.s32 s2, s18  }
0x8e: {  	[smem:$0x3FC6] =	sst s2  }
0x8f: {  	_ = 	snop  }
0x90: {  	s2 =	sld [smem:$0x3FC9]  }
0x91: {  	s19 =	sld [smem:$0x3FC8]  }
0x92: {  	s4 =	sld [smem:$0x3FD0];
	(tm) =	ssettm $0x1  }
0x93: {  	s5 =	sld [smem:$0x3FFB];
	_ =	sdelay $0x3  }
0x94: {  	_ =	strace s5  }
0x95: {  	s5 =	sld [smem:$0x3FFC];
	_ =	sdelay $0x3  }
0x96: {  	_ =	strace s5  }
0x97: {  	s5 =	sld [smem:$0x3FFD];
	_ =	sdelay $0x3  }
0x98: {  	_ =	strace s5  }
0x99: {  	_ =	strace $0x8FFFFFFF  }
0x9a: {  	s20 =	sld [smem:$0x3FDB];
	_ =	sdelay $0x1  }
0x9b: {  	s6 =	simm.s32 $_scs_section_size  }
0x9c: {  	s7 =	simm.s32 $_size__tile_overlayer_lowered;
	s8 =	simm.s32 $_tile_overlayer_lowered  }
0x9d: {  	s23 =	simm.s32 $0x1BFF;
	s22 =	sshll.u32 s8, $0x1;
	s5 =	sadd.s32 s6, s20  }
0x9e: {  	s9 =	simm.s32 $0x0;
	s21 =	sshll.u32 s7, $0x1;
	s7 =	sadd.s32 s22, s5  }
0x9f: {  	[timem:s9], [sflag:s23] =	dma.local [hbm:s7], s21  }
0xa0: {  	_ =	swait.ge [sflag:s23], s21  }
0xa1: {  	s6 =	ssub.s32 $0x0, s21;
	[sflag:s23] =	ssyncset.done $0x0  }
0xa2: {  	[sflag:s23] =	ssyncadd.s32 s6;
	_ =	sdelay $0x1  }
0xa3: {  	s24 =	simm.s32 $0x1B8B  }
0xa4: {  	_ =	swait.ge [sflag:s24], $0x1  }
0xa5: {  	[sflag:s24] =	ssyncset.done $0x0  }
0xa6: {  	s25 =	simm.s32 $0x1B8E;
	[sflag:s24] =	ssyncadd.s32 $0xFFFFFFFF  }
0xa7: {  	s26 =	simm.s32 $execute0_lowered;
	[smem:$0x3FD2] =	sst s25  }
0xa8: {  	s6 =	sshll.u32 s26, $0x1;
	_ =	strace $0x80000046;
	[dreg:$0x1] =	wrdreg $0xFFFFFFFF  }
0xa9: {  	s28 =	simm.s32 $_size_execute0_lowered;
	s5 =	sadd.s32 s5, s6;
	[dreg:$0x0] =	wrdreg $0x0  }
0xaa: {  	s6 =	sshll.u32 s28, $0x1;
	[dreg:$0x2] =	wrdreg s5  }
0xab: {  	[dreg:$0x3] =	wrdreg s6  }
0xac: {  	[dreg:$0x4] =	wrdreg $0xC0  }
0xad: {  	_ =	task [dreg:s9], $0x5FFFF  }
0xae: {  	[dreg:$0x1] =	wrdreg $0xFFFFFFFF  }
0xaf: {  	[dreg:$0x0] =	wrdreg $0x60  }
0xb0: {  	[dreg:$0x2] =	wrdreg s2  }
0xb1: {  	[dreg:$0x3] =	wrdreg s19  }
0xb2: {  	[dreg:$0x4] =	wrdreg s4  }
0xb3: {  	[dreg:$0x5] =	wrdreg $0x9  }
0xb4: {  	_ =	task.clear_ibuf [dreg:s9], $0x6FFFF;
	_ =	strace $0x90000046  }
0xb5: {  	s29 =	simm.s32 $0x9;
	_ =	strace $0x80000048  }
0xb6: {  	_ =	swait.ge [sflag:s29], $0x1  }
0xb7: {  	[sflag:s29] =	ssyncadd.s32 $0xFFFFFFFF  }
0xb8: {  	_ =	strace $0x90000048  }
0xb9: {  	_ =	sfence  }
0xba: {  	s30 =	sld [smem:$0x0];
	_ =	sdelay $0x2  }
0xbb: {  	s31 =	sshll.u32 s1, $0xD;
	s1 =	sshrl.u32 s1, $0x2  }
0xbc: {  	s3 =	sand.u32 $0x4000, s31;
	s1 =	sadd.s32 s1, s30  }
0xbd: {  	s0 =	sor.u32 s3, s0;
	s1 =	sshll.u32 s1, $0x11  }
0xbe: {  	s0 =	sor.u32 s1, s0  }
0xbf: {  	s0 =	sadd.s32 $0x8F2B, s0  }
0xc0: {  	[sflag:s0] =	ssyncadd.remote.s32 $0x1  }
0xc1: {  	_ =	sfence.sel $0xFFFF  }
0xc2: {  	[dreg:$0x0] =	wrdreg $0xFFFFFFFF;
	(pc) =	sbr.abs _section_cstart, $3  }
0xc3: {  	[dreg:$0x1] =	wrdreg $0xFFFFFFFF  }
0xc4: {  	_ =	task.clear_ibuf [dreg:s9], $0x2FFFF;
	_ =	strace $0x9FFFFFFF  }
0xc5: {  	(tm) =	ssettm $0x7FFFFFFF  }
tec
execute0_lowered:
.L_overlay_start_1:
0x0: {  	(tag) =	ssettag $0x1  }
0x1: {  	s1 =	rddreg [dreg:$0x0]  }
0x2: {  	s4 =	rddreg [dreg:$0x2];
	s0 =	srdreg.scid  }
0x3: {  	s2 =	stileid.u32;
	s19 =	simm.s32 $0x0;
	s12 =	simm.s32 $0x80  }
0x4: {  	s13 =	simm.s32 $0x400;
	s15 =	simm.s32 $0x3;
	s16 =	simm.s32 $0x1  }
0x5: {  	s17 =	simm.s32 $0x2000;
	s28 =	simm.s32 $0x4;
	s29 =	simm.s32 $0x2  }
0x6: {  	s30 =	simm.s32 $0xB000;
	s31 =	simm.s32 $0xC000;
	s10 =	simm.s32 $0x10000  }
0x7: {  	s5 =	simm.s32 $0x11000;
	s7 =	simm.s32 $0x12000;
	s9 =	simm.s32 $0x13000  }
0x8: {  	s11 =	simm.s32 $0x0;
	s0 =	sand.u32 $0x1, s0;
	s2 =	sshll.u32 s2, $0x8  }
0x9: {  	[smem:$0x7FF] =	sst s19;
	s3 =	sshll.u32 s0, $0x7;
	s0 =	ssub.s32 $0x2, s0  }
.Ltmp0:
0xa: {  	_ =	strace $0x80000047;
	s18 =	sor.u32 s3, s2;
	(pc) =	sbr.rel .LBB2_1-.Ltmp0, $4  }
0xb: {  	s25 =	sshrl.u32 s0, $0x1;
	s2 =	simm.s32 $0xE000;
	s3 =	sshll.u32 s18, $0xA  }
0xc: {  	s0 =	ssub.s32 s0, s25;
	s8 =	sadd.s32 $0x80, s18;
	s26 =	sadd.s32 s1, s3  }
0xd: {  	v0 =	vimm.f32 $1.000000000e+00;
	v1 =	vlaneseq.u32;
	s0 =	smax.u32 s0, $0x1;
	s3 =	simm.s32 $0xF000;
	[dreg:$0x4] =	wrdreg s26  }
0xe: {  	v2 =	vimm.f32 $0.0e+00;
	v3 =	vimm.s32 $0x0;
	v4 =	vor.u32 $0x7FFFFF80, v1;
	[dreg:$0x5] =	wrdreg s0;
	s26 =	simm.s32 $0x16000;
	s0 =	simm.s32 $0xD000  }
.LBB2_21:
0xf: {  	_ =	swait.ge [sflag:s15], $0x1000  }
0x10: {  	[sflag:s15] =	ssyncset.done $0x0  }
0x11: {  	[sflag:s15] =	ssyncadd.s32 $0xFFFFF000  }
0x12: {  	_ =	swait.ge [sflag:s15], $0x1000  }
0x13: {  	[sflag:s15] =	ssyncset.done $0x0  }
0x14: {  	[sflag:s15] =	ssyncadd.s32 $0xFFFFF000  }
0x15: {  	_ =	swait.ge [sflag:s15], $0x1000  }
0x16: {  	[sflag:s15] =	ssyncset.done $0x0  }
0x17: {  	[sflag:s15] =	ssyncadd.s32 $0xFFFFF000  }
0x18: {  	_ =	swait.ge [sflag:s15], $0x1000  }
0x19: {  	[sflag:s15] =	ssyncset.done $0x0  }
0x1a: {  	[sflag:s15] =	ssyncadd.s32 $0xFFFFF000  }
0x1b: {  	_ =	swait.ge [sflag:s15], $0x1000  }
0x1c: {  	[sflag:s15] =	ssyncset.done $0x0  }
0x1d: {  	[sflag:s15] =	ssyncadd.s32 $0xFFFFF000  }
0x1e: {  	_ =	swait.ge [sflag:s15], $0x1000  }
0x1f: {  	[sflag:s15] =	ssyncset.done $0x0  }
0x20: {  	[sflag:s15] =	ssyncadd.s32 $0xFFFFF000  }
0x21: {  	_ =	swait.ge [sflag:s15], $0x1000  }
0x22: {  	[sflag:s15] =	ssyncset.done $0x0  }
0x23: {  	[sflag:s15] =	ssyncadd.s32 $0xFFFFF000  }
0x24: {  	_ =	swait.ge [sflag:s15], $0x1000  }
0x25: {  	[sflag:s15] =	ssyncset.done $0x0  }
0x26: {  	[sflag:s15] =	ssyncadd.s32 $0xFFFFF000  }
0x27: {  	_ =	swait.ge [sflag:s15], $0x1000  }
0x28: {  	[sflag:s15] =	ssyncset.done $0x0  }
0x29: {  	[sflag:s15] =	ssyncadd.s32 $0xFFFFF000  }
0x2a: {  	_ =	swait.ge [sflag:s15], $0x1000  }
0x2b: {  	[sflag:s15] =	ssyncset.done $0x0  }
0x2c: {  	[sflag:s15] =	ssyncadd.s32 $0xFFFFF000  }
0x2d: {  	_ =	swait.ge [sflag:s28], $0x1000  }
0x2e: {  	[sflag:s28] =	ssyncset.done $0x0  }
0x2f: {  	[sflag:s28] =	ssyncadd.s32 $0xFFFFF000  }
0x30: {  	_ =	swait.ge [sflag:s28], $0x1000  }
0x31: {  	[sflag:s28] =	ssyncset.done $0x0  }
0x32: {  	[sflag:s28] =	ssyncadd.s32 $0xFFFFF000  }
0x33: {  	_ =	swait.ge [sflag:s28], $0x1000  }
0x34: {  	[sflag:s28] =	ssyncset.done $0x0  }
0x35: {  	[sflag:s28] =	ssyncadd.s32 $0xFFFFF000  }
0x36: {  	_ =	swait.ge [sflag:s28], $0x1000  }
0x37: {  	[sflag:s28] =	ssyncset.done $0x0  }
0x38: {  	[sflag:s28] =	ssyncadd.s32 $0xFFFFF000  }
0x39: {  	_ =	swait.ge [sflag:s28], $0x1000  }
0x3a: {  	[sflag:s28] =	ssyncset.done $0x0  }
0x3b: {  	[sflag:s28] =	ssyncadd.s32 $0xFFFFF000  }
0x3c: {  	_ =	swait.ge [sflag:s28], $0x1000  }
0x3d: {  	[sflag:s28] =	ssyncset.done $0x0  }
0x3e: {  	[sflag:s28] =	ssyncadd.s32 $0xFFFFF000  }
0x3f: {  	_ =	swait.ge [sflag:s28], $0x1000  }
0x40: {  	[sflag:s28] =	ssyncset.done $0x0  }
0x41: {  	[sflag:s28] =	ssyncadd.s32 $0xFFFFF000  }
0x42: {  	_ =	swait.ge [sflag:s28], $0x1000  }
0x43: {  	[sflag:s28] =	ssyncset.done $0x0  }
0x44: {  	[sflag:s28] =	ssyncadd.s32 $0xFFFFF000  }
0x45: {  	_ =	swait.ge [sflag:s28], $0x1000  }
0x46: {  	[sflag:s28] =	ssyncset.done $0x0  }
0x47: {  	[sflag:s28] =	ssyncadd.s32 $0xFFFFF000  }
0x48: {  	_ =	swait.ge [sflag:s28], $0x1000  }
0x49: {  	s11 =	rddreg [dreg:$0x6]  }
0x4a: {  	s6 =	rddreg [dreg:$0x5];
	s11 =	sadd.s32 $0x1, s11  }
0x4b: {  	p0 =	sne.s32 s11, s6  }
.Ltmp1:
0x4c: {  	_ = 	snop;
	(pc) =	sbr.rel @!p0 .LBB2_22-.Ltmp1, $3  }
0x4d: {  	_ =	sdelay $0x1  }
0x4e: {  	[sflag:s28] =	ssyncset.done $0x0  }
0x4f: {  	s19 =	simm.s32 $0x0;
	[sflag:s28] =	ssyncadd.s32 $0xFFFFF000  }
.LBB2_1:
0x50: {  	[dreg:$0x6] =	wrdreg s11  }
0x51: {  	s6 =	rddreg [dreg:$0x1];
	s24 =	simm.s32 $0x17000;
	s25 =	simm.s32 $0x5  }
0x52: {  	[tilespmem:s24], [sflag:$0x5] =	stream.linear.gather [hbm4b:s6+s19], $0xA, $0x38;
	[tilespmem:$0x17100] =	vst v63  }
0x53: {  	_ =	swait.ge [sflag:s25], $0xA  }
0x54: {  	[sflag:s25] =	ssyncset.done $0x0  }
0x55: {  	s6 =	simm.s32 $0x16040;
	[sflag:s25] =	ssyncadd.s32 $0xFFFFFFF6  }
0x56: {  	v13 =	vld [tilespmem:$0x17000];
	[tilespmem:s6+$0xFFFFFFC0] =	vst v0  }
0x57: {  	[tilespmem:s6+$0x30] =	vst v0  }
0x58: {  	[tilespmem:s6+$0x20] =	vst v0  }
0x59: {  	[tilespmem:s6+$0x10] =	vst v0  }
0x5a: {  	[tilespmem:s6+$0x0] =	vst v0  }
0x5b: {  	[tilespmem:s6+$0xFFFFFFF0] =	vst v0  }
0x5c: {  	s11 =	simm.s32 $0x0;
	[tilespmem:s6+$0xFFFFFFE0] =	vst v0  }
.LBB2_2:
0x5d: {  	s11 =	sadd.s32 $0x8, s11;
	[tilespmem:s6+$0xFFFFFFD0] =	vst v0;
	s6 =	sadd.s32 $0x80, s6  }
0x5e: {  	[tilespmem:s6+$0xFFFFFFC0] =	vst v0;
	p0 =	slt.u32 s11, $0xF8  }
0x5f: {  	[tilespmem:s6+$0x30] =	vst v0  }
.Ltmp2:
0x60: {  	[tilespmem:s6+$0x20] =	vst v0;
	(pc) =	sbr.rel @p0 .LBB2_2-.Ltmp2, $4  }
0x61: {  	[tilespmem:s6+$0x10] =	vst v0  }
0x62: {  	[tilespmem:s6+$0x0] =	vst v0  }
0x63: {  	[tilespmem:s6+$0xFFFFFFF0] =	vst v0  }
0x64: {  	[tilespmem:s6+$0xFFFFFFE0] =	vst v0  }
0x65: {  	[tilespmem:s6+$0xFFFFFFD0] =	vst v0  }
0x66: {  	s6 =	simm.s32 $0x2040;
	[tilespmem:$0x17080] =	vst v2  }
0x67: {  	v5 =	vld [tilespmem:$0x16000];
	[tilespmem:s6+$0x30] =	vst v2  }
0x68: {  	[tilespmem:s6+$0xFFFFFFF0] =	vst v2  }
0x69: {  	[tilespmem:s6+$0xFFFFFFC0] =	vst v2  }
0x6a: {  	[tilespmem:s6+$0xFFFFFFE0] =	vst v2  }
0x6b: {  	[tilespmem:s6+$0x10] =	vst v2  }
0x6c: {  	[tilespmem:s6+$0x20] =	vst v2  }
0x6d: {  	[tilespmem:s6+$0x0] =	vst v2  }
0x6e: {  	s11 =	simm.s32 $0xB040;
	[tilespmem:s6+$0xFFFFFFD0] =	vst v2  }
0x6f: {  	[tilespmem:s11+$0xFFFFFFC0] =	vst v2  }
0x70: {  	[tilespmem:s11+$0x30] =	vst v2  }
0x71: {  	[tilespmem:s11+$0x20] =	vst v2  }
0x72: {  	[tilespmem:s11+$0x10] =	vst v2  }
0x73: {  	[tilespmem:s11+$0xFFFFFFE0] =	vst v2  }
0x74: {  	[tilespmem:s11+$0x0] =	vst v2  }
0x75: {  	s14 =	simm.s32 $0x0;
	[tilespmem:s11+$0xFFFFFFF0] =	vst v2  }
.LBB2_4:
0x76: {  	s14 =	sadd.s32 $0x8, s14;
	[tilespmem:s11+$0xFFFFFFD0] =	vst v2;
	s6 =	sadd.s32 $0x80, s6;
	s11 =	sadd.s32 $0x80, s11  }
0x77: {  	[tilespmem:s6+$0x30] =	vst v2;
	p0 =	slt.u32 s14, $0x8F8  }
0x78: {  	[tilespmem:s6+$0xFFFFFFF0] =	vst v2  }
0x79: {  	[tilespmem:s6+$0xFFFFFFC0] =	vst v2  }
0x7a: {  	[tilespmem:s11+$0xFFFFFFC0] =	vst v2  }
0x7b: {  	[tilespmem:s11+$0x30] =	vst v2  }
0x7c: {  	[tilespmem:s6+$0xFFFFFFE0] =	vst v2  }
0x7d: {  	[tilespmem:s6+$0x10] =	vst v2  }
0x7e: {  	[tilespmem:s6+$0x20] =	vst v2  }
0x7f: {  	[tilespmem:s11+$0x20] =	vst v2  }
0x80: {  	[tilespmem:s11+$0x10] =	vst v2  }
.Ltmp3:
0x81: {  	[tilespmem:s11+$0xFFFFFFE0] =	vst v2;
	(pc) =	sbr.rel @p0 .LBB2_4-.Ltmp3, $4  }
0x82: {  	[tilespmem:s6+$0x0] =	vst v2  }
0x83: {  	[tilespmem:s11+$0x0] =	vst v2  }
0x84: {  	[tilespmem:s11+$0xFFFFFFF0] =	vst v2  }
0x85: {  	[tilespmem:s6+$0xFFFFFFD0] =	vst v2  }
.Ltmp4:
0x86: {  	(pc) =	sbr.rel .LBB2_6-.Ltmp4, $4  }
0x87: {  	[tilespmem:s11+$0xFFFFFFD0] =	vst v2;
	v6 =	vbroadcast v13, $0x1;
	v7 =	vbroadcast v13, $0x2  }
0x88: {  	v8 =	vbroadcast v13, $0x3;
	v9 =	vbroadcast v13, $0x4;
	s6 =	rddreg [dreg:$0x4]  }
0x89: {  	v10 =	vbroadcast v13, $0x5;
	v11 =	vbroadcast v13, $0x6;
	[tilespmem:s19], [sflag:$0x1] =	stream.strided.gather [hbm4b:s6+s12], $0x1000, s13, s12, $0x38;
	[tilespmem:$0x17100] =	vst v63  }
0x8a: {  	v12 =	vbroadcast v13, $0x7;
	v13 =	vbroadcast v13, $0x8;
	s6 =	smov.u32 s18  }
.LBB2_20:
0x8b: {  	s6 =	sadd.s32 $0x2008000, s14  }
0x8c: {  	s6 =	sshrl.u32 s6, $0x3  }
0x8d: {  	s23 =	sadd.s32 $0x4008000, s14;
	s6 =	sadd.s32 s4, s6  }
0x8e: {  	[hbm4b:s6+s12] =	stream.strided.scatter [tilespmem:s30], [sflag:$0x4], $0x1000, s13, s12, $0x38;
	[tilespmem:$0x17100] =	vst v63  }
0x8f: {  	s6 =	sshrl.u32 s23, $0x3  }
0x90: {  	s24 =	sadd.s32 $0x6008000, s14;
	s6 =	sadd.s32 s4, s6  }
0x91: {  	[hbm4b:s6+s12] =	stream.strided.scatter [tilespmem:s31], [sflag:$0x4], $0x1000, s13, s12, $0x38;
	[tilespmem:$0x17100] =	vst v63  }
0x92: {  	s6 =	sshrl.u32 s24, $0x3  }
0x93: {  	s25 =	sadd.s32 $0x8008000, s14;
	s6 =	sadd.s32 s4, s6  }
0x94: {  	[hbm4b:s6+s12] =	stream.strided.scatter [tilespmem:s0], [sflag:$0x4], $0x1000, s13, s12, $0x38;
	[tilespmem:$0x17100] =	vst v63  }
0x95: {  	s6 =	sshrl.u32 s25, $0x3  }
0x96: {  	s20 =	sadd.s32 $0xA008000, s14;
	s6 =	sadd.s32 s4, s6  }
0x97: {  	[hbm4b:s6+s12] =	stream.strided.scatter [tilespmem:s2], [sflag:$0x4], $0x1000, s13, s12, $0x38;
	[tilespmem:$0x17100] =	vst v63  }
0x98: {  	s6 =	sshrl.u32 s20, $0x3  }
0x99: {  	s21 =	sadd.s32 $0xC008000, s14;
	s6 =	sadd.s32 s4, s6  }
0x9a: {  	[hbm4b:s6+s12] =	stream.strided.scatter [tilespmem:s3], [sflag:$0x4], $0x1000, s13, s12, $0x38;
	[tilespmem:$0x17100] =	vst v63  }
0x9b: {  	s6 =	sshrl.u32 s21, $0x3  }
0x9c: {  	s22 =	sadd.s32 $0xE008000, s14;
	s6 =	sadd.s32 s4, s6  }
0x9d: {  	[hbm4b:s6+s12] =	stream.strided.scatter [tilespmem:s10], [sflag:$0x4], $0x1000, s13, s12, $0x38;
	[tilespmem:$0x17100] =	vst v63  }
0x9e: {  	s6 =	sshrl.u32 s22, $0x3  }
0x9f: {  	s23 =	sadd.s32 $0x10008000, s14;
	s6 =	sadd.s32 s4, s6  }
0xa0: {  	[hbm4b:s6+s12] =	stream.strided.scatter [tilespmem:s5], [sflag:$0x4], $0x1000, s13, s12, $0x38;
	[tilespmem:$0x17100] =	vst v63  }
0xa1: {  	s6 =	sshrl.u32 s23, $0x3  }
0xa2: {  	p0 =	slt.u32 s19, s8;
	s24 =	sadd.s32 $0x12008000, s14;
	s6 =	sadd.s32 s4, s6  }
0xa3: {  	[hbm4b:s6+s12] =	stream.strided.scatter [tilespmem:s7], [sflag:$0x4], $0x1000, s13, s12, $0x38;
	[tilespmem:$0x17100] =	vst v63  }
.Ltmp5:
0xa4: {  	s6 =	sshrl.u32 s24, $0x3;
	(pc) =	sbr.rel @!p0 .LBB2_21-.Ltmp5, $4  }
0xa5: {  	s6 =	sadd.s32 s4, s6  }
0xa6: {  	[hbm4b:s6+s12] =	stream.strided.scatter [tilespmem:s9], [sflag:$0x4], $0x1000, s13, s12, $0x38;
	[tilespmem:$0x17100] =	vst v63  }
0xa7: {  	s25 =	sadd.s32 s4, s11;
	s6 =	smov.u32 s19  }
0xa8: {  	[hbm4b:s25+s12] =	stream.strided.scatter [tilespmem:s26], [sflag:$0x4], $0x1000, s13, s12, $0x38;
	[tilespmem:$0x17100] =	vst v63  }
.LBB2_6:
0xa9: {  	s11 =	sshll.u32 s6, $0xD;
	s19 =	sshll.u32 s6, $0x7  }
0xaa: {  	p0 =	sgt.u32 s6, s18;
	s14 =	sand.u32 $0xFFFF0000, s11;
	s20 =	sand.u32 $0x380, s19  }
.Ltmp6:
0xab: {  	s11 =	sor.u32 s20, s14;
	(pc) =	sbr.rel @!p0 .LBB2_7-.Ltmp6, $4  }
0xac: {  	s19 =	sshrl.u32 s11, $0x3  }
0xad: {  	s11 =	sor.u32 $0x1000, s19  }
0xae: {  	s22 =	simm.s32 $0x1000;
	s21 =	sadd.s32 s1, s11  }
0xaf: {  	[tilespmem:s22], [sflag:$0x2] =	stream.strided.gather [hbm4b:s21+s12], $0x1000, s13, s12, $0x38;
	[tilespmem:$0x17100] =	vst v63  }
0xb0: {  	_ =	swait.ge [sflag:s15], $0x1000  }
0xb1: {  	[sflag:s15] =	ssyncset.done $0x0  }
0xb2: {  	[sflag:s15] =	ssyncadd.s32 $0xFFFFF000  }
0xb3: {  	_ =	swait.ge [sflag:s15], $0x1000  }
0xb4: {  	[sflag:s15] =	ssyncset.done $0x0  }
0xb5: {  	[sflag:s15] =	ssyncadd.s32 $0xFFFFF000  }
0xb6: {  	_ =	swait.ge [sflag:s15], $0x1000  }
0xb7: {  	[sflag:s15] =	ssyncset.done $0x0  }
0xb8: {  	[sflag:s15] =	ssyncadd.s32 $0xFFFFF000  }
0xb9: {  	_ =	swait.ge [sflag:s15], $0x1000  }
0xba: {  	[sflag:s15] =	ssyncset.done $0x0  }
0xbb: {  	[sflag:s15] =	ssyncadd.s32 $0xFFFFF000  }
0xbc: {  	_ =	swait.ge [sflag:s15], $0x1000  }
0xbd: {  	[sflag:s15] =	ssyncset.done $0x0  }
0xbe: {  	[sflag:s15] =	ssyncadd.s32 $0xFFFFF000  }
0xbf: {  	_ =	swait.ge [sflag:s15], $0x1000  }
0xc0: {  	[sflag:s15] =	ssyncset.done $0x0  }
0xc1: {  	[sflag:s15] =	ssyncadd.s32 $0xFFFFF000  }
0xc2: {  	_ =	swait.ge [sflag:s15], $0x1000  }
0xc3: {  	[sflag:s15] =	ssyncset.done $0x0  }
0xc4: {  	[sflag:s15] =	ssyncadd.s32 $0xFFFFF000  }
0xc5: {  	_ =	swait.ge [sflag:s15], $0x1000  }
0xc6: {  	[sflag:s15] =	ssyncset.done $0x0  }
0xc7: {  	[sflag:s15] =	ssyncadd.s32 $0xFFFFF000  }
0xc8: {  	_ =	swait.ge [sflag:s15], $0x1000  }
0xc9: {  	[sflag:s15] =	ssyncset.done $0x0  }
0xca: {  	[sflag:s15] =	ssyncadd.s32 $0xFFFFF000  }
0xcb: {  	_ =	swait.ge [sflag:s15], $0x1000  }
0xcc: {  	[sflag:s15] =	ssyncset.done $0x0  }
0xcd: {  	[sflag:s15] =	ssyncadd.s32 $0xFFFFF000  }
0xce: {  	_ =	swait.ge [sflag:s16], $0x1000  }
0xcf: {  	s21 =	simm.s32 $0xFFFFFFF8;
	s22 =	simm.s32 $0x70;
	[sflag:s16] =	ssyncset.done $0x0  }
0xd0: {  	s23 =	simm.s32 $0x14040;
	s24 =	simm.s32 $0x40;
	[sflag:s16] =	ssyncadd.s32 $0xFFFFF000  }
.LBB2_9:
0xd1: {  	v14 =	vld [tilespmem:s24+$0xFFFFFFC0];
	_ =	sdelay $0x1  }
0xd2: {  	v17 =	vld [tilespmem:s24+$0xFFFFFFD0];
	_ =	sdelay $0x1  }
0xd3: {  	v20 =	vld [tilespmem:s24+$0xFFFFFFE0]  }
0xd4: {  	v22 =	vld [tilespmem:s24+$0xFFFFFFF0];
	vm0 =	vgt.f32 v14, v6;
	vm1 =	vgt.f32 v14, v7;
	vm15 =	vgt.f32 v14, v8  }
0xd5: {  	vm4 =	vgt.f32 v14, v9;
	vm5 =	vgt.f32 v14, v10;
	vm6 =	vgt.f32 v14, v11  }
0xd6: {  	vm7 =	vgt.f32 v14, v12;
	vm8 =	vgt.f32 v14, v13;
	vm9 =	vgt.f32 v17, v6  }
0xd7: {  	vm10 =	vgt.f32 v17, v7;
	vm11 =	vgt.f32 v17, v8;
	vm12 =	vgt.f32 v17, v9  }
0xd8: {  	vm13 =	vgt.f32 v17, v10;
	vm14 =	vgt.f32 v17, v11;
	vm2 =	vgt.f32 v20, v7  }
0xd9: {  	vm3 =	vgt.f32 v22, v7;
	v15 =	vsel vm0, $0x1, v3;
	v16 =	vsel vm1, $0x1, v3  }
0xda: {  	v26 =	vsel vm15, $0x1, v3;
	v27 =	vsel vm4, $0x1, v3;
	v28 =	vsel vm5, $0x1, v3  }
0xdb: {  	v29 =	vsel vm6, $0x1, v3;
	v30 =	vsel vm7, $0x1, v3;
	v31 =	vsel vm10, $0x1, v3  }
0xdc: {  	v32 =	vsel vm11, $0x1, v3;
	v33 =	vsel vm12, $0x1, v3;
	v18 =	vsel vm13, $0x1, v3  }
0xdd: {  	v34 =	vsel vm14, $0x1, v3;
	vm15 =	vgt.f32 v17, v12;
	vm4 =	vgt.f32 v17, v13  }
0xde: {  	vm5 =	vgt.f32 v20, v6;
	v21 =	vsel vm2, $0x1, v3;
	vm6 =	vgt.f32 v20, v8  }
0xdf: {  	vm7 =	vgt.f32 v20, v9;
	vm10 =	vgt.f32 v20, v12;
	vm11 =	vgt.f32 v20, v13  }
0xe0: {  	v25 =	vld [tilespmem:s24+$0x0];
	vm12 =	vgt.f32 v22, v6;
	v24 =	vsel vm3, $0x1, v3;
	vm13 =	vgt.f32 v22, v8  }
0xe1: {  	vm14 =	vgt.f32 v22, v9;
	v15 =	vadd.s32 v16, v15;
	v35 =	vsel vm15, $0x1, v3  }
0xe2: {  	v17 =	vsel vm4, $0x1, v3;
	v19 =	vsel vm5, $0x1, v3;
	v36 =	vsel vm6, $0x1, v3  }
0xe3: {  	v37 =	vsel vm7, $0x1, v3;
	v39 =	vsel vm10, $0x1, v3;
	v40 =	vsel vm12, $0x1, v3  }
0xe4: {  	v41 =	vsel vm13, $0x1, v3;
	v42 =	vsel vm14, $0x1, v3;
	vm15 =	vgt.f32 v22, v10  }
0xe5: {  	vm4 =	vgt.f32 v22, v11;
	vm5 =	vgt.f32 v22, v12;
	vm6 =	vgt.f32 v25, v6  }
0xe6: {  	v59 =	vld [tilespmem:s24+$0x20];
	vm7 =	vgt.f32 v25, v7;
	vm10 =	vgt.f32 v25, v10;
	vm12 =	vgt.f32 v25, v12  }
0xe7: {  	vm13 =	vgt.f32 v22, v13;
	vm14 =	vgt.f32 v25, v13;
	v15 =	vadd.s32 v26, v15  }
0xe8: {  	v19 =	vadd.s32 v21, v19;
	v43 =	vsel vm15, $0x1, v3;
	v45 =	vsel vm4, $0x1, v3  }
0xe9: {  	v46 =	vsel vm5, $0x1, v3;
	v47 =	vsel vm6, $0x1, v3;
	v26 =	vsel vm7, $0x1, v3  }
0xea: {  	v50 =	vsel vm10, $0x1, v3;
	v53 =	vsel vm12, $0x1, v3;
	v54 =	vsel vm13, $0x1, v3  }
0xeb: {  	vm12 =	vgt.f32 v59, v6;
	v15 =	vadd.s32 v27, v15;
	v19 =	vadd.s32 v36, v19  }
0xec: {  	vm13 =	vgt.f32 v59, v7;
	v15 =	vadd.s32 v28, v15;
	v19 =	vadd.s32 v37, v19  }
0xed: {  	v28 =	vsel vm14, $0x1, v3;
	vm14 =	vgt.f32 v59, v8;
	v15 =	vadd.s32 v29, v15  }
0xee: {  	v27 =	vld [tilespmem:s24+$0x10];
	v14 =	vadd.s32 v30, v15;
	v15 =	vsel vm8, $0x1, v3;
	vm8 =	vgt.f32 v20, v10  }
0xef: {  	v15 =	vadd.s32 v15, v14;
	v14 =	vsel vm9, $0x1, v3;
	v38 =	vsel vm8, $0x1, v3  }
0xf0: {  	vm9 =	vgt.f32 v20, v11;
	v20 =	vsel vm11, $0x1, v3;
	vm8 =	vgt.f32 v25, v8  }
0xf1: {  	vm11 =	vgt.f32 v25, v11;
	v14 =	vadd.s32 v31, v14;
	v15 =	vshll.u32 v15, $0xC  }
0xf2: {  	v21 =	vadd.s32 v38, v19;
	v23 =	vsel vm9, $0x1, v3;
	v48 =	vsel vm8, $0x1, v3  }
0xf3: {  	vm9 =	vgt.f32 v25, v9;
	v51 =	vsel vm11, $0x1, v3;
	vm15 =	vgt.f32 v27, v6  }
0xf4: {  	vm4 =	vgt.f32 v27, v7;
	vm6 =	vgt.f32 v27, v8;
	vm7 =	vgt.f32 v27, v9  }
0xf5: {  	s25 =	sadd.s32 $0xFFFFFF90, s22;
	vm8 =	vgt.f32 v27, v10;
	vm10 =	vgt.f32 v27, v12;
	vm11 =	vgt.f32 v27, v13  }
0xf6: {  	v14 =	vadd.s32 v32, v14;
	v15 =	vadd.s32 s25, v15;
	v21 =	vadd.s32 v23, v21  }
0xf7: {  	v23 =	vadd.s32 v24, v40;
	v24 =	vadd.s32 v26, v47;
	v49 =	vsel vm9, $0x1, v3  }
0xf8: {  	v55 =	vsel vm15, $0x1, v3;
	v56 =	vsel vm4, $0x1, v3;
	v57 =	vsel vm6, $0x1, v3  }
0xf9: {  	v58 =	vsel vm7, $0x1, v3;
	v60 =	vsel vm8, $0x1, v3;
	vm9 =	vgt.f32 v27, v11  }
0xfa: {  	v62 =	vsel vm10, $0x1, v3;
	v32 =	vsel vm12, $0x1, v3;
	vm15 =	vgt.f32 v59, v9  }
0xfb: {  	vm6 =	vgt.f32 v59, v10;
	vm7 =	vgt.f32 v59, v11;
	v38 =	vsel vm11, $0x1, v3  }
0xfc: {  	vm8 =	vgt.f32 v59, v12;
	v16 =	vadd.s32 v33, v14;
	v21 =	vadd.s32 v39, v21  }
0xfd: {  	v23 =	vadd.s32 v41, v23;
	v24 =	vadd.s32 v48, v24;
	v61 =	vsel vm9, $0x1, v3  }
0xfe: {  	v33 =	vsel vm13, $0x1, v3;
	v36 =	vsel vm15, $0x1, v3;
	v37 =	vsel vm6, $0x1, v3  }
0xff: {  	v39 =	vsel vm7, $0x1, v3;
	v41 =	vsel vm8, $0x1, v3;
	v16 =	vadd.s32 v18, v16  }
0x100: {  	v18 =	vadd.s32 v1, v15;
	v23 =	vadd.s32 v42, v23;
	v20 =	vadd.s32 v20, v21  }
0x101: {  	v14 =	vld [tilespmem:s23+$0xFFFFFFC0];
	v24 =	vadd.s32 v49, v24;
	v16 =	vadd.s32 v34, v16;
	v44 =	vadd.s32 v43, v23  }
0x102: {  	v20 =	vshll.u32 v20, $0xC;
	v24 =	vadd.s32 v50, v24;
	v34 =	vsel vm14, $0x1, v3  }
0x103: {  	v16 =	vadd.s32 v35, v16;
	v21 =	vadd.s32 v45, v44;
	v52 =	vadd.s32 v51, v24  }
0x104: {  	v24 =	vadd.s32 v56, v55;
	v16 =	vadd.s32 v17, v16;
	v17 =	vand.u32 v4, v18  }
0x105: {  	v21 =	vadd.s32 v46, v21;
	v22 =	vadd.s32 v53, v52;
	v24 =	vadd.s32 v57, v24  }
0x106: {  	s25 =	sadd.s32 $0xFFFFFFA0, s22;
	v35 =	vld [tilespmem:s24+$0x30];
	v15 =	vshll.u32 v16, $0xC;
	vm0 =	vne.s32 v14, v18;
	v24 =	vadd.s32 v58, v24  }
0x107: {  	v21 =	vadd.s32 v54, v21;
	v22 =	vadd.s32 v28, v22;
	v15 =	vadd.s32 s25, v15  }
0x108: {  	v24 =	vadd.s32 v60, v24;
	s25 =	sadd.s32 $0xFFFFFFB0, s22;
	v45 =	vshll.u32 v21, $0xC;
	v49 =	vshll.u32 v22, $0xC  }
0x109: {  	v16 =	vadd.s32 v1, v15;
	v24 =	vadd.s32 v61, v24;
	v20 =	vadd.s32 s25, v20  }
0x10a: {  	v40 =	vld [tilespmem:s23+$0xFFFFFFE0];
	v19 =	vand.u32 $0x7FFFFF9F, v16;
	v63 =	vadd.s32 v62, v24;
	v24 =	vadd.s32 v33, v32  }
0x10b: {  	s25 =	sadd.s32 $0xFFFFFFC0, s22;
	vm9 =	vgt.f32 v35, v6;
	vm10 =	vgt.f32 v35, v7;
	vm11 =	vgt.f32 v35, v8  }
0x10c: {  	v15 =	vld [tilespmem:s23+$0xFFFFFFD0];
	v44 =	vadd.s32 v1, v20;
	v20 =	vadd.s32 s25, v45;
	vm13 =	vgt.f32 v35, v9  }
0x10d: {  	vm15 =	vgt.f32 v35, v10;
	v24 =	vadd.s32 v34, v24;
	v23 =	vadd.s32 v38, v63  }
0x10e: {  	v42 =	vsel vm9, $0x1, v3;
	v29 =	vsel vm10, $0x1, v3;
	v46 =	vsel vm11, $0x1, v3  }
0x10f: {  	[tilespmem:s23+$0xFFFFFFC0] =	vst v18;
	v47 =	vand.u32 $0x7FFFFFAF, v44;
	vm12 =	vne.s32 v40, v44;
	v52 =	vsel vm13, $0x1, v3  }
0x110: {  	v43 =	vld [tilespmem:s23+$0xFFFFFFF0];
	[tilespmem:v17+s17+$0x0] =	vst.idx.msk $0xffff, v5;
	vm9 =	vgt.f32 v59, v13;
	v54 =	vsel vm15, $0x1, v3;
	vm10 =	vgt.f32 v35, v11  }
0x111: {  	[tilespmem:s23+$0xFFFFFFD0] =	vst v16;
	vm13 =	vgt.f32 v35, v13;
	v24 =	vadd.s32 v36, v24;
	vm1 =	vne.s32 v15, v16  }
0x112: {  	[tilespmem:s23+$0xFFFFFFE0] =	vst v44;
	v28 =	vadd.s32 v29, v42;
	v55 =	vshll.u32 v23, $0xC;
	v56 =	vsel vm9, $0x1, v3  }
0x113: {  	s25 =	sadd.s32 $0xFFFFFFD0, s22;
	v57 =	vsel vm10, $0x1, v3;
	v24 =	vadd.s32 v37, v24;
	[tilespmem:v14+s17+$0x0] =	vst.idx.msk vm0, v2;
	v14 =	vadd.s32 v1, v20  }
0x114: {  	v21 =	vadd.s32 v46, v28;
	v20 =	vadd.s32 s25, v49;
	v24 =	vadd.s32 v39, v24;
	[tilespmem:s23+$0xFFFFFFF0] =	vst v14  }
0x115: {  	v53 =	vld [tilespmem:s23+$0x10];
	s25 =	sadd.s32 $0xFFFFFFE0, s22;
	v50 =	vand.u32 $0x7FFFFFBF, v14;
	vm14 =	vne.s32 v43, v14;
	v51 =	vadd.s32 v1, v20;
	[tilespmem:v19+s17+$0x0] =	vst.idx.msk $0xffff, v5  }
0x116: {  	v48 =	vld [tilespmem:s23+$0x0];
	v20 =	vadd.s32 v52, v21;
	v17 =	vadd.s32 s25, v55;
	v24 =	vadd.s32 v41, v24;
	[tilespmem:s23+$0x0] =	vst v51  }
0x117: {  	v18 =	vadd.s32 v54, v20;
	v17 =	vadd.s32 v1, v17;
	[tilespmem:v15+s17+$0x0] =	vst.idx.msk vm1, v2;
	v15 =	vand.u32 $0x7FFFFFCF, v51  }
0x118: {  	v58 =	vld [tilespmem:s23+$0x20];
	[tilespmem:v47+s17+$0x0] =	vst.idx.msk $0xffff, v5;
	v14 =	vadd.s32 v56, v24;
	v18 =	vadd.s32 v57, v18  }
0x119: {  	s25 =	sadd.s32 $0xFFFFFFF0, s22;
	v59 =	vand.u32 $0x7FFFFFDF, v17;
	[tilespmem:v40+s17+$0x0] =	vst.idx.msk vm12, v2;
	vm12 =	vgt.f32 v35, v12;
	v14 =	vshll.u32 v14, $0xC  }
0x11a: {  	vm11 =	vne.s32 v53, v17;
	[tilespmem:s23+$0x10] =	vst v17;
	v60 =	vsel vm12, $0x1, v3;
	v14 =	vadd.s32 s25, v14  }
0x11b: {  	v62 =	vld [tilespmem:s23+$0x30];
	v61 =	vsel vm13, $0x1, v3;
	[tilespmem:v50+s17+$0x0] =	vst.idx.msk $0xffff, v5;
	v18 =	vadd.s32 v60, v18;
	v14 =	vadd.s32 v1, v14  }
0x11c: {  	vm8 =	vne.s32 v48, v51;
	v63 =	vand.u32 $0x7FFFFFEF, v14;
	[tilespmem:v15+s17+$0x0] =	vst.idx.msk $0xffff, v5;
	v15 =	vadd.s32 v61, v18  }
0x11d: {  	[tilespmem:v43+s17+$0x0] =	vst.idx.msk vm14, v2;
	vm14 =	vne.s32 v58, v14;
	v15 =	vshll.u32 v15, $0xC  }
0x11e: {  	[tilespmem:s23+$0x20] =	vst v14;
	v15 =	vadd.s32 s22, v15  }
0x11f: {  	[tilespmem:v59+s17+$0x0] =	vst.idx.msk $0xffff, v5;
	v15 =	vadd.s32 v1, v15  }
0x120: {  	s21 =	sadd.s32 $0x8, s21;
	[tilespmem:v53+s17+$0x0] =	vst.idx.msk vm11, v2;
	vm15 =	vne.s32 v62, v15  }
0x121: {  	p0 =	slt.u32 s21, $0xF8;
	[tilespmem:v63+s17+$0x0] =	vst.idx.msk $0xffff, v5  }
.Ltmp7:
0x122: {  	[tilespmem:v48+s17+$0x0] =	vst.idx.msk vm8, v2;
	(pc) =	sbr.rel @p0 .LBB2_9-.Ltmp7, $4  }
0x123: {  	[tilespmem:v58+s17+$0x0] =	vst.idx.msk vm14, v2  }
0x124: {  	[tilespmem:s23+$0x30] =	vst v15  }
0x125: {  	[tilespmem:v15+s17+$0x0] =	vst.idx.msk $0xffff, v5  }
0x126: {  	s24 =	sadd.s32 $0x80, s24;
	s22 =	sadd.s32 $0x80, s22;
	s23 =	sadd.s32 $0x80, s23;
	[tilespmem:v62+s17+$0x0] =	vst.idx.msk vm15, v2  }
.Ltmp8:
0x127: {  	_ = 	snop;
	(pc) =	sbr.rel .LBB2_10-.Ltmp8, $1  }
0x128: {  	_ =	sdelay $0x3  }
.LBB2_7:
0x129: {  	_ =	swait.ge [sflag:s16], $0x1000  }
0x12a: {  	[sflag:s16] =	ssyncset.done $0x0  }
0x12b: {  	[sflag:s16] =	ssyncadd.s32 $0xFFFFF000  }
.LBB2_10:
0x12c: {  	p0 =	sne.s32 s6, s18  }
.Ltmp9:
0x12d: {  	_ = 	snop;
	(pc) =	sbr.rel @p0 .LBB2_13-.Ltmp9, $1  }
0x12e: {  	_ =	sdelay $0x3  }
0x12f: {  	s21 =	simm.s32 $0xFFFFFFF8  }
0x130: {  	s22 =	simm.s32 $0x70;
	s23 =	simm.s32 $0x40;
	s24 =	simm.s32 $0x14040  }
.LBB2_12:
0x131: {  	v14 =	vld [tilespmem:s23+$0xFFFFFFC0];
	_ =	sdelay $0x2  }
0x132: {  	v17 =	vld [tilespmem:s23+$0xFFFFFFD0];
	_ =	sdelay $0x1  }
0x133: {  	vm0 =	vgt.f32 v14, v6  }
0x134: {  	vm1 =	vgt.f32 v14, v7;
	vm14 =	vgt.f32 v14, v8;
	vm15 =	vgt.f32 v14, v9  }
0x135: {  	vm4 =	vgt.f32 v14, v10;
	vm5 =	vgt.f32 v14, v11;
	vm6 =	vgt.f32 v14, v12  }
0x136: {  	vm7 =	vgt.f32 v14, v13;
	vm8 =	vgt.f32 v17, v6;
	vm9 =	vgt.f32 v17, v7  }
0x137: {  	vm10 =	vgt.f32 v17, v8;
	vm11 =	vgt.f32 v17, v9;
	vm12 =	vgt.f32 v17, v10  }
0x138: {  	v45 =	vld [tilespmem:s23+$0xFFFFFFE0];
	vm13 =	vgt.f32 v17, v11;
	v15 =	vsel vm0, $0x1, v3;
	v16 =	vsel vm1, $0x1, v3  }
0x139: {  	v18 =	vsel vm14, $0x1, v3;
	v19 =	vsel vm15, $0x1, v3;
	v20 =	vsel vm4, $0x1, v3  }
0x13a: {  	v49 =	vld [tilespmem:s23+$0xFFFFFFF0];
	v40 =	vsel vm5, $0x1, v3;
	v41 =	vsel vm6, $0x1, v3;
	v42 =	vsel vm8, $0x1, v3  }
0x13b: {  	v43 =	vsel vm9, $0x1, v3;
	v44 =	vsel vm10, $0x1, v3;
	v21 =	vsel vm12, $0x1, v3  }
0x13c: {  	v22 =	vsel vm13, $0x1, v3;
	vm14 =	vgt.f32 v17, v12;
	vm15 =	vgt.f32 v17, v13  }
0x13d: {  	vm4 =	vgt.f32 v45, v6;
	vm5 =	vgt.f32 v45, v7;
	vm6 =	vgt.f32 v45, v8  }
0x13e: {  	vm8 =	vgt.f32 v45, v10;
	vm9 =	vgt.f32 v45, v11;
	vm10 =	vgt.f32 v45, v12  }
0x13f: {  	vm12 =	vgt.f32 v49, v6;
	vm13 =	vgt.f32 v49, v7;
	v15 =	vadd.s32 v16, v15  }
0x140: {  	v58 =	vld [tilespmem:s23+$0x0];
	v23 =	vsel vm14, $0x1, v3;
	v16 =	vadd.s32 v43, v42;
	v17 =	vsel vm15, $0x1, v3  }
0x141: {  	v46 =	vsel vm4, $0x1, v3;
	v47 =	vsel vm5, $0x1, v3;
	v48 =	vsel vm6, $0x1, v3  }
0x142: {  	v51 =	vsel vm8, $0x1, v3;
	v52 =	vsel vm9, $0x1, v3;
	v53 =	vsel vm10, $0x1, v3  }
0x143: {  	v55 =	vsel vm12, $0x1, v3;
	v56 =	vsel vm13, $0x1, v3;
	vm14 =	vgt.f32 v49, v8  }
0x144: {  	vm15 =	vgt.f32 v49, v9;
	vm4 =	vgt.f32 v49, v10;
	vm5 =	vgt.f32 v49, v11  }
0x145: {  	vm6 =	vgt.f32 v49, v12;
	vm8 =	vgt.f32 v58, v6;
	vm9 =	vgt.f32 v58, v7  }
0x146: {  	v27 =	vld [tilespmem:s23+$0x10];
	vm10 =	vgt.f32 v58, v8;
	vm12 =	vgt.f32 v58, v10;
	vm13 =	vgt.f32 v58, v11  }
0x147: {  	v15 =	vadd.s32 v18, v15;
	v16 =	vadd.s32 v44, v16;
	v57 =	vsel vm14, $0x1, v3  }
0x148: {  	v36 =	vld [tilespmem:s23+$0x20];
	v59 =	vsel vm15, $0x1, v3;
	v60 =	vsel vm4, $0x1, v3;
	v61 =	vsel vm5, $0x1, v3  }
0x149: {  	v62 =	vsel vm6, $0x1, v3;
	v24 =	vsel vm8, $0x1, v3;
	v25 =	vsel vm9, $0x1, v3  }
0x14a: {  	v26 =	vsel vm10, $0x1, v3;
	v29 =	vsel vm12, $0x1, v3;
	v30 =	vsel vm13, $0x1, v3  }
0x14b: {  	vm14 =	vgt.f32 v58, v12;
	vm15 =	vgt.f32 v58, v13;
	vm4 =	vgt.f32 v27, v6  }
0x14c: {  	vm5 =	vgt.f32 v27, v7;
	vm6 =	vgt.f32 v27, v8;
	vm8 =	vgt.f32 v27, v10  }
0x14d: {  	vm9 =	vgt.f32 v27, v11;
	vm10 =	vgt.f32 v27, v12;
	vm12 =	vgt.f32 v36, v6  }
0x14e: {  	vm13 =	vgt.f32 v36, v7;
	v14 =	vadd.s32 v19, v15;
	v15 =	vsel vm7, $0x1, v3  }
0x14f: {  	vm7 =	vgt.f32 v45, v9;
	v19 =	vadd.s32 v25, v24;
	v31 =	vsel vm14, $0x1, v3  }
0x150: {  	v32 =	vsel vm15, $0x1, v3;
	v33 =	vsel vm4, $0x1, v3;
	v34 =	vsel vm5, $0x1, v3  }
0x151: {  	v35 =	vsel vm6, $0x1, v3;
	v38 =	vsel vm8, $0x1, v3;
	v39 =	vsel vm9, $0x1, v3  }
0x152: {  	v42 =	vsel vm12, $0x1, v3;
	v43 =	vsel vm13, $0x1, v3;
	vm14 =	vgt.f32 v36, v8  }
0x153: {  	vm15 =	vgt.f32 v36, v9;
	vm4 =	vgt.f32 v36, v10;
	vm5 =	vgt.f32 v36, v11  }
0x154: {  	vm6 =	vgt.f32 v36, v12;
	v14 =	vadd.s32 v20, v14;
	v50 =	vsel vm7, $0x1, v3  }
0x155: {  	v44 =	vld [tilespmem:s23+$0x30];
	v20 =	vadd.s32 v56, v55;
	vm7 =	vgt.f32 v49, v13;
	v19 =	vadd.s32 v26, v19  }
0x156: {  	v49 =	vsel vm6, $0x1, v3;
	v14 =	vadd.s32 v40, v14;
	v63 =	vsel vm7, $0x1, v3  }
0x157: {  	vm7 =	vgt.f32 v27, v9;
	v40 =	vsel vm10, $0x1, v3;
	v14 =	vadd.s32 v41, v14  }
0x158: {  	vm10 =	vgt.f32 v36, v13;
	v37 =	vsel vm7, $0x1, v3;
	v14 =	vadd.s32 v15, v14  }
0x159: {  	v15 =	vsel vm11, $0x1, v3;
	vm11 =	vgt.f32 v45, v13;
	v45 =	vsel vm14, $0x1, v3  }
0x15a: {  	vm7 =	vgt.f32 v44, v6;
	vm8 =	vgt.f32 v44, v7;
	vm9 =	vgt.f32 v44, v8  }
0x15b: {  	vm12 =	vgt.f32 v44, v10;
	vm13 =	vgt.f32 v44, v11;
	vm14 =	vgt.f32 v44, v12  }
0x15c: {  	v14 =	vshll.u32 v14, $0xC;
	v15 =	vadd.s32 v15, v16;
	v16 =	vadd.s32 v47, v46  }
0x15d: {  	v54 =	vsel vm11, $0x1, v3;
	vm11 =	vgt.f32 v58, v9;
	v46 =	vsel vm15, $0x1, v3  }
0x15e: {  	s25 =	sadd.s32 $0xFFFFFF90, s22;
	v47 =	vsel vm4, $0x1, v3;
	v25 =	vsel vm8, $0x1, v3;
	v55 =	vsel vm13, $0x1, v3  }
0x15f: {  	v56 =	vsel vm14, $0x1, v3;
	vm15 =	vgt.f32 v44, v13;
	v14 =	vadd.s32 s25, v14  }
0x160: {  	v15 =	vadd.s32 v21, v15;
	v16 =	vadd.s32 v48, v16;
	v28 =	vsel vm11, $0x1, v3  }
0x161: {  	vm11 =	vgt.f32 v27, v13;
	v48 =	vsel vm5, $0x1, v3;
	v14 =	vadd.s32 v1, v14  }
0x162: {  	v15 =	vadd.s32 v22, v15;
	v16 =	vadd.s32 v50, v16;
	v18 =	vadd.s32 v28, v19  }
0x163: {  	v19 =	vadd.s32 v34, v33;
	v41 =	vsel vm11, $0x1, v3;
	v50 =	vsel vm7, $0x1, v3  }
0x164: {  	vm11 =	vgt.f32 v44, v9;
	v15 =	vadd.s32 v23, v15;
	v16 =	vadd.s32 v51, v16  }
0x165: {  	v18 =	vadd.s32 v29, v18;
	v19 =	vadd.s32 v35, v19;
	v24 =	vand.u32 v4, v14  }
0x166: {  	v21 =	vadd.s32 v25, v50;
	v51 =	vsel vm9, $0x1, v3;
	v23 =	vsel vm10, $0x1, v3  }
0x167: {  	v15 =	vadd.s32 v17, v15;
	v16 =	vadd.s32 v52, v16;
	v17 =	vadd.s32 v57, v20  }
0x168: {  	v18 =	vadd.s32 v30, v18;
	v19 =	vadd.s32 v37, v19;
	v20 =	vadd.s32 v43, v42  }
0x169: {  	v21 =	vadd.s32 v51, v21;
	v52 =	vsel vm11, $0x1, v3;
	v16 =	vadd.s32 v53, v16  }
0x16a: {  	v17 =	vadd.s32 v59, v17;
	v18 =	vadd.s32 v31, v18;
	v19 =	vadd.s32 v38, v19  }
0x16b: {  	v20 =	vadd.s32 v45, v20;
	v15 =	vshll.u32 v15, $0xC;
	v21 =	vadd.s32 v52, v21  }
0x16c: {  	s25 =	sadd.s32 $0xFFFFFFA0, s22;
	v16 =	vadd.s32 v54, v16;
	v17 =	vadd.s32 v60, v17;
	v18 =	vadd.s32 v32, v18  }
0x16d: {  	v19 =	vadd.s32 v39, v19;
	v20 =	vadd.s32 v46, v20;
	v15 =	vadd.s32 s25, v15  }
0x16e: {  	v54 =	vsel vm12, $0x1, v3;
	v17 =	vadd.s32 v61, v17;
	v19 =	vadd.s32 v40, v19  }
0x16f: {  	v20 =	vadd.s32 v47, v20;
	v16 =	vshll.u32 v16, $0xC;
	v17 =	vadd.s32 v62, v17  }
0x170: {  	s25 =	sadd.s32 $0xFFFFFFB0, s22;
	v15 =	vadd.s32 v1, v15;
	v21 =	vadd.s32 v54, v21;
	v17 =	vadd.s32 v63, v17  }
0x171: {  	v16 =	vadd.s32 s25, v16;
	v53 =	vand.u32 $0x7FFFFF9F, v15;
	s25 =	sadd.s32 $0xFFFFFFC0, s22;
	v17 =	vshll.u32 v17, $0xC  }
0x172: {  	[tilespmem:s24+$0xFFFFFFC0] =	vst v14;
	v18 =	vshll.u32 v18, $0xC;
	v16 =	vadd.s32 v1, v16;
	v17 =	vadd.s32 s25, v17  }
0x173: {  	v61 =	vsel vm15, $0x1, v3;
	[tilespmem:v24+s17+$0x0] =	vst.idx.msk $0xffff, v5;
	v14 =	vand.u32 $0x7FFFFFAF, v16;
	v17 =	vadd.s32 v1, v17  }
0x174: {  	v19 =	vadd.s32 v41, v19;
	v20 =	vadd.s32 v48, v20;
	[tilespmem:s24+$0xFFFFFFD0] =	vst v15;
	v15 =	vand.u32 $0x7FFFFFBF, v17  }
0x175: {  	v21 =	vadd.s32 v55, v21;
	v20 =	vadd.s32 v49, v20;
	v19 =	vshll.u32 v19, $0xC;
	[tilespmem:s24+$0xFFFFFFE0] =	vst v16;
	s25 =	sadd.s32 $0xFFFFFFD0, s22  }
0x176: {  	v57 =	vadd.s32 v56, v21;
	v20 =	vadd.s32 v23, v20;
	v18 =	vadd.s32 s25, v18;
	s25 =	sadd.s32 $0xFFFFFFE0, s22;
	[tilespmem:v53+s17+$0x0] =	vst.idx.msk $0xffff, v5  }
0x177: {  	v59 =	vshll.u32 v20, $0xC;
	v18 =	vadd.s32 v1, v18;
	v19 =	vadd.s32 s25, v19;
	s25 =	sadd.s32 $0xFFFFFFF0, s22;
	[tilespmem:s24+$0xFFFFFFF0] =	vst v17  }
0x178: {  	v58 =	vand.u32 $0x7FFFFFCF, v18;
	[tilespmem:v14+s17+$0x0] =	vst.idx.msk $0xffff, v5;
	v14 =	vadd.s32 v1, v19;
	v19 =	vadd.s32 s25, v59  }
0x179: {  	v60 =	vand.u32 $0x7FFFFFDF, v14;
	v62 =	vadd.s32 v1, v19;
	[tilespmem:v15+s17+$0x0] =	vst.idx.msk $0xffff, v5;
	v15 =	vadd.s32 v61, v57  }
0x17a: {  	[tilespmem:s24+$0x0] =	vst v18;
	v63 =	vand.u32 $0x7FFFFFEF, v62;
	v15 =	vshll.u32 v15, $0xC  }
0x17b: {  	s21 =	sadd.s32 $0x8, s21;
	[tilespmem:s24+$0x10] =	vst v14;
	v15 =	vadd.s32 s22, v15  }
0x17c: {  	p1 =	slt.u32 s21, $0xF8;
	[tilespmem:s24+$0x20] =	vst v62;
	v14 =	vadd.s32 v1, v15  }
.Ltmp10:
0x17d: {  	[tilespmem:v58+s17+$0x0] =	vst.idx.msk $0xffff, v5;
	(pc) =	sbr.rel @p1 .LBB2_12-.Ltmp10, $4  }
0x17e: {  	[tilespmem:v60+s17+$0x0] =	vst.idx.msk $0xffff, v5  }
0x17f: {  	[tilespmem:v63+s17+$0x0] =	vst.idx.msk $0xffff, v5  }
0x180: {  	[tilespmem:s24+$0x30] =	vst v14  }
0x181: {  	s23 =	sadd.s32 $0x80, s23;
	s22 =	sadd.s32 $0x80, s22;
	s24 =	sadd.s32 $0x80, s24;
	[tilespmem:v14+s17+$0x0] =	vst.idx.msk $0xffff, v5  }
.LBB2_13:
0x182: {  	s14 =	sadd.s32 s20, s14  }
0x183: {  	s20 =	sadd.s32 $0x2000000, s14  }
0x184: {  	s20 =	sshrl.u32 s20, $0x3  }
0x185: {  	s23 =	sadd.s32 $0x4000000, s14;
	s20 =	sadd.s32 s4, s20  }
0x186: {  	[hbm4b:s20+s12] =	stream.strided.scatter [tilespmem:s17], [sflag:$0x3], $0x1000, s13, s12, $0x38;
	[tilespmem:$0x17100] =	vst v63  }
0x187: {  	s20 =	sshrl.u32 s23, $0x3  }
0x188: {  	s21 =	simm.s32 $0x3000;
	s24 =	sadd.s32 $0x6000000, s14;
	s20 =	sadd.s32 s4, s20  }
0x189: {  	[hbm4b:s20+s12] =	stream.strided.scatter [tilespmem:s21], [sflag:$0x3], $0x1000, s13, s12, $0x38;
	[tilespmem:$0x17100] =	vst v63  }
0x18a: {  	s20 =	sshrl.u32 s24, $0x3  }
0x18b: {  	s25 =	simm.s32 $0x4000;
	s22 =	sadd.s32 $0x8000000, s14;
	s20 =	sadd.s32 s4, s20  }
0x18c: {  	[hbm4b:s20+s12] =	stream.strided.scatter [tilespmem:s25], [sflag:$0x3], $0x1000, s13, s12, $0x38;
	[tilespmem:$0x17100] =	vst v63  }
0x18d: {  	s20 =	sshrl.u32 s22, $0x3  }
0x18e: {  	s23 =	simm.s32 $0x5000;
	s24 =	sadd.s32 $0xA000000, s14;
	s20 =	sadd.s32 s4, s20  }
0x18f: {  	[hbm4b:s20+s12] =	stream.strided.scatter [tilespmem:s23], [sflag:$0x3], $0x1000, s13, s12, $0x38;
	[tilespmem:$0x17100] =	vst v63  }
0x190: {  	s20 =	sshrl.u32 s24, $0x3  }
0x191: {  	s25 =	simm.s32 $0x6000;
	s22 =	sadd.s32 $0xC000000, s14;
	s20 =	sadd.s32 s4, s20  }
0x192: {  	[hbm4b:s20+s12] =	stream.strided.scatter [tilespmem:s25], [sflag:$0x3], $0x1000, s13, s12, $0x38;
	[tilespmem:$0x17100] =	vst v63  }
0x193: {  	s20 =	sshrl.u32 s22, $0x3  }
0x194: {  	s23 =	simm.s32 $0x7000;
	s24 =	sadd.s32 $0xE000000, s14;
	s20 =	sadd.s32 s4, s20  }
0x195: {  	[hbm4b:s20+s12] =	stream.strided.scatter [tilespmem:s23], [sflag:$0x3], $0x1000, s13, s12, $0x38;
	[tilespmem:$0x17100] =	vst v63  }
0x196: {  	s20 =	sshrl.u32 s24, $0x3  }
0x197: {  	s25 =	simm.s32 $0x8000;
	s22 =	sadd.s32 $0x10000000, s14;
	s20 =	sadd.s32 s4, s20  }
0x198: {  	[hbm4b:s20+s12] =	stream.strided.scatter [tilespmem:s25], [sflag:$0x3], $0x1000, s13, s12, $0x38;
	[tilespmem:$0x17100] =	vst v63  }
0x199: {  	s20 =	sshrl.u32 s22, $0x3  }
0x19a: {  	s23 =	simm.s32 $0x9000;
	s24 =	sadd.s32 $0x12000000, s14;
	s20 =	sadd.s32 s4, s20  }
0x19b: {  	[hbm4b:s20+s12] =	stream.strided.scatter [tilespmem:s23], [sflag:$0x3], $0x1000, s13, s12, $0x38;
	[tilespmem:$0x17100] =	vst v63  }
0x19c: {  	s20 =	sshrl.u32 s24, $0x3  }
0x19d: {  	s25 =	simm.s32 $0xA000;
	s20 =	sadd.s32 s4, s20  }
0x19e: {  	[hbm4b:s20+s12] =	stream.strided.scatter [tilespmem:s25], [sflag:$0x3], $0x1000, s13, s12, $0x38;
	[tilespmem:$0x17100] =	vst v63  }
0x19f: {  	s19 =	sadd.s32 s4, s19  }
0x1a0: {  	[hbm4b:s19+s12] =	stream.strided.scatter [tilespmem:s26], [sflag:$0x3], $0x1000, s13, s12, $0x38;
	[tilespmem:$0x17100] =	vst v63  }
0x1a1: {  	s19 =	sadd.s32 $0x1, s6  }
0x1a2: {  	p1 =	sge.u32 s19, s8  }
0x1a3: {  	s20 =	sshll.u32 @!p1 s19, $0xD;
	s21 =	sshll.u32 @!p1 s19, $0x7  }
0x1a4: {  	s20 =	sand.u32 @!p1 $0x7FFF0000, s20;
	s21 =	sand.u32 @!p1 $0x380, s21  }
0x1a5: {  	s20 =	sor.u32 @!p1 s21, s20  }
0x1a6: {  	s22 =	simm.s32 @!p1 $0x400;
	s20 =	sshrl.u32 @!p1 s20, $0x3  }
0x1a7: {  	s23 =	simm.s32 @!p1 $0x0;
	s21 =	simm.s32 @!p1 $0x80;
	s20 =	sadd.s32 @!p1 s1, s20  }
0x1a8: {  	[tilespmem:s23], [sflag:$0x1] =	stream.strided.gather @!p1 [hbm4b:s20+s21], $0x1000, s22, s21, $0x38;
	[tilespmem:$0x17100] =	vst v63  }
0x1a9: {  	p1 =	sle.u32 s6, s18  }
.Ltmp11:
0x1aa: {  	_ = 	snop;
	(pc) =	sbr.rel @p1 .LBB2_16-.Ltmp11, $1  }
0x1ab: {  	_ =	sdelay $0x3  }
0x1ac: {  	_ =	swait.ge [sflag:s28], $0x1000  }
0x1ad: {  	[sflag:s28] =	ssyncset.done $0x0  }
0x1ae: {  	[sflag:s28] =	ssyncadd.s32 $0xFFFFF000  }
0x1af: {  	_ =	swait.ge [sflag:s28], $0x1000  }
0x1b0: {  	[sflag:s28] =	ssyncset.done $0x0  }
0x1b1: {  	[sflag:s28] =	ssyncadd.s32 $0xFFFFF000  }
0x1b2: {  	_ =	swait.ge [sflag:s28], $0x1000  }
0x1b3: {  	[sflag:s28] =	ssyncset.done $0x0  }
0x1b4: {  	[sflag:s28] =	ssyncadd.s32 $0xFFFFF000  }
0x1b5: {  	_ =	swait.ge [sflag:s28], $0x1000  }
0x1b6: {  	[sflag:s28] =	ssyncset.done $0x0  }
0x1b7: {  	[sflag:s28] =	ssyncadd.s32 $0xFFFFF000  }
0x1b8: {  	_ =	swait.ge [sflag:s28], $0x1000  }
0x1b9: {  	[sflag:s28] =	ssyncset.done $0x0  }
0x1ba: {  	[sflag:s28] =	ssyncadd.s32 $0xFFFFF000  }
0x1bb: {  	_ =	swait.ge [sflag:s28], $0x1000  }
0x1bc: {  	[sflag:s28] =	ssyncset.done $0x0  }
0x1bd: {  	[sflag:s28] =	ssyncadd.s32 $0xFFFFF000  }
0x1be: {  	_ =	swait.ge [sflag:s28], $0x1000  }
0x1bf: {  	[sflag:s28] =	ssyncset.done $0x0  }
0x1c0: {  	[sflag:s28] =	ssyncadd.s32 $0xFFFFF000  }
0x1c1: {  	_ =	swait.ge [sflag:s28], $0x1000  }
0x1c2: {  	[sflag:s28] =	ssyncset.done $0x0  }
0x1c3: {  	[sflag:s28] =	ssyncadd.s32 $0xFFFFF000  }
0x1c4: {  	_ =	swait.ge [sflag:s28], $0x1000  }
0x1c5: {  	[sflag:s28] =	ssyncset.done $0x0  }
0x1c6: {  	[sflag:s28] =	ssyncadd.s32 $0xFFFFF000  }
0x1c7: {  	_ =	swait.ge [sflag:s28], $0x1000  }
0x1c8: {  	[sflag:s28] =	ssyncset.done $0x0  }
0x1c9: {  	[sflag:s28] =	ssyncadd.s32 $0xFFFFF000  }
0x1ca: {  	_ =	swait.ge [sflag:s29], $0x1000  }
0x1cb: {  	s6 =	simm.s32 $0xFFFFFFF8;
	s20 =	simm.s32 $0x70;
	[sflag:s29] =	ssyncset.done $0x0  }
0x1cc: {  	s21 =	simm.s32 $0x15040;
	s22 =	simm.s32 $0x1040;
	[sflag:s29] =	ssyncadd.s32 $0xFFFFF000  }
.LBB2_15:
0x1cd: {  	v14 =	vld [tilespmem:s22+$0xFFFFFFC0];
	_ =	sdelay $0x2  }
0x1ce: {  	v17 =	vld [tilespmem:s22+$0xFFFFFFD0]  }
0x1cf: {  	v20 =	vld [tilespmem:s22+$0xFFFFFFE0]  }
0x1d0: {  	v22 =	vld [tilespmem:s22+$0xFFFFFFF0];
	vm0 =	vgt.f32 v14, v6;
	vm1 =	vgt.f32 v14, v7  }
0x1d1: {  	vm15 =	vgt.f32 v14, v8;
	vm4 =	vgt.f32 v14, v9;
	vm5 =	vgt.f32 v14, v10  }
0x1d2: {  	vm6 =	vgt.f32 v14, v11;
	vm7 =	vgt.f32 v14, v12;
	vm8 =	vgt.f32 v14, v13  }
0x1d3: {  	vm9 =	vgt.f32 v17, v6;
	vm10 =	vgt.f32 v17, v7;
	vm11 =	vgt.f32 v17, v8  }
0x1d4: {  	vm12 =	vgt.f32 v17, v9;
	vm13 =	vgt.f32 v17, v10;
	vm14 =	vgt.f32 v17, v11  }
0x1d5: {  	vm2 =	vgt.f32 v20, v7;
	vm3 =	vgt.f32 v22, v7;
	v15 =	vsel vm0, $0x1, v3  }
0x1d6: {  	v16 =	vsel vm1, $0x1, v3;
	v26 =	vsel vm15, $0x1, v3;
	v27 =	vsel vm4, $0x1, v3  }
0x1d7: {  	v28 =	vsel vm5, $0x1, v3;
	v29 =	vsel vm6, $0x1, v3;
	v30 =	vsel vm7, $0x1, v3  }
0x1d8: {  	v31 =	vsel vm10, $0x1, v3;
	v32 =	vsel vm11, $0x1, v3;
	v33 =	vsel vm12, $0x1, v3  }
0x1d9: {  	v18 =	vsel vm13, $0x1, v3;
	v34 =	vsel vm14, $0x1, v3;
	vm15 =	vgt.f32 v17, v12  }
0x1da: {  	vm4 =	vgt.f32 v17, v13;
	vm5 =	vgt.f32 v20, v6;
	v21 =	vsel vm2, $0x1, v3  }
0x1db: {  	vm6 =	vgt.f32 v20, v8;
	vm7 =	vgt.f32 v20, v9;
	vm10 =	vgt.f32 v20, v12  }
0x1dc: {  	vm11 =	vgt.f32 v20, v13;
	vm12 =	vgt.f32 v22, v6;
	v24 =	vsel vm3, $0x1, v3  }
0x1dd: {  	v25 =	vld [tilespmem:s22+$0x0];
	vm13 =	vgt.f32 v22, v8;
	vm14 =	vgt.f32 v22, v9;
	v15 =	vadd.s32 v16, v15  }
0x1de: {  	v35 =	vsel vm15, $0x1, v3;
	v17 =	vsel vm4, $0x1, v3;
	v19 =	vsel vm5, $0x1, v3  }
0x1df: {  	v36 =	vsel vm6, $0x1, v3;
	v37 =	vsel vm7, $0x1, v3;
	v39 =	vsel vm10, $0x1, v3  }
0x1e0: {  	v40 =	vsel vm12, $0x1, v3;
	v41 =	vsel vm13, $0x1, v3;
	v42 =	vsel vm14, $0x1, v3  }
0x1e1: {  	vm15 =	vgt.f32 v22, v10;
	vm4 =	vgt.f32 v22, v11;
	vm5 =	vgt.f32 v22, v12  }
0x1e2: {  	v59 =	vld [tilespmem:s22+$0x20];
	vm6 =	vgt.f32 v25, v6;
	vm7 =	vgt.f32 v25, v7;
	vm10 =	vgt.f32 v25, v10  }
0x1e3: {  	vm12 =	vgt.f32 v25, v12;
	vm13 =	vgt.f32 v22, v13;
	vm14 =	vgt.f32 v25, v13  }
0x1e4: {  	v15 =	vadd.s32 v26, v15;
	v19 =	vadd.s32 v21, v19;
	v43 =	vsel vm15, $0x1, v3  }
0x1e5: {  	v45 =	vsel vm4, $0x1, v3;
	v46 =	vsel vm5, $0x1, v3;
	v47 =	vsel vm6, $0x1, v3  }
0x1e6: {  	v26 =	vsel vm7, $0x1, v3;
	v50 =	vsel vm10, $0x1, v3;
	v53 =	vsel vm12, $0x1, v3  }
0x1e7: {  	v54 =	vsel vm13, $0x1, v3;
	vm12 =	vgt.f32 v59, v6;
	v15 =	vadd.s32 v27, v15  }
0x1e8: {  	vm13 =	vgt.f32 v59, v7;
	v19 =	vadd.s32 v36, v19;
	v15 =	vadd.s32 v28, v15  }
0x1e9: {  	v19 =	vadd.s32 v37, v19;
	v28 =	vsel vm14, $0x1, v3;
	v15 =	vadd.s32 v29, v15  }
0x1ea: {  	vm14 =	vgt.f32 v59, v8;
	v14 =	vadd.s32 v30, v15;
	v15 =	vsel vm8, $0x1, v3  }
0x1eb: {  	v27 =	vld [tilespmem:s22+$0x10];
	vm8 =	vgt.f32 v20, v10;
	v15 =	vadd.s32 v15, v14;
	v14 =	vsel vm9, $0x1, v3  }
0x1ec: {  	v38 =	vsel vm8, $0x1, v3;
	vm9 =	vgt.f32 v20, v11;
	v20 =	vsel vm11, $0x1, v3  }
0x1ed: {  	vm8 =	vgt.f32 v25, v8;
	vm11 =	vgt.f32 v25, v11;
	v14 =	vadd.s32 v31, v14  }
0x1ee: {  	v15 =	vshll.u32 v15, $0xC;
	v21 =	vadd.s32 v38, v19;
	v23 =	vsel vm9, $0x1, v3  }
0x1ef: {  	v48 =	vsel vm8, $0x1, v3;
	vm9 =	vgt.f32 v25, v9;
	v51 =	vsel vm11, $0x1, v3  }
0x1f0: {  	vm15 =	vgt.f32 v27, v6;
	vm4 =	vgt.f32 v27, v7;
	vm6 =	vgt.f32 v27, v8  }
0x1f1: {  	s23 =	sadd.s32 $0xFFFFFF90, s20;
	vm7 =	vgt.f32 v27, v9;
	vm8 =	vgt.f32 v27, v10;
	vm10 =	vgt.f32 v27, v12  }
0x1f2: {  	vm11 =	vgt.f32 v27, v13;
	v14 =	vadd.s32 v32, v14;
	v15 =	vadd.s32 s23, v15  }
0x1f3: {  	v21 =	vadd.s32 v23, v21;
	v23 =	vadd.s32 v24, v40;
	v24 =	vadd.s32 v26, v47  }
0x1f4: {  	v49 =	vsel vm9, $0x1, v3;
	v55 =	vsel vm15, $0x1, v3;
	v56 =	vsel vm4, $0x1, v3  }
0x1f5: {  	v57 =	vsel vm6, $0x1, v3;
	v58 =	vsel vm7, $0x1, v3;
	v60 =	vsel vm8, $0x1, v3  }
0x1f6: {  	vm9 =	vgt.f32 v27, v11;
	v62 =	vsel vm10, $0x1, v3;
	v32 =	vsel vm12, $0x1, v3  }
0x1f7: {  	vm15 =	vgt.f32 v59, v9;
	vm6 =	vgt.f32 v59, v10;
	vm7 =	vgt.f32 v59, v11  }
0x1f8: {  	v38 =	vsel vm11, $0x1, v3;
	vm8 =	vgt.f32 v59, v12;
	v16 =	vadd.s32 v33, v14  }
0x1f9: {  	v21 =	vadd.s32 v39, v21;
	v23 =	vadd.s32 v41, v23;
	v24 =	vadd.s32 v48, v24  }
0x1fa: {  	v61 =	vsel vm9, $0x1, v3;
	v33 =	vsel vm13, $0x1, v3;
	v36 =	vsel vm15, $0x1, v3  }
0x1fb: {  	v37 =	vsel vm6, $0x1, v3;
	v39 =	vsel vm7, $0x1, v3;
	v41 =	vsel vm8, $0x1, v3  }
0x1fc: {  	v16 =	vadd.s32 v18, v16;
	v18 =	vadd.s32 v1, v15;
	v23 =	vadd.s32 v42, v23  }
0x1fd: {  	v20 =	vadd.s32 v20, v21;
	v24 =	vadd.s32 v49, v24;
	v16 =	vadd.s32 v34, v16  }
0x1fe: {  	v14 =	vld [tilespmem:s21+$0xFFFFFFC0];
	v44 =	vadd.s32 v43, v23;
	v20 =	vshll.u32 v20, $0xC;
	v24 =	vadd.s32 v50, v24  }
0x1ff: {  	s25 =	sadd.s32 $0xFFFFFFB0, s20;
	v34 =	vsel vm14, $0x1, v3;
	v16 =	vadd.s32 v35, v16;
	v21 =	vadd.s32 v45, v44  }
0x200: {  	v40 =	vld [tilespmem:s21+$0xFFFFFFE0];
	v52 =	vadd.s32 v51, v24;
	v24 =	vadd.s32 v56, v55;
	v20 =	vadd.s32 s25, v20  }
0x201: {  	v16 =	vadd.s32 v17, v16;
	v17 =	vand.u32 v4, v18;
	v21 =	vadd.s32 v46, v21  }
0x202: {  	v22 =	vadd.s32 v53, v52;
	v24 =	vadd.s32 v57, v24;
	v44 =	vadd.s32 v1, v20  }
0x203: {  	v35 =	vld [tilespmem:s22+$0x30];
	v15 =	vshll.u32 v16, $0xC;
	vm0 =	vne.s32 v14, v18;
	v24 =	vadd.s32 v58, v24  }
0x204: {  	s24 =	sadd.s32 $0xFFFFFFA0, s20;
	v21 =	vadd.s32 v54, v21;
	v22 =	vadd.s32 v28, v22;
	v47 =	vand.u32 $0x7FFFFFAF, v44  }
0x205: {  	vm12 =	vne.s32 v40, v44;
	v15 =	vadd.s32 s24, v15;
	v24 =	vadd.s32 v60, v24  }
0x206: {  	s24 =	sadd.s32 $0xFFFFFFC0, s20;
	v45 =	vshll.u32 v21, $0xC;
	v49 =	vshll.u32 v22, $0xC;
	v16 =	vadd.s32 v1, v15  }
0x207: {  	v24 =	vadd.s32 v61, v24;
	v20 =	vadd.s32 s24, v45;
	v19 =	vand.u32 $0x7FFFFF9F, v16  }
0x208: {  	v15 =	vld [tilespmem:s21+$0xFFFFFFD0];
	v63 =	vadd.s32 v62, v24;
	v24 =	vadd.s32 v33, v32;
	vm9 =	vgt.f32 v35, v6  }
0x209: {  	vm10 =	vgt.f32 v35, v7;
	vm11 =	vgt.f32 v35, v8;
	vm13 =	vgt.f32 v35, v9  }
0x20a: {  	vm15 =	vgt.f32 v35, v10;
	v24 =	vadd.s32 v34, v24;
	v23 =	vadd.s32 v38, v63  }
0x20b: {  	[tilespmem:s21+$0xFFFFFFC0] =	vst v18;
	v42 =	vsel vm9, $0x1, v3;
	v29 =	vsel vm10, $0x1, v3;
	v46 =	vsel vm11, $0x1, v3  }
0x20c: {  	[tilespmem:s21+$0xFFFFFFE0] =	vst v44;
	v52 =	vsel vm13, $0x1, v3;
	vm9 =	vgt.f32 v59, v13;
	v54 =	vsel vm15, $0x1, v3  }
0x20d: {  	v43 =	vld [tilespmem:s21+$0xFFFFFFF0];
	[tilespmem:s21+$0xFFFFFFD0] =	vst v16;
	vm10 =	vgt.f32 v35, v11;
	vm13 =	vgt.f32 v35, v13;
	vm1 =	vne.s32 v15, v16  }
0x20e: {  	[tilespmem:v17+s30+$0x0] =	vst.idx.msk $0xffff, v5;
	v24 =	vadd.s32 v36, v24;
	v28 =	vadd.s32 v29, v42;
	v55 =	vshll.u32 v23, $0xC  }
0x20f: {  	s25 =	sadd.s32 $0xFFFFFFD0, s20;
	[tilespmem:v47+s30+$0x0] =	vst.idx.msk $0xffff, v5;
	v56 =	vsel vm9, $0x1, v3;
	v57 =	vsel vm10, $0x1, v3;
	v24 =	vadd.s32 v37, v24  }
0x210: {  	s24 =	sadd.s32 $0xFFFFFFE0, s20;
	v21 =	vadd.s32 v46, v28;
	[tilespmem:v14+s30+$0x0] =	vst.idx.msk vm0, v2;
	v14 =	vadd.s32 v1, v20;
	v20 =	vadd.s32 s25, v49  }
0x211: {  	v53 =	vld [tilespmem:s21+$0x10];
	[tilespmem:v40+s30+$0x0] =	vst.idx.msk vm12, v2;
	v17 =	vadd.s32 s24, v55;
	vm12 =	vgt.f32 v35, v12;
	v24 =	vadd.s32 v39, v24  }
0x212: {  	v50 =	vand.u32 $0x7FFFFFBF, v14;
	vm14 =	vne.s32 v43, v14;
	v51 =	vadd.s32 v1, v20;
	[tilespmem:v19+s30+$0x0] =	vst.idx.msk $0xffff, v5  }
0x213: {  	v48 =	vld [tilespmem:s21+$0x0];
	v20 =	vadd.s32 v52, v21;
	v24 =	vadd.s32 v41, v24;
	[tilespmem:v15+s30+$0x0] =	vst.idx.msk vm1, v2;
	v15 =	vand.u32 $0x7FFFFFCF, v51  }
0x214: {  	v58 =	vld [tilespmem:s21+$0x20];
	[tilespmem:s21+$0xFFFFFFF0] =	vst v14;
	v17 =	vadd.s32 v1, v17;
	v60 =	vsel vm12, $0x1, v3;
	v14 =	vadd.s32 v56, v24  }
0x215: {  	s25 =	sadd.s32 $0xFFFFFFF0, s20;
	v18 =	vadd.s32 v54, v20;
	v59 =	vand.u32 $0x7FFFFFDF, v17;
	[tilespmem:s21+$0x0] =	vst v51;
	v14 =	vshll.u32 v14, $0xC  }
0x216: {  	vm11 =	vne.s32 v53, v17;
	[tilespmem:s21+$0x10] =	vst v17;
	v18 =	vadd.s32 v57, v18;
	v14 =	vadd.s32 s25, v14  }
0x217: {  	v62 =	vld [tilespmem:s21+$0x30];
	v61 =	vsel vm13, $0x1, v3;
	v18 =	vadd.s32 v60, v18;
	[tilespmem:v50+s30+$0x0] =	vst.idx.msk $0xffff, v5;
	v14 =	vadd.s32 v1, v14  }
0x218: {  	vm8 =	vne.s32 v48, v51;
	v63 =	vand.u32 $0x7FFFFFEF, v14;
	[tilespmem:v15+s30+$0x0] =	vst.idx.msk $0xffff, v5;
	v15 =	vadd.s32 v61, v18  }
0x219: {  	[tilespmem:v43+s30+$0x0] =	vst.idx.msk vm14, v2;
	vm14 =	vne.s32 v58, v14;
	v15 =	vshll.u32 v15, $0xC  }
0x21a: {  	[tilespmem:v59+s30+$0x0] =	vst.idx.msk $0xffff, v5;
	v15 =	vadd.s32 s20, v15  }
0x21b: {  	[tilespmem:s21+$0x20] =	vst v14;
	v15 =	vadd.s32 v1, v15  }
0x21c: {  	s6 =	sadd.s32 $0x8, s6;
	[tilespmem:v53+s30+$0x0] =	vst.idx.msk vm11, v2;
	vm15 =	vne.s32 v62, v15  }
0x21d: {  	p1 =	slt.u32 s6, $0xF8;
	[tilespmem:v63+s30+$0x0] =	vst.idx.msk $0xffff, v5  }
.Ltmp12:
0x21e: {  	[tilespmem:v48+s30+$0x0] =	vst.idx.msk vm8, v2;
	(pc) =	sbr.rel @p1 .LBB2_15-.Ltmp12, $4  }
0x21f: {  	[tilespmem:v58+s30+$0x0] =	vst.idx.msk vm14, v2  }
0x220: {  	[tilespmem:s21+$0x30] =	vst v15  }
0x221: {  	[tilespmem:v15+s30+$0x0] =	vst.idx.msk $0xffff, v5  }
0x222: {  	s22 =	sadd.s32 $0x80, s22;
	s20 =	sadd.s32 $0x80, s20;
	s21 =	sadd.s32 $0x80, s21;
	[tilespmem:v62+s30+$0x0] =	vst.idx.msk vm15, v2  }
.Ltmp13:
0x223: {  	_ = 	snop;
	(pc) =	sbr.rel .LBB2_17-.Ltmp13, $1  }
0x224: {  	_ =	sdelay $0x3  }
.LBB2_16:
0x225: {  	_ =	swait.ge [sflag:s29], $0x1000  }
0x226: {  	[sflag:s29] =	ssyncset.done $0x0  }
0x227: {  	[sflag:s29] =	ssyncadd.s32 $0xFFFFF000  }
.LBB2_17:
.Ltmp14:
0x228: {  	(pc) =	sbr.rel @p0 .LBB2_20-.Ltmp14, $1  }
0x229: {  	_ =	sdelay $0x3  }
0x22a: {  	s6 =	simm.s32 $0xFFFFFFF8  }
0x22b: {  	s20 =	simm.s32 $0x70;
	s21 =	simm.s32 $0x1040;
	s22 =	simm.s32 $0x15040  }
.LBB2_19:
0x22c: {  	v14 =	vld [tilespmem:s21+$0xFFFFFFC0];
	_ =	sdelay $0x2  }
0x22d: {  	v17 =	vld [tilespmem:s21+$0xFFFFFFD0];
	_ =	sdelay $0x1  }
0x22e: {  	vm0 =	vgt.f32 v14, v6  }
0x22f: {  	vm1 =	vgt.f32 v14, v7;
	vm14 =	vgt.f32 v14, v8;
	vm15 =	vgt.f32 v14, v9  }
0x230: {  	vm4 =	vgt.f32 v14, v10;
	vm5 =	vgt.f32 v14, v11;
	vm6 =	vgt.f32 v14, v12  }
0x231: {  	vm7 =	vgt.f32 v14, v13;
	vm8 =	vgt.f32 v17, v6;
	vm9 =	vgt.f32 v17, v7  }
0x232: {  	vm10 =	vgt.f32 v17, v8;
	vm11 =	vgt.f32 v17, v9;
	vm12 =	vgt.f32 v17, v10  }
0x233: {  	v45 =	vld [tilespmem:s21+$0xFFFFFFE0];
	vm13 =	vgt.f32 v17, v11;
	v15 =	vsel vm0, $0x1, v3;
	v16 =	vsel vm1, $0x1, v3  }
0x234: {  	v18 =	vsel vm14, $0x1, v3;
	v19 =	vsel vm15, $0x1, v3;
	v20 =	vsel vm4, $0x1, v3  }
0x235: {  	v49 =	vld [tilespmem:s21+$0xFFFFFFF0];
	v40 =	vsel vm5, $0x1, v3;
	v41 =	vsel vm6, $0x1, v3;
	v42 =	vsel vm8, $0x1, v3  }
0x236: {  	v43 =	vsel vm9, $0x1, v3;
	v44 =	vsel vm10, $0x1, v3;
	v21 =	vsel vm12, $0x1, v3  }
0x237: {  	v22 =	vsel vm13, $0x1, v3;
	vm14 =	vgt.f32 v17, v12;
	vm15 =	vgt.f32 v17, v13  }
0x238: {  	vm4 =	vgt.f32 v45, v6;
	vm5 =	vgt.f32 v45, v7;
	vm6 =	vgt.f32 v45, v8  }
0x239: {  	vm8 =	vgt.f32 v45, v10;
	vm9 =	vgt.f32 v45, v11;
	vm10 =	vgt.f32 v45, v12  }
0x23a: {  	vm12 =	vgt.f32 v49, v6;
	vm13 =	vgt.f32 v49, v7;
	v15 =	vadd.s32 v16, v15  }
0x23b: {  	v58 =	vld [tilespmem:s21+$0x0];
	v23 =	vsel vm14, $0x1, v3;
	v16 =	vadd.s32 v43, v42;
	v17 =	vsel vm15, $0x1, v3  }
0x23c: {  	v46 =	vsel vm4, $0x1, v3;
	v47 =	vsel vm5, $0x1, v3;
	v48 =	vsel vm6, $0x1, v3  }
0x23d: {  	v51 =	vsel vm8, $0x1, v3;
	v52 =	vsel vm9, $0x1, v3;
	v53 =	vsel vm10, $0x1, v3  }
0x23e: {  	v55 =	vsel vm12, $0x1, v3;
	v56 =	vsel vm13, $0x1, v3;
	vm14 =	vgt.f32 v49, v8  }
0x23f: {  	vm15 =	vgt.f32 v49, v9;
	vm4 =	vgt.f32 v49, v10;
	vm5 =	vgt.f32 v49, v11  }
0x240: {  	vm6 =	vgt.f32 v49, v12;
	vm8 =	vgt.f32 v58, v6;
	vm9 =	vgt.f32 v58, v7  }
0x241: {  	v27 =	vld [tilespmem:s21+$0x10];
	vm10 =	vgt.f32 v58, v8;
	vm12 =	vgt.f32 v58, v10;
	vm13 =	vgt.f32 v58, v11  }
0x242: {  	v15 =	vadd.s32 v18, v15;
	v16 =	vadd.s32 v44, v16;
	v57 =	vsel vm14, $0x1, v3  }
0x243: {  	v36 =	vld [tilespmem:s21+$0x20];
	v59 =	vsel vm15, $0x1, v3;
	v60 =	vsel vm4, $0x1, v3;
	v61 =	vsel vm5, $0x1, v3  }
0x244: {  	v62 =	vsel vm6, $0x1, v3;
	v24 =	vsel vm8, $0x1, v3;
	v25 =	vsel vm9, $0x1, v3  }
0x245: {  	v26 =	vsel vm10, $0x1, v3;
	v29 =	vsel vm12, $0x1, v3;
	v30 =	vsel vm13, $0x1, v3  }
0x246: {  	vm14 =	vgt.f32 v58, v12;
	vm15 =	vgt.f32 v58, v13;
	vm4 =	vgt.f32 v27, v6  }
0x247: {  	vm5 =	vgt.f32 v27, v7;
	vm6 =	vgt.f32 v27, v8;
	vm8 =	vgt.f32 v27, v10  }
0x248: {  	vm9 =	vgt.f32 v27, v11;
	vm10 =	vgt.f32 v27, v12;
	vm12 =	vgt.f32 v36, v6  }
0x249: {  	vm13 =	vgt.f32 v36, v7;
	v14 =	vadd.s32 v19, v15;
	v15 =	vsel vm7, $0x1, v3  }
0x24a: {  	vm7 =	vgt.f32 v45, v9;
	v19 =	vadd.s32 v25, v24;
	v31 =	vsel vm14, $0x1, v3  }
0x24b: {  	v32 =	vsel vm15, $0x1, v3;
	v33 =	vsel vm4, $0x1, v3;
	v34 =	vsel vm5, $0x1, v3  }
0x24c: {  	v35 =	vsel vm6, $0x1, v3;
	v38 =	vsel vm8, $0x1, v3;
	v39 =	vsel vm9, $0x1, v3  }
0x24d: {  	v42 =	vsel vm12, $0x1, v3;
	v43 =	vsel vm13, $0x1, v3;
	vm14 =	vgt.f32 v36, v8  }
0x24e: {  	vm15 =	vgt.f32 v36, v9;
	vm4 =	vgt.f32 v36, v10;
	vm5 =	vgt.f32 v36, v11  }
0x24f: {  	vm6 =	vgt.f32 v36, v12;
	v14 =	vadd.s32 v20, v14;
	v50 =	vsel vm7, $0x1, v3  }
0x250: {  	v44 =	vld [tilespmem:s21+$0x30];
	v20 =	vadd.s32 v56, v55;
	vm7 =	vgt.f32 v49, v13;
	v19 =	vadd.s32 v26, v19  }
0x251: {  	v49 =	vsel vm6, $0x1, v3;
	v14 =	vadd.s32 v40, v14;
	v63 =	vsel vm7, $0x1, v3  }
0x252: {  	vm7 =	vgt.f32 v27, v9;
	v40 =	vsel vm10, $0x1, v3;
	v14 =	vadd.s32 v41, v14  }
0x253: {  	vm10 =	vgt.f32 v36, v13;
	v37 =	vsel vm7, $0x1, v3;
	v14 =	vadd.s32 v15, v14  }
0x254: {  	v15 =	vsel vm11, $0x1, v3;
	vm11 =	vgt.f32 v45, v13;
	v45 =	vsel vm14, $0x1, v3  }
0x255: {  	vm7 =	vgt.f32 v44, v6;
	vm8 =	vgt.f32 v44, v7;
	vm9 =	vgt.f32 v44, v8  }
0x256: {  	vm12 =	vgt.f32 v44, v10;
	vm13 =	vgt.f32 v44, v11;
	vm14 =	vgt.f32 v44, v12  }
0x257: {  	v14 =	vshll.u32 v14, $0xC;
	v15 =	vadd.s32 v15, v16;
	v16 =	vadd.s32 v47, v46  }
0x258: {  	v54 =	vsel vm11, $0x1, v3;
	vm11 =	vgt.f32 v58, v9;
	v46 =	vsel vm15, $0x1, v3  }
0x259: {  	s23 =	sadd.s32 $0xFFFFFF90, s20;
	v47 =	vsel vm4, $0x1, v3;
	v25 =	vsel vm8, $0x1, v3;
	v55 =	vsel vm13, $0x1, v3  }
0x25a: {  	v56 =	vsel vm14, $0x1, v3;
	vm15 =	vgt.f32 v44, v13;
	v14 =	vadd.s32 s23, v14  }
0x25b: {  	v15 =	vadd.s32 v21, v15;
	v16 =	vadd.s32 v48, v16;
	v28 =	vsel vm11, $0x1, v3  }
0x25c: {  	vm11 =	vgt.f32 v27, v13;
	v48 =	vsel vm5, $0x1, v3;
	v14 =	vadd.s32 v1, v14  }
0x25d: {  	v15 =	vadd.s32 v22, v15;
	v16 =	vadd.s32 v50, v16;
	v18 =	vadd.s32 v28, v19  }
0x25e: {  	v19 =	vadd.s32 v34, v33;
	v41 =	vsel vm11, $0x1, v3;
	v50 =	vsel vm7, $0x1, v3  }
0x25f: {  	vm11 =	vgt.f32 v44, v9;
	v15 =	vadd.s32 v23, v15;
	v16 =	vadd.s32 v51, v16  }
0x260: {  	v18 =	vadd.s32 v29, v18;
	v19 =	vadd.s32 v35, v19;
	v24 =	vand.u32 v4, v14  }
0x261: {  	v21 =	vadd.s32 v25, v50;
	v51 =	vsel vm9, $0x1, v3;
	v23 =	vsel vm10, $0x1, v3  }
0x262: {  	v15 =	vadd.s32 v17, v15;
	v16 =	vadd.s32 v52, v16;
	v17 =	vadd.s32 v57, v20  }
0x263: {  	v18 =	vadd.s32 v30, v18;
	v19 =	vadd.s32 v37, v19;
	v20 =	vadd.s32 v43, v42  }
0x264: {  	v21 =	vadd.s32 v51, v21;
	v52 =	vsel vm11, $0x1, v3;
	v16 =	vadd.s32 v53, v16  }
0x265: {  	v17 =	vadd.s32 v59, v17;
	v18 =	vadd.s32 v31, v18;
	v19 =	vadd.s32 v38, v19  }
0x266: {  	v20 =	vadd.s32 v45, v20;
	v15 =	vshll.u32 v15, $0xC;
	v21 =	vadd.s32 v52, v21  }
0x267: {  	s24 =	sadd.s32 $0xFFFFFFA0, s20;
	v16 =	vadd.s32 v54, v16;
	v17 =	vadd.s32 v60, v17;
	v18 =	vadd.s32 v32, v18  }
0x268: {  	v19 =	vadd.s32 v39, v19;
	v20 =	vadd.s32 v46, v20;
	v15 =	vadd.s32 s24, v15  }
0x269: {  	v54 =	vsel vm12, $0x1, v3;
	v17 =	vadd.s32 v61, v17;
	v19 =	vadd.s32 v40, v19  }
0x26a: {  	v20 =	vadd.s32 v47, v20;
	v16 =	vshll.u32 v16, $0xC;
	v17 =	vadd.s32 v62, v17  }
0x26b: {  	s25 =	sadd.s32 $0xFFFFFFB0, s20;
	v15 =	vadd.s32 v1, v15;
	v21 =	vadd.s32 v54, v21;
	v17 =	vadd.s32 v63, v17  }
0x26c: {  	s24 =	sadd.s32 $0xFFFFFFC0, s20;
	v18 =	vshll.u32 v18, $0xC;
	v16 =	vadd.s32 s25, v16;
	v17 =	vshll.u32 v17, $0xC  }
0x26d: {  	[tilespmem:s22+$0xFFFFFFC0] =	vst v14;
	v61 =	vsel vm15, $0x1, v3;
	v16 =	vadd.s32 v1, v16;
	v17 =	vadd.s32 s24, v17  }
0x26e: {  	v20 =	vadd.s32 v48, v20;
	[tilespmem:v24+s30+$0x0] =	vst.idx.msk $0xffff, v5;
	s25 =	sadd.s32 $0xFFFFFFD0, s20;
	v14 =	vand.u32 $0x7FFFFFAF, v16;
	v17 =	vadd.s32 v1, v17  }
0x26f: {  	v53 =	vand.u32 $0x7FFFFF9F, v15;
	[tilespmem:s22+$0xFFFFFFD0] =	vst v15;
	v18 =	vadd.s32 s25, v18;
	v15 =	vand.u32 $0x7FFFFFBF, v17  }
0x270: {  	v19 =	vadd.s32 v41, v19;
	v20 =	vadd.s32 v49, v20;
	v18 =	vadd.s32 v1, v18;
	[tilespmem:s22+$0xFFFFFFE0] =	vst v16  }
0x271: {  	v19 =	vshll.u32 v19, $0xC;
	v20 =	vadd.s32 v23, v20;
	s24 =	sadd.s32 $0xFFFFFFE0, s20;
	v58 =	vand.u32 $0x7FFFFFCF, v18;
	[tilespmem:s22+$0x0] =	vst v18  }
0x272: {  	v21 =	vadd.s32 v55, v21;
	s25 =	sadd.s32 $0xFFFFFFF0, s20;
	v59 =	vshll.u32 v20, $0xC;
	v19 =	vadd.s32 s24, v19;
	[tilespmem:s22+$0xFFFFFFF0] =	vst v17  }
0x273: {  	v57 =	vadd.s32 v56, v21;
	[tilespmem:v14+s30+$0x0] =	vst.idx.msk $0xffff, v5;
	v14 =	vadd.s32 v1, v19;
	v19 =	vadd.s32 s25, v59  }
0x274: {  	v60 =	vand.u32 $0x7FFFFFDF, v14;
	v62 =	vadd.s32 v1, v19;
	[tilespmem:v15+s30+$0x0] =	vst.idx.msk $0xffff, v5;
	v15 =	vadd.s32 v61, v57  }
0x275: {  	[tilespmem:v53+s30+$0x0] =	vst.idx.msk $0xffff, v5;
	v63 =	vand.u32 $0x7FFFFFEF, v62;
	v15 =	vshll.u32 v15, $0xC  }
0x276: {  	s6 =	sadd.s32 $0x8, s6;
	[tilespmem:v58+s30+$0x0] =	vst.idx.msk $0xffff, v5;
	v15 =	vadd.s32 s20, v15  }
0x277: {  	p0 =	slt.u32 s6, $0xF8;
	[tilespmem:s22+$0x10] =	vst v14;
	v14 =	vadd.s32 v1, v15  }
.Ltmp15:
0x278: {  	[tilespmem:s22+$0x20] =	vst v62;
	(pc) =	sbr.rel @p0 .LBB2_19-.Ltmp15, $4  }
0x279: {  	[tilespmem:v60+s30+$0x0] =	vst.idx.msk $0xffff, v5  }
0x27a: {  	[tilespmem:v63+s30+$0x0] =	vst.idx.msk $0xffff, v5  }
0x27b: {  	[tilespmem:s22+$0x30] =	vst v14  }
0x27c: {  	s21 =	sadd.s32 $0x80, s21;
	s20 =	sadd.s32 $0x80, s20;
	s22 =	sadd.s32 $0x80, s22;
	[tilespmem:v14+s30+$0x0] =	vst.idx.msk $0xffff, v5  }
.Ltmp16:
0x27d: {  	_ = 	snop;
	(pc) =	sbr.rel .LBB2_20-.Ltmp16, $1  }
0x27e: {  	_ =	sdelay $0x3  }
.LBB2_22:
0x27f: {  	_ =	sfence.sel $0x180000  }
0x280: {  	[bflag:$0x0] =	sbarrier.arrive $0xFFFF  }
0x281: {  	_ =	strace $0x90000047  }
0x282: {  	s0 =	stileid.u32;
	[bflag:$0x2] =	sbarrier.arrive $0xFFFF  }
0x283: {  	p0 =	sne.s32 s0, $0x0;
	s0 =	rddreg [dreg:$0x3]  }
0x284: {  	s0 =	sadd.s32 @!p0 $0x100000, s0  }
0x285: {  	[sflag:s0] =	ssyncadd.tile.s32 @!p0 $0x1;
	_ =	shalt  }
.Lfunc_end2:
_tile_overlayer_lowered:
.L_overlay_start_2:
0x286: {  	(tag) =	ssettag $0x2  }
0x287: {  	s0 =	rddreg [dreg:$0x0];
	s2 =	stileid.u32  }
0x288: {  	s1 =	rddreg [dreg:$0x1];
	p0 =	sne.s32 s2, $0x0  }
0x289: {  	s3 =	rddreg [dreg:$0x2];
	[bflag:$0x3] =	sbarrier.arrive $0xFFFF;
	s2 =	simm.s32 @!p0 $0x1C05  }
0x28a: {  	[timem:s3], [sflag:s2] =	dma.local @!p0 [hbm:s0], s1  }
0x28b: {  	s0 =	simm.s32 @!p0 $0x5  }
0x28c: {  	_ =	swait.ge @!p0 [sflag:s0], s1  }
0x28d: {  	s1 =	ssub.s32 @!p0 $0x0, s1;
	[sflag:s0] =	ssyncset.done @!p0 $0x0  }
0x28e: {  	[sflag:s0] =	ssyncadd.s32 @!p0 s1  }
0x28f: {  	[bflag:$0x3] =	sbarrier.arrive $0xFFFF  }
0x290: {  	_ =	shalt  }

</sc_bundles>
